<compile_context>
chip_gen: v7x
topology: tpu7x:2x2x1
jax: 0.10.2.dev20260603
libtpu: 0.0.44.dev20260713+nightly
codegen_flags: <defaults>
</compile_context>

<pallas_src>
import functools

import jax
import jax.numpy as jnp
from jax import lax
from jax.experimental import pallas as pl
from jax.experimental.pallas import tpu as pltpu
from jax.experimental.pallas import tpu_sc as plsc

NC = 2
NS = 16
NW = NC * NS
L = 16
CKR = 128
CHS = 64
UNR = 8


def kernel(mem, idx, val, pred):
    M, D = mem.shape
    B = idx.shape[0]
    per = (M // (NW * 2 * CKR)) * (2 * CKR)
    span = M - (NW - 1) * per
    npairs = per // (2 * CKR)
    tail = span - per
    n_groups = B // L

    mesh = plsc.VectorSubcoreMesh(core_axis_name="c", subcore_axis_name="s")

    @functools.partial(
        pl.kernel,
        out_type=jax.ShapeDtypeStruct((M, D), mem.dtype),
        mesh=mesh,
        compiler_params=pltpu.CompilerParams(needs_layout_passes=False,
                                             skip_device_barrier=True),
        scratch_types=[
            pltpu.VMEM((B,), jnp.int32),
            pltpu.VMEM((span,), jnp.int32),
            pltpu.VMEM((B + L,), jnp.int32),
            pltpu.VMEM((B + L,), jnp.int32),
            pltpu.VMEM((L,), jnp.int32),
            pltpu.VMEM((CHS, 32), jnp.float32),
            pltpu.VMEM((CKR, 32), jnp.float32),
            pltpu.VMEM((CKR, 32), jnp.float32),
            pltpu.SemaphoreType.DMA,
            pltpu.SemaphoreType.DMA,
            pltpu.SemaphoreType.DMA,
            pltpu.SemaphoreType.DMA,
            pltpu.SemaphoreType.DMA,
            pltpu.SemaphoreType.DMA,
        ],
    )
    def _buf(mem_h, idx_h, val_h, pred_h, out_h,
             idx_v, tag_v, mb_v, mr_v, pred_s, stage_v, cb0, cb1,
             isem0, isem1, osem0, osem1, gsem, ssem):
        wid = lax.axis_index("s") * NC + lax.axis_index("c")
        lo = wid * per
        is_last = wid == NW - 1

        cbufs = (cb0, cb1)
        isems = (isem0, isem1)
        osems = (osem0, osem1)

        def in_cp(g, b):
            return pltpu.make_async_copy(
                mem_h.at[pl.ds(lo + g * CKR, CKR), :], cbufs[b], isems[b])

        def out_cp(g, b):
            return pltpu.make_async_copy(
                cbufs[b], out_h.at[pl.ds(lo + g * CKR, CKR), :], osems[b])

        in_cp(jnp.int32(0), 0).start()
        pltpu.sync_copy(pred_h, pred_s.at[pl.ds(0, 1)])
        pltpu.sync_copy(idx_h, idx_v)
        p_ok = pred_s[pl.ds(0, L)][0] != 0
        hi0 = lax.select(is_last, jnp.int32(M), jnp.int32(lo + per))
        hi = lax.select(p_ok, hi0, jnp.int32(lo))
        _ones = jnp.full((L,), 1, jnp.int32)
        _zeros = jnp.zeros((L,), jnp.int32)
        _neg = jnp.full((L,), -1, jnp.int32)
        half = npairs // 2
        ncl = (per // L + half - 1) // half
        nsc = (n_groups + (npairs - half) - 1) // (npairs - half)

        def clear_body(j, carry):
            tag_v[pl.ds(j * L, L)] = _neg
            return carry

        def scan_body(i, carry):
            v = idx_v[pl.ds(i * L, L)]
            b_vec = lax.iota(jnp.int32, L) + i * L
            m = (v >= lo) & (v < hi)
            plsc.store_scatter(tag_v, [v - lo], b_vec, mask=m)
            return carry

        def copy_body(p, carry):
            g0 = p * 2
            in_cp(g0, 0).wait()

            @pl.when(p > 0)
            def _w1():
                out_cp(g0, 1).wait()
            in_cp(g0 + 1, 1).start()
            out_cp(g0, 0).start()
            in_cp(g0 + 1, 1).wait()

            @pl.when(p + 1 < npairs)
            def _w0():
                out_cp(g0, 0).wait()
                in_cp(g0 + 2, 0).start()
            out_cp(g0 + 1, 1).start()

            @pl.when(p < half)
            def _cl():
                def b1(k, c3):
                    j = p * ncl + k
                    @pl.when(j < per // L)
                    def _():
                        clear_body(j, c3)
                    return c3
                lax.fori_loop(0, ncl, b1, jnp.int32(0), unroll=ncl)
                if span != per:
                    @pl.when((p == half - 1) & is_last)
                    def _ctail():
                        lax.fori_loop(per // L, span // L, clear_body,
                                      jnp.int32(0), unroll=UNR)

            @pl.when(p >= half)
            def _sc():
                def b2(k, c3):
                    i = (p - half) * nsc + k
                    @pl.when(i < n_groups)
                    def _():
                        scan_body(i, c3)
                    return c3
                lax.fori_loop(0, nsc, b2, jnp.int32(0), unroll=nsc)
            return carry

        lax.fori_loop(0, npairs, copy_body, jnp.int32(0))
        out_cp(jnp.int32(0), 0).wait()
        out_cp(jnp.int32(0), 1).wait()

        if tail:
            @pl.when(is_last)
            def _tail():
                toff = per * NW
                left = tail
                off = 0
                while left:
                    csz = min(CKR, left)
                    pltpu.sync_copy(mem_h.at[pl.ds(toff + off, csz), :],
                                    cb0.at[pl.ds(0, csz), :])
                    pltpu.sync_copy(cb0.at[pl.ds(0, csz), :],
                                    out_h.at[pl.ds(toff + off, csz), :])
                    off += csz
                    left -= csz


        def gather_body(j, cur):
            t = tag_v[pl.ds(j * L, L)]
            m2 = t >= 0
            rows_vec = lax.iota(jnp.int32, L) + (lo + j * L)
            c = plsc.cumsum(jnp.where(m2, _ones, _zeros))
            posn = cur + c - 1
            plsc.store_scatter(mb_v, [posn], t, mask=m2)
            plsc.store_scatter(mr_v, [posn], rows_vec, mask=m2)
            return cur + c[L - 1]

        n0 = lax.fori_loop(0, per // L, gather_body, jnp.int32(0),
                           unroll=UNR)
        if span != per:
            n = lax.cond(is_last,
                         lambda a: lax.fori_loop(per // L, span // L,
                                                 gather_body, a, unroll=UNR),
                         lambda a: a, n0)
        else:
            n = n0

        def chunk_body(c, carry):
            base = c * CHS
            cnt = lax.min(jnp.int32(CHS), n - base)

            def gfire(k, c2):
                b = mb_v[pl.ds(base + k, L)][0]
                pltpu.async_copy(val_h.at[pl.ds(b, 1), :],
                                 stage_v.at[pl.ds(k, 1), :], gsem)
                return c2

            lax.fori_loop(0, cnt, gfire, jnp.int32(0))

            def gdrain(k, c2):
                pltpu.make_async_copy(val_h.at[pl.ds(0, 1), :],
                                      stage_v.at[pl.ds(0, 1), :], gsem).wait()
                return c2

            lax.fori_loop(0, cnt, gdrain, jnp.int32(0))

            def sfire(k, c2):
                r = mr_v[pl.ds(base + k, L)][0]
                pltpu.async_copy(stage_v.at[pl.ds(k, 1), :],
                                 out_h.at[pl.ds(r, 1), :], ssem)
                return c2

            lax.fori_loop(0, cnt, sfire, jnp.int32(0))

            def sdrain(k, c2):
                pltpu.make_async_copy(stage_v.at[pl.ds(0, 1), :],
                                      out_h.at[pl.ds(0, 1), :], ssem).wait()
                return c2

            lax.fori_loop(0, cnt, sdrain, jnp.int32(0))
            return carry

        nchk = (n + (CHS - 1)) // CHS
        lax.fori_loop(0, nchk, chunk_body, jnp.int32(0))

    return _buf(mem, idx, val, pred.astype(jnp.int32))

# --- scband reference (transcript-rebuilt; emitter-appended) ---
"""Pipeline reference for scband-buffer-26534307955245 (READ-ONLY COPY).

The authoritative reference and input builder live on the scoring server;
editing this copy changes nothing except your own understanding.
"""

import jax, jax.numpy as jnp
import numpy as np

M = 1000000
D = 32
B = 16384

def setup_inputs(seed: int = 0) -> dict:
    key = jax.random.key(seed)
    k1, k2, k3 = jax.random.split(key, 3)
    mem = jax.random.normal(k1, (M, D), dtype=jnp.float32)
    idx = jax.random.randint(k2, (B,), 0, M, dtype=jnp.int32)
    val = jax.random.normal(k3, (B, D), dtype=jnp.float32)
    pred = jnp.ones((1,), dtype=jnp.bool_)
    return {"mem": mem, "idx": idx, "val": val, "pred": pred}

def reference(mem, idx, val, pred):
    # Faithful semantics of _Buffer.at[i].set(x, pred=...) -> _maybe_set:
    #   x_sel = select(pred, x, xs.at[i].get())
    #   out   = xs.at[i].set(x_sel)
    # i.e. a predicated scatter-overwrite into a large memory buffer.
    p = jnp.reshape(pred, ())  # boolean scalar predicate
    gathered = mem[idx]                      # gather current contents at write locations
    x_sel = jnp.where(p, val, gathered)      # select new value if pred else keep old
    out = mem.at[idx].set(x_sel)             # scatter-overwrite (each slot written at most once assumed)
    return out

if __name__ == "__main__":
    import jax
    _d = setup_inputs()
    print(jax.jit(kernel)(*tuple(_d.values())))

</pallas_src>

<mosaic_0001>
#map = affine_map<(d0, d1) -> (0, 0)>
#map1 = affine_map<(d0, d1) -> (0)>
module attributes {stable_mosaic.version = 14 : i64} {
  func.func @_buf(%arg0: i32, %arg1: i32, %arg2: memref<1000000x32xf32, #tpu.memory_space<hbm>>, %arg3: memref<16384xi32, #tpu.memory_space<hbm>>, %arg4: memref<16384x32xf32, #tpu.memory_space<hbm>>, %arg5: memref<1xi32, #tpu.memory_space<hbm>>, %arg6: memref<1000000x32xf32, #tpu.memory_space<hbm>>, %arg7: memref<16384xi32, #tpu.memory_space<vmem>>, %arg8: memref<31808xi32, #tpu.memory_space<vmem>>, %arg9: memref<16400xi32, #tpu.memory_space<vmem>>, %arg10: memref<16400xi32, #tpu.memory_space<vmem>>, %arg11: memref<16xi32, #tpu.memory_space<vmem>>, %arg12: memref<64x32xf32, #tpu.memory_space<vmem>>, %arg13: memref<128x32xf32, #tpu.memory_space<vmem>>, %arg14: memref<128x32xf32, #tpu.memory_space<vmem>>, %arg15: memref<!tpu.dma_semaphore, #tpu.memory_space<semaphore_mem>>, %arg16: memref<!tpu.dma_semaphore, #tpu.memory_space<semaphore_mem>>, %arg17: memref<!tpu.dma_semaphore, #tpu.memory_space<semaphore_mem>>, %arg18: memref<!tpu.dma_semaphore, #tpu.memory_space<semaphore_mem>>, %arg19: memref<!tpu.dma_semaphore, #tpu.memory_space<semaphore_mem>>, %arg20: memref<!tpu.dma_semaphore, #tpu.memory_space<semaphore_mem>>) attributes {dimension_semantics = [#tpu.dimension_semantics<core_parallel>, #tpu.dimension_semantics<subcore_parallel>], iteration_bounds = array<i64: 2, 16>, scalar_prefetch = 0 : i64, scratch_operands = 14 : i64, tpu.core_type = #tpu.core_type<sc_vector_subcore>, window_params = [{transform_indices = #map}, {transform_indices = #map1}, {transform_indices = #map}, {transform_indices = #map1}, {transform_indices = #map}]} {
    %mul3A = arith.constant 2 : i32
    %mul3A_0 = arith.muli %arg1, %mul3A : i32
    %add3A = arith.addi %mul3A_0, %arg0 : i32
    %mul3A_1 = arith.constant 31232 : i32
    %mul3A_2 = arith.muli %add3A, %mul3A_1 : i32
    %eq3A = arith.constant 31 : i32
    %eq3A_3 = arith.cmpi eq, %add3A, %eq3A : i32
    %mul3A_4 = arith.constant 0 : i32
    %mul3A_5 = arith.constant 128 : i32
    %mul3A_6 = arith.muli %mul3A_4, %mul3A_5 : i32
    %add3A_7 = arith.addi %mul3A_2, %mul3A_6 : i32
    %dma_start3A = arith.constant 0 : i32
    %dma_start3A_8 = tpu.memref_slice %arg2[%add3A_7, %dma_start3A] : memref<1000000x32xf32, #tpu.memory_space<hbm>> -> memref<128x32xf32, #tpu.memory_space<hbm>>
    %dma_start3A_9 = arith.constant 0 : i32
    %dma_start3A_10 = tpu.memref_slice %arg2[%add3A_7, %dma_start3A_9] : memref<1000000x32xf32, #tpu.memory_space<hbm>> -> memref<128x32xf32, #tpu.memory_space<hbm>>
    tpu.enqueue_dma source(%dma_start3A_10 : memref<128x32xf32, #tpu.memory_space<hbm>>) target(%arg13 : memref<128x32xf32, #tpu.memory_space<vmem>>) target_semaphore(%arg15 : memref<!tpu.dma_semaphore, #tpu.memory_space<semaphore_mem>>)
    "tpu.region"() ({
      %run_scoped3A = tpu.sem_alloc : memref<!tpu.dma_semaphore, #tpu.memory_space<semaphore_mem>>
      %dma_start3A_83 = arith.constant 0 : i32
      %dma_start3A_84 = tpu.memref_slice %arg11[%dma_start3A_83] : memref<16xi32, #tpu.memory_space<vmem>> -> memref<1xi32, #tpu.memory_space<vmem>>
      %dma_start3A_85 = arith.constant 0 : i32
      %dma_start3A_86 = tpu.memref_slice %arg11[%dma_start3A_85] : memref<16xi32, #tpu.memory_space<vmem>> -> memref<1xi32, #tpu.memory_space<vmem>>
      tpu.enqueue_dma source(%arg5 : memref<1xi32, #tpu.memory_space<hbm>>) target(%dma_start3A_86 : memref<1xi32, #tpu.memory_space<vmem>>) target_semaphore(%run_scoped3A : memref<!tpu.dma_semaphore, #tpu.memory_space<semaphore_mem>>)
      %dma_wait3A_87 = arith.constant 0 : i32
      %dma_wait3A_88 = tpu.memref_slice %arg11[%dma_wait3A_87] : memref<16xi32, #tpu.memory_space<vmem>> -> memref<1xi32, #tpu.memory_space<vmem>>
      %dma_wait3A_89 = arith.constant 0 : i32
      %dma_wait3A_90 = tpu.memref_slice %arg11[%dma_wait3A_89] : memref<16xi32, #tpu.memory_space<vmem>> -> memref<1xi32, #tpu.memory_space<vmem>>
      tpu.wait_dma2 semaphore(%run_scoped3A : memref<!tpu.dma_semaphore, #tpu.memory_space<semaphore_mem>>) src(%arg5 : memref<1xi32, #tpu.memory_space<hbm>>) dst(%dma_wait3A_90 : memref<1xi32, #tpu.memory_space<vmem>>)
      tpu.yield
    }) : () -> ()
    "tpu.region"() ({
      %run_scoped3A = tpu.sem_alloc : memref<!tpu.dma_semaphore, #tpu.memory_space<semaphore_mem>>
      tpu.enqueue_dma source(%arg3 : memref<16384xi32, #tpu.memory_space<hbm>>) target(%arg7 : memref<16384xi32, #tpu.memory_space<vmem>>) target_semaphore(%run_scoped3A : memref<!tpu.dma_semaphore, #tpu.memory_space<semaphore_mem>>)
      tpu.wait_dma2 semaphore(%run_scoped3A : memref<!tpu.dma_semaphore, #tpu.memory_space<semaphore_mem>>) src(%arg3 : memref<16384xi32, #tpu.memory_space<hbm>>) dst(%arg7 : memref<16384xi32, #tpu.memory_space<vmem>>)
      tpu.yield
    }) : () -> ()
    %get3A = arith.constant 0 : index
    %get3A_11 = tpu.vector_load %arg11[%get3A] {strides = array<i32>} : memref<16xi32, #tpu.memory_space<vmem>>, vector<16xi32>,
    %slice3A = vector.extract_strided_slice %get3A_11 {offsets = [0], sizes = [1], strides = [1]} : vector<16xi32> to vector<1xi32>
    %squeeze3A = vector.extract %slice3A[0] : i32 from vector<1xi32>
    %ne3A = arith.constant 0 : i32
    %ne3A_12 = arith.cmpi ne, %squeeze3A, %ne3A : i32
    %add3A_13 = arith.constant 31232 : i32
    %add3A_14 = arith.addi %mul3A_2, %add3A_13 : i32
    %select_n3A = arith.constant 1000000 : i32
    %select_n3A_15 = arith.select %eq3A_3, %select_n3A, %add3A_14 : i32
    %select_n3A_16 = arith.select %ne3A_12, %select_n3A_15, %mul3A_2 : i32
    %broadcast_in_dim3A = arith.constant 1 : i32
    %broadcast_in_dim3A_17 = vector.broadcast %broadcast_in_dim3A : i32 to vector<16xi32>
    %broadcast_in_dim3A_18 = arith.constant 0 : i32
    %broadcast_in_dim3A_19 = vector.broadcast %broadcast_in_dim3A_18 : i32 to vector<16xi32>
    %broadcast_in_dim3A_20 = arith.constant -1 : i32
    %broadcast_in_dim3A_21 = vector.broadcast %broadcast_in_dim3A_20 : i32 to vector<16xi32>
    %scan3A = arith.constant 0 : i32
    %scan3A_22 = arith.constant 0 : i32
    %scan3A_23 = arith.constant 122 : i32
    %scan3A_24 = arith.addi %scan3A_22, %scan3A_23 : i32
    %scan3A_25 = arith.constant 1 : i32
    scf.for %scan3A_83 = %scan3A_22 to %scan3A_24 step %scan3A_25  : i32 {
      %mul3A_84 = arith.constant 2 : i32
      %mul3A_85 = arith.muli %scan3A_83, %mul3A_84 : i32
      %mul3A_86 = arith.constant 128 : i32
      %mul3A_87 = arith.muli %mul3A_85, %mul3A_86 : i32
      %add3A_88 = arith.addi %mul3A_2, %mul3A_87 : i32
      %dma_wait3A_89 = arith.constant 0 : i32
      %dma_wait3A_90 = tpu.memref_slice %arg2[%add3A_88, %dma_wait3A_89] : memref<1000000x32xf32, #tpu.memory_space<hbm>> -> memref<128x32xf32, #tpu.memory_space<hbm>>
      %dma_wait3A_91 = arith.constant 0 : i32
      %dma_wait3A_92 = tpu.memref_slice %arg2[%add3A_88, %dma_wait3A_91] : memref<1000000x32xf32, #tpu.memory_space<hbm>> -> memref<128x32xf32, #tpu.memory_space<hbm>>
      tpu.wait_dma2 semaphore(%arg15 : memref<!tpu.dma_semaphore, #tpu.memory_space<semaphore_mem>>) src(%dma_wait3A_92 : memref<128x32xf32, #tpu.memory_space<hbm>>) dst(%arg13 : memref<128x32xf32, #tpu.memory_space<vmem>>)
      %gt3A = arith.constant 0 : i32
      %gt3A_93 = arith.cmpi sgt, %scan3A_83, %gt3A : i32
      %convert_element_type3A_94 = arith.extui %gt3A_93 : i1 to i32
      %cond3A_95 = arith.constant 0 : i32
      %cond3A_96 = arith.cmpi ne, %convert_element_type3A_94, %cond3A_95 : i32
      scf.if %cond3A_96 {
        %mul3A_146 = arith.constant 128 : i32
        %mul3A_147 = arith.muli %mul3A_85, %mul3A_146 : i32
        %add3A_148 = arith.addi %mul3A_2, %mul3A_147 : i32
        %dma_wait3A_149 = arith.constant 0 : i32
        %dma_wait3A_150 = tpu.memref_slice %arg6[%add3A_148, %dma_wait3A_149] : memref<1000000x32xf32, #tpu.memory_space<hbm>> -> memref<128x32xf32, #tpu.memory_space<hbm>>
        %dma_wait3A_151 = arith.constant 0 : i32
        %dma_wait3A_152 = tpu.memref_slice %arg6[%add3A_148, %dma_wait3A_151] : memref<1000000x32xf32, #tpu.memory_space<hbm>> -> memref<128x32xf32, #tpu.memory_space<hbm>>
        tpu.wait_dma2 semaphore(%arg18 : memref<!tpu.dma_semaphore, #tpu.memory_space<semaphore_mem>>) src(%arg14 : memref<128x32xf32, #tpu.memory_space<vmem>>) dst(%dma_wait3A_152 : memref<128x32xf32, #tpu.memory_space<hbm>>)
      } else {
      }
      %add3A_97 = arith.constant 1 : i32
      %add3A_98 = arith.addi %mul3A_85, %add3A_97 : i32
      %mul3A_99 = arith.constant 128 : i32
      %mul3A_100 = arith.muli %add3A_98, %mul3A_99 : i32
      %add3A_101 = arith.addi %mul3A_2, %mul3A_100 : i32
      %dma_start3A_102 = arith.constant 0 : i32
      %dma_start3A_103 = tpu.memref_slice %arg2[%add3A_101, %dma_start3A_102] : memref<1000000x32xf32, #tpu.memory_space<hbm>> -> memref<128x32xf32, #tpu.memory_space<hbm>>
      %dma_start3A_104 = arith.constant 0 : i32
      %dma_start3A_105 = tpu.memref_slice %arg2[%add3A_101, %dma_start3A_104] : memref<1000000x32xf32, #tpu.memory_space<hbm>> -> memref<128x32xf32, #tpu.memory_space<hbm>>
      tpu.enqueue_dma source(%dma_start3A_105 : memref<128x32xf32, #tpu.memory_space<hbm>>) target(%arg14 : memref<128x32xf32, #tpu.memory_space<vmem>>) target_semaphore(%arg16 : memref<!tpu.dma_semaphore, #tpu.memory_space<semaphore_mem>>)
      %mul3A_106 = arith.constant 128 : i32
      %mul3A_107 = arith.muli %mul3A_85, %mul3A_106 : i32
      %add3A_108 = arith.addi %mul3A_2, %mul3A_107 : i32
      %dma_start3A_109 = arith.constant 0 : i32
      %dma_start3A_110 = tpu.memref_slice %arg6[%add3A_108, %dma_start3A_109] : memref<1000000x32xf32, #tpu.memory_space<hbm>> -> memref<128x32xf32, #tpu.memory_space<hbm>>
      %dma_start3A_111 = arith.constant 0 : i32
      %dma_start3A_112 = tpu.memref_slice %arg6[%add3A_108, %dma_start3A_111] : memref<1000000x32xf32, #tpu.memory_space<hbm>> -> memref<128x32xf32, #tpu.memory_space<hbm>>
      tpu.enqueue_dma source(%arg13 : memref<128x32xf32, #tpu.memory_space<vmem>>) target(%dma_start3A_112 : memref<128x32xf32, #tpu.memory_space<hbm>>) target_semaphore(%arg17 : memref<!tpu.dma_semaphore, #tpu.memory_space<semaphore_mem>>)
      %add3A_113 = arith.constant 1 : i32
      %add3A_114 = arith.addi %mul3A_85, %add3A_113 : i32
      %mul3A_115 = arith.constant 128 : i32
      %mul3A_116 = arith.muli %add3A_114, %mul3A_115 : i32
      %add3A_117 = arith.addi %mul3A_2, %mul3A_116 : i32
      %dma_wait3A_118 = arith.constant 0 : i32
      %dma_wait3A_119 = tpu.memref_slice %arg2[%add3A_117, %dma_wait3A_118] : memref<1000000x32xf32, #tpu.memory_space<hbm>> -> memref<128x32xf32, #tpu.memory_space<hbm>>
      %dma_wait3A_120 = arith.constant 0 : i32
      %dma_wait3A_121 = tpu.memref_slice %arg2[%add3A_117, %dma_wait3A_120] : memref<1000000x32xf32, #tpu.memory_space<hbm>> -> memref<128x32xf32, #tpu.memory_space<hbm>>
      tpu.wait_dma2 semaphore(%arg16 : memref<!tpu.dma_semaphore, #tpu.memory_space<semaphore_mem>>) src(%dma_wait3A_121 : memref<128x32xf32, #tpu.memory_space<hbm>>) dst(%arg14 : memref<128x32xf32, #tpu.memory_space<vmem>>)
      %add3A_122 = arith.constant 1 : i32
      %add3A_123 = arith.addi %scan3A_83, %add3A_122 : i32
      %lt3A = arith.constant 122 : i32
      %lt3A_124 = arith.cmpi slt, %add3A_123, %lt3A : i32
      %convert_element_type3A_125 = arith.extui %lt3A_124 : i1 to i32
      %cond3A_126 = arith.constant 0 : i32
      %cond3A_127 = arith.cmpi ne, %convert_element_type3A_125, %cond3A_126 : i32
      scf.if %cond3A_127 {
        %mul3A_146 = arith.constant 128 : i32
        %mul3A_147 = arith.muli %mul3A_85, %mul3A_146 : i32
        %add3A_148 = arith.addi %mul3A_2, %mul3A_147 : i32
        %dma_wait3A_149 = arith.constant 0 : i32
        %dma_wait3A_150 = tpu.memref_slice %arg6[%add3A_148, %dma_wait3A_149] : memref<1000000x32xf32, #tpu.memory_space<hbm>> -> memref<128x32xf32, #tpu.memory_space<hbm>>
        %dma_wait3A_151 = arith.constant 0 : i32
        %dma_wait3A_152 = tpu.memref_slice %arg6[%add3A_148, %dma_wait3A_151] : memref<1000000x32xf32, #tpu.memory_space<hbm>> -> memref<128x32xf32, #tpu.memory_space<hbm>>
        tpu.wait_dma2 semaphore(%arg17 : memref<!tpu.dma_semaphore, #tpu.memory_space<semaphore_mem>>) src(%arg13 : memref<128x32xf32, #tpu.memory_space<vmem>>) dst(%dma_wait3A_152 : memref<128x32xf32, #tpu.memory_space<hbm>>)
        %add3A_153 = arith.constant 2 : i32
        %add3A_154 = arith.addi %mul3A_85, %add3A_153 : i32
        %mul3A_155 = arith.constant 128 : i32
        %mul3A_156 = arith.muli %add3A_154, %mul3A_155 : i32
        %add3A_157 = arith.addi %mul3A_2, %mul3A_156 : i32
        %dma_start3A_158 = arith.constant 0 : i32
        %dma_start3A_159 = tpu.memref_slice %arg2[%add3A_157, %dma_start3A_158] : memref<1000000x32xf32, #tpu.memory_space<hbm>> -> memref<128x32xf32, #tpu.memory_space<hbm>>
        %dma_start3A_160 = arith.constant 0 : i32
        %dma_start3A_161 = tpu.memref_slice %arg2[%add3A_157, %dma_start3A_160] : memref<1000000x32xf32, #tpu.memory_space<hbm>> -> memref<128x32xf32, #tpu.memory_space<hbm>>
        tpu.enqueue_dma source(%dma_start3A_161 : memref<128x32xf32, #tpu.memory_space<hbm>>) target(%arg13 : memref<128x32xf32, #tpu.memory_space<vmem>>) target_semaphore(%arg15 : memref<!tpu.dma_semaphore, #tpu.memory_space<semaphore_mem>>)
      } else {
      }
      %add3A_128 = arith.constant 1 : i32
      %add3A_129 = arith.addi %mul3A_85, %add3A_128 : i32
      %mul3A_130 = arith.constant 128 : i32
      %mul3A_131 = arith.muli %add3A_129, %mul3A_130 : i32
      %add3A_132 = arith.addi %mul3A_2, %mul3A_131 : i32
      %dma_start3A_133 = arith.constant 0 : i32
      %dma_start3A_134 = tpu.memref_slice %arg6[%add3A_132, %dma_start3A_133] : memref<1000000x32xf32, #tpu.memory_space<hbm>> -> memref<128x32xf32, #tpu.memory_space<hbm>>
      %dma_start3A_135 = arith.constant 0 : i32
      %dma_start3A_136 = tpu.memref_slice %arg6[%add3A_132, %dma_start3A_135] : memref<1000000x32xf32, #tpu.memory_space<hbm>> -> memref<128x32xf32, #tpu.memory_space<hbm>>
      tpu.enqueue_dma source(%arg14 : memref<128x32xf32, #tpu.memory_space<vmem>>) target(%dma_start3A_136 : memref<128x32xf32, #tpu.memory_space<hbm>>) target_semaphore(%arg18 : memref<!tpu.dma_semaphore, #tpu.memory_space<semaphore_mem>>)
      %lt3A_137 = arith.constant 61 : i32
      %lt3A_138 = arith.cmpi slt, %scan3A_83, %lt3A_137 : i32
      %convert_element_type3A_139 = arith.extui %lt3A_138 : i1 to i32
      %cond3A_140 = arith.constant 0 : i32
      %cond3A_141 = arith.cmpi ne, %convert_element_type3A_139, %cond3A_140 : i32
      scf.if %cond3A_141 {
        %scan3A_146 = arith.constant 0 : i32
        %scan3A_147 = arith.constant 0 : i32
        %mul3A_148 = arith.constant 32 : i32
        %mul3A_149 = arith.muli %scan3A_83, %mul3A_148 : i32
        %add3A_150 = arith.addi %mul3A_149, %scan3A_147 : i32
        %lt3A_151 = arith.constant 1952 : i32
        %lt3A_152 = arith.cmpi slt, %add3A_150, %lt3A_151 : i32
        %convert_element_type3A_153 = arith.extui %lt3A_152 : i1 to i32
        %cond3A_154 = arith.constant 0 : i32
        %cond3A_155 = arith.cmpi ne, %convert_element_type3A_153, %cond3A_154 : i32
        scf.if %cond3A_155 {
          %mul3A_442 = arith.constant 16 : i32
          %mul3A_443 = arith.muli %add3A_150, %mul3A_442 : i32
          %swap3A = arith.index_cast %mul3A_443 : i32 to index
          %swap3A_444 = tpu.vector_load %arg8[%swap3A] {strides = array<i32>} : memref<31808xi32, #tpu.memory_space<vmem>>, vector<16xi32>,
          tpu.vector_store %arg8[%swap3A], %broadcast_in_dim3A_21 {strides = array<i32>} : memref<31808xi32, #tpu.memory_space<vmem>>, vector<16xi32>,
        } else {
        }
        %scan3A_156 = arith.constant 1 : i32
        %mul3A_157 = arith.constant 32 : i32
        %mul3A_158 = arith.muli %scan3A_83, %mul3A_157 : i32
        %add3A_159 = arith.addi %mul3A_158, %scan3A_156 : i32
        %lt3A_160 = arith.constant 1952 : i32
        %lt3A_161 = arith.cmpi slt, %add3A_159, %lt3A_160 : i32
        %convert_element_type3A_162 = arith.extui %lt3A_161 : i1 to i32
        %cond3A_163 = arith.constant 0 : i32
        %cond3A_164 = arith.cmpi ne, %convert_element_type3A_162, %cond3A_163 : i32
        scf.if %cond3A_164 {
          %mul3A_442 = arith.constant 16 : i32
          %mul3A_443 = arith.muli %add3A_159, %mul3A_442 : i32
          %swap3A = arith.index_cast %mul3A_443 : i32 to index
          %swap3A_444 = tpu.vector_load %arg8[%swap3A] {strides = array<i32>} : memref<31808xi32, #tpu.memory_space<vmem>>, vector<16xi32>,
          tpu.vector_store %arg8[%swap3A], %broadcast_in_dim3A_21 {strides = array<i32>} : memref<31808xi32, #tpu.memory_space<vmem>>, vector<16xi32>,
        } else {
        }
        %scan3A_165 = arith.constant 2 : i32
        %mul3A_166 = arith.constant 32 : i32
        %mul3A_167 = arith.muli %scan3A_83, %mul3A_166 : i32
        %add3A_168 = arith.addi %mul3A_167, %scan3A_165 : i32
        %lt3A_169 = arith.constant 1952 : i32
        %lt3A_170 = arith.cmpi slt, %add3A_168, %lt3A_169 : i32
        %convert_element_type3A_171 = arith.extui %lt3A_170 : i1 to i32
        %cond3A_172 = arith.constant 0 : i32
        %cond3A_173 = arith.cmpi ne, %convert_element_type3A_171, %cond3A_172 : i32
        scf.if %cond3A_173 {
          %mul3A_442 = arith.constant 16 : i32
          %mul3A_443 = arith.muli %add3A_168, %mul3A_442 : i32
          %swap3A = arith.index_cast %mul3A_443 : i32 to index
          %swap3A_444 = tpu.vector_load %arg8[%swap3A] {strides = array<i32>} : memref<31808xi32, #tpu.memory_space<vmem>>, vector<16xi32>,
          tpu.vector_store %arg8[%swap3A], %broadcast_in_dim3A_21 {strides = array<i32>} : memref<31808xi32, #tpu.memory_space<vmem>>, vector<16xi32>,
        } else {
        }
        %scan3A_174 = arith.constant 3 : i32
        %mul3A_175 = arith.constant 32 : i32
        %mul3A_176 = arith.muli %scan3A_83, %mul3A_175 : i32
        %add3A_177 = arith.addi %mul3A_176, %scan3A_174 : i32
        %lt3A_178 = arith.constant 1952 : i32
        %lt3A_179 = arith.cmpi slt, %add3A_177, %lt3A_178 : i32
        %convert_element_type3A_180 = arith.extui %lt3A_179 : i1 to i32
        %cond3A_181 = arith.constant 0 : i32
        %cond3A_182 = arith.cmpi ne, %convert_element_type3A_180, %cond3A_181 : i32
        scf.if %cond3A_182 {
          %mul3A_442 = arith.constant 16 : i32
          %mul3A_443 = arith.muli %add3A_177, %mul3A_442 : i32
          %swap3A = arith.index_cast %mul3A_443 : i32 to index
          %swap3A_444 = tpu.vector_load %arg8[%swap3A] {strides = array<i32>} : memref<31808xi32, #tpu.memory_space<vmem>>, vector<16xi32>,
          tpu.vector_store %arg8[%swap3A], %broadcast_in_dim3A_21 {strides = array<i32>} : memref<31808xi32, #tpu.memory_space<vmem>>, vector<16xi32>,
        } else {
        }
        %scan3A_183 = arith.constant 4 : i32
        %mul3A_184 = arith.constant 32 : i32
        %mul3A_185 = arith.muli %scan3A_83, %mul3A_184 : i32
        %add3A_186 = arith.addi %mul3A_185, %scan3A_183 : i32
        %lt3A_187 = arith.constant 1952 : i32
        %lt3A_188 = arith.cmpi slt, %add3A_186, %lt3A_187 : i32
        %convert_element_type3A_189 = arith.extui %lt3A_188 : i1 to i32
        %cond3A_190 = arith.constant 0 : i32
        %cond3A_191 = arith.cmpi ne, %convert_element_type3A_189, %cond3A_190 : i32
        scf.if %cond3A_191 {
          %mul3A_442 = arith.constant 16 : i32
          %mul3A_443 = arith.muli %add3A_186, %mul3A_442 : i32
          %swap3A = arith.index_cast %mul3A_443 : i32 to index
          %swap3A_444 = tpu.vector_load %arg8[%swap3A] {strides = array<i32>} : memref<31808xi32, #tpu.memory_space<vmem>>, vector<16xi32>,
          tpu.vector_store %arg8[%swap3A], %broadcast_in_dim3A_21 {strides = array<i32>} : memref<31808xi32, #tpu.memory_space<vmem>>, vector<16xi32>,
        } else {
        }
        %scan3A_192 = arith.constant 5 : i32
        %mul3A_193 = arith.constant 32 : i32
        %mul3A_194 = arith.muli %scan3A_83, %mul3A_193 : i32
        %add3A_195 = arith.addi %mul3A_194, %scan3A_192 : i32
        %lt3A_196 = arith.constant 1952 : i32
        %lt3A_197 = arith.cmpi slt, %add3A_195, %lt3A_196 : i32
        %convert_element_type3A_198 = arith.extui %lt3A_197 : i1 to i32
        %cond3A_199 = arith.constant 0 : i32
        %cond3A_200 = arith.cmpi ne, %convert_element_type3A_198, %cond3A_199 : i32
        scf.if %cond3A_200 {
          %mul3A_442 = arith.constant 16 : i32
          %mul3A_443 = arith.muli %add3A_195, %mul3A_442 : i32
          %swap3A = arith.index_cast %mul3A_443 : i32 to index
          %swap3A_444 = tpu.vector_load %arg8[%swap3A] {strides = array<i32>} : memref<31808xi32, #tpu.memory_space<vmem>>, vector<16xi32>,
          tpu.vector_store %arg8[%swap3A], %broadcast_in_dim3A_21 {strides = array<i32>} : memref<31808xi32, #tpu.memory_space<vmem>>, vector<16xi32>,
        } else {
        }
        %scan3A_201 = arith.constant 6 : i32
        %mul3A_202 = arith.constant 32 : i32
        %mul3A_203 = arith.muli %scan3A_83, %mul3A_202 : i32
        %add3A_204 = arith.addi %mul3A_203, %scan3A_201 : i32
        %lt3A_205 = arith.constant 1952 : i32
        %lt3A_206 = arith.cmpi slt, %add3A_204, %lt3A_205 : i32
        %convert_element_type3A_207 = arith.extui %lt3A_206 : i1 to i32
        %cond3A_208 = arith.constant 0 : i32
        %cond3A_209 = arith.cmpi ne, %convert_element_type3A_207, %cond3A_208 : i32
        scf.if %cond3A_209 {
          %mul3A_442 = arith.constant 16 : i32
          %mul3A_443 = arith.muli %add3A_204, %mul3A_442 : i32
          %swap3A = arith.index_cast %mul3A_443 : i32 to index
          %swap3A_444 = tpu.vector_load %arg8[%swap3A] {strides = array<i32>} : memref<31808xi32, #tpu.memory_space<vmem>>, vector<16xi32>,
          tpu.vector_store %arg8[%swap3A], %broadcast_in_dim3A_21 {strides = array<i32>} : memref<31808xi32, #tpu.memory_space<vmem>>, vector<16xi32>,
        } else {
        }
        %scan3A_210 = arith.constant 7 : i32
        %mul3A_211 = arith.constant 32 : i32
        %mul3A_212 = arith.muli %scan3A_83, %mul3A_211 : i32
        %add3A_213 = arith.addi %mul3A_212, %scan3A_210 : i32
        %lt3A_214 = arith.constant 1952 : i32
        %lt3A_215 = arith.cmpi slt, %add3A_213, %lt3A_214 : i32
        %convert_element_type3A_216 = arith.extui %lt3A_215 : i1 to i32
        %cond3A_217 = arith.constant 0 : i32
        %cond3A_218 = arith.cmpi ne, %convert_element_type3A_216, %cond3A_217 : i32
        scf.if %cond3A_218 {
          %mul3A_442 = arith.constant 16 : i32
          %mul3A_443 = arith.muli %add3A_213, %mul3A_442 : i32
          %swap3A = arith.index_cast %mul3A_443 : i32 to index
          %swap3A_444 = tpu.vector_load %arg8[%swap3A] {strides = array<i32>} : memref<31808xi32, #tpu.memory_space<vmem>>, vector<16xi32>,
          tpu.vector_store %arg8[%swap3A], %broadcast_in_dim3A_21 {strides = array<i32>} : memref<31808xi32, #tpu.memory_space<vmem>>, vector<16xi32>,
        } else {
        }
        %scan3A_219 = arith.constant 8 : i32
        %mul3A_220 = arith.constant 32 : i32
        %mul3A_221 = arith.muli %scan3A_83, %mul3A_220 : i32
        %add3A_222 = arith.addi %mul3A_221, %scan3A_219 : i32
        %lt3A_223 = arith.constant 1952 : i32
        %lt3A_224 = arith.cmpi slt, %add3A_222, %lt3A_223 : i32
        %convert_element_type3A_225 = arith.extui %lt3A_224 : i1 to i32
        %cond3A_226 = arith.constant 0 : i32
        %cond3A_227 = arith.cmpi ne, %convert_element_type3A_225, %cond3A_226 : i32
        scf.if %cond3A_227 {
          %mul3A_442 = arith.constant 16 : i32
          %mul3A_443 = arith.muli %add3A_222, %mul3A_442 : i32
          %swap3A = arith.index_cast %mul3A_443 : i32 to index
          %swap3A_444 = tpu.vector_load %arg8[%swap3A] {strides = array<i32>} : memref<31808xi32, #tpu.memory_space<vmem>>, vector<16xi32>,
          tpu.vector_store %arg8[%swap3A], %broadcast_in_dim3A_21 {strides = array<i32>} : memref<31808xi32, #tpu.memory_space<vmem>>, vector<16xi32>,
        } else {
        }
        %scan3A_228 = arith.constant 9 : i32
        %mul3A_229 = arith.constant 32 : i32
        %mul3A_230 = arith.muli %scan3A_83, %mul3A_229 : i32
        %add3A_231 = arith.addi %mul3A_230, %scan3A_228 : i32
        %lt3A_232 = arith.constant 1952 : i32
        %lt3A_233 = arith.cmpi slt, %add3A_231, %lt3A_232 : i32
        %convert_element_type3A_234 = arith.extui %lt3A_233 : i1 to i32
        %cond3A_235 = arith.constant 0 : i32
        %cond3A_236 = arith.cmpi ne, %convert_element_type3A_234, %cond3A_235 : i32
        scf.if %cond3A_236 {
          %mul3A_442 = arith.constant 16 : i32
          %mul3A_443 = arith.muli %add3A_231, %mul3A_442 : i32
          %swap3A = arith.index_cast %mul3A_443 : i32 to index
          %swap3A_444 = tpu.vector_load %arg8[%swap3A] {strides = array<i32>} : memref<31808xi32, #tpu.memory_space<vmem>>, vector<16xi32>,
          tpu.vector_store %arg8[%swap3A], %broadcast_in_dim3A_21 {strides = array<i32>} : memref<31808xi32, #tpu.memory_space<vmem>>, vector<16xi32>,
        } else {
        }
        %scan3A_237 = arith.constant 10 : i32
        %mul3A_238 = arith.constant 32 : i32
        %mul3A_239 = arith.muli %scan3A_83, %mul3A_238 : i32
        %add3A_240 = arith.addi %mul3A_239, %scan3A_237 : i32
        %lt3A_241 = arith.constant 1952 : i32
        %lt3A_242 = arith.cmpi slt, %add3A_240, %lt3A_241 : i32
        %convert_element_type3A_243 = arith.extui %lt3A_242 : i1 to i32
        %cond3A_244 = arith.constant 0 : i32
        %cond3A_245 = arith.cmpi ne, %convert_element_type3A_243, %cond3A_244 : i32
        scf.if %cond3A_245 {
          %mul3A_442 = arith.constant 16 : i32
          %mul3A_443 = arith.muli %add3A_240, %mul3A_442 : i32
          %swap3A = arith.index_cast %mul3A_443 : i32 to index
          %swap3A_444 = tpu.vector_load %arg8[%swap3A] {strides = array<i32>} : memref<31808xi32, #tpu.memory_space<vmem>>, vector<16xi32>,
          tpu.vector_store %arg8[%swap3A], %broadcast_in_dim3A_21 {strides = array<i32>} : memref<31808xi32, #tpu.memory_space<vmem>>, vector<16xi32>,
        } else {
        }
        %scan3A_246 = arith.constant 11 : i32
        %mul3A_247 = arith.constant 32 : i32
        %mul3A_248 = arith.muli %scan3A_83, %mul3A_247 : i32
        %add3A_249 = arith.addi %mul3A_248, %scan3A_246 : i32
        %lt3A_250 = arith.constant 1952 : i32
        %lt3A_251 = arith.cmpi slt, %add3A_249, %lt3A_250 : i32
        %convert_element_type3A_252 = arith.extui %lt3A_251 : i1 to i32
        %cond3A_253 = arith.constant 0 : i32
        %cond3A_254 = arith.cmpi ne, %convert_element_type3A_252, %cond3A_253 : i32
        scf.if %cond3A_254 {
          %mul3A_442 = arith.constant 16 : i32
          %mul3A_443 = arith.muli %add3A_249, %mul3A_442 : i32
          %swap3A = arith.index_cast %mul3A_443 : i32 to index
          %swap3A_444 = tpu.vector_load %arg8[%swap3A] {strides = array<i32>} : memref<31808xi32, #tpu.memory_space<vmem>>, vector<16xi32>,
          tpu.vector_store %arg8[%swap3A], %broadcast_in_dim3A_21 {strides = array<i32>} : memref<31808xi32, #tpu.memory_space<vmem>>, vector<16xi32>,
        } else {
        }
        %scan3A_255 = arith.constant 12 : i32
        %mul3A_256 = arith.constant 32 : i32
        %mul3A_257 = arith.muli %scan3A_83, %mul3A_256 : i32
        %add3A_258 = arith.addi %mul3A_257, %scan3A_255 : i32
        %lt3A_259 = arith.constant 1952 : i32
        %lt3A_260 = arith.cmpi slt, %add3A_258, %lt3A_259 : i32
        %convert_element_type3A_261 = arith.extui %lt3A_260 : i1 to i32
        %cond3A_262 = arith.constant 0 : i32
        %cond3A_263 = arith.cmpi ne, %convert_element_type3A_261, %cond3A_262 : i32
        scf.if %cond3A_263 {
          %mul3A_442 = arith.constant 16 : i32
          %mul3A_443 = arith.muli %add3A_258, %mul3A_442 : i32
          %swap3A = arith.index_cast %mul3A_443 : i32 to index
          %swap3A_444 = tpu.vector_load %arg8[%swap3A] {strides = array<i32>} : memref<31808xi32, #tpu.memory_space<vmem>>, vector<16xi32>,
          tpu.vector_store %arg8[%swap3A], %broadcast_in_dim3A_21 {strides = array<i32>} : memref<31808xi32, #tpu.memory_space<vmem>>, vector<16xi32>,
        } else {
        }
        %scan3A_264 = arith.constant 13 : i32
        %mul3A_265 = arith.constant 32 : i32
        %mul3A_266 = arith.muli %scan3A_83, %mul3A_265 : i32
        %add3A_267 = arith.addi %mul3A_266, %scan3A_264 : i32
        %lt3A_268 = arith.constant 1952 : i32
        %lt3A_269 = arith.cmpi slt, %add3A_267, %lt3A_268 : i32
        %convert_element_type3A_270 = arith.extui %lt3A_269 : i1 to i32
        %cond3A_271 = arith.constant 0 : i32
        %cond3A_272 = arith.cmpi ne, %convert_element_type3A_270, %cond3A_271 : i32
        scf.if %cond3A_272 {
          %mul3A_442 = arith.constant 16 : i32
          %mul3A_443 = arith.muli %add3A_267, %mul3A_442 : i32
          %swap3A = arith.index_cast %mul3A_443 : i32 to index
          %swap3A_444 = tpu.vector_load %arg8[%swap3A] {strides = array<i32>} : memref<31808xi32, #tpu.memory_space<vmem>>, vector<16xi32>,
          tpu.vector_store %arg8[%swap3A], %broadcast_in_dim3A_21 {strides = array<i32>} : memref<31808xi32, #tpu.memory_space<vmem>>, vector<16xi32>,
        } else {
        }
        %scan3A_273 = arith.constant 14 : i32
        %mul3A_274 = arith.constant 32 : i32
        %mul3A_275 = arith.muli %scan3A_83, %mul3A_274 : i32
        %add3A_276 = arith.addi %mul3A_275, %scan3A_273 : i32
        %lt3A_277 = arith.constant 1952 : i32
        %lt3A_278 = arith.cmpi slt, %add3A_276, %lt3A_277 : i32
        %convert_element_type3A_279 = arith.extui %lt3A_278 : i1 to i32
        %cond3A_280 = arith.constant 0 : i32
        %cond3A_281 = arith.cmpi ne, %convert_element_type3A_279, %cond3A_280 : i32
        scf.if %cond3A_281 {
          %mul3A_442 = arith.constant 16 : i32
          %mul3A_443 = arith.muli %add3A_276, %mul3A_442 : i32
          %swap3A = arith.index_cast %mul3A_443 : i32 to index
          %swap3A_444 = tpu.vector_load %arg8[%swap3A] {strides = array<i32>} : memref<31808xi32, #tpu.memory_space<vmem>>, vector<16xi32>,
          tpu.vector_store %arg8[%swap3A], %broadcast_in_dim3A_21 {strides = array<i32>} : memref<31808xi32, #tpu.memory_space<vmem>>, vector<16xi32>,
        } else {
        }
        %scan3A_282 = arith.constant 15 : i32
        %mul3A_283 = arith.constant 32 : i32
        %mul3A_284 = arith.muli %scan3A_83, %mul3A_283 : i32
        %add3A_285 = arith.addi %mul3A_284, %scan3A_282 : i32
        %lt3A_286 = arith.constant 1952 : i32
        %lt3A_287 = arith.cmpi slt, %add3A_285, %lt3A_286 : i32
        %convert_element_type3A_288 = arith.extui %lt3A_287 : i1 to i32
        %cond3A_289 = arith.constant 0 : i32
        %cond3A_290 = arith.cmpi ne, %convert_element_type3A_288, %cond3A_289 : i32
        scf.if %cond3A_290 {
          %mul3A_442 = arith.constant 16 : i32
          %mul3A_443 = arith.muli %add3A_285, %mul3A_442 : i32
          %swap3A = arith.index_cast %mul3A_443 : i32 to index
          %swap3A_444 = tpu.vector_load %arg8[%swap3A] {strides = array<i32>} : memref<31808xi32, #tpu.memory_space<vmem>>, vector<16xi32>,
          tpu.vector_store %arg8[%swap3A], %broadcast_in_dim3A_21 {strides = array<i32>} : memref<31808xi32, #tpu.memory_space<vmem>>, vector<16xi32>,
        } else {
        }
        %scan3A_291 = arith.constant 16 : i32
        %mul3A_292 = arith.constant 32 : i32
        %mul3A_293 = arith.muli %scan3A_83, %mul3A_292 : i32
        %add3A_294 = arith.addi %mul3A_293, %scan3A_291 : i32
        %lt3A_295 = arith.constant 1952 : i32
        %lt3A_296 = arith.cmpi slt, %add3A_294, %lt3A_295 : i32
        %convert_element_type3A_297 = arith.extui %lt3A_296 : i1 to i32
        %cond3A_298 = arith.constant 0 : i32
        %cond3A_299 = arith.cmpi ne, %convert_element_type3A_297, %cond3A_298 : i32
        scf.if %cond3A_299 {
          %mul3A_442 = arith.constant 16 : i32
          %mul3A_443 = arith.muli %add3A_294, %mul3A_442 : i32
          %swap3A = arith.index_cast %mul3A_443 : i32 to index
          %swap3A_444 = tpu.vector_load %arg8[%swap3A] {strides = array<i32>} : memref<31808xi32, #tpu.memory_space<vmem>>, vector<16xi32>,
          tpu.vector_store %arg8[%swap3A], %broadcast_in_dim3A_21 {strides = array<i32>} : memref<31808xi32, #tpu.memory_space<vmem>>, vector<16xi32>,
        } else {
        }
        %scan3A_300 = arith.constant 17 : i32
        %mul3A_301 = arith.constant 32 : i32
        %mul3A_302 = arith.muli %scan3A_83, %mul3A_301 : i32
        %add3A_303 = arith.addi %mul3A_302, %scan3A_300 : i32
        %lt3A_304 = arith.constant 1952 : i32
        %lt3A_305 = arith.cmpi slt, %add3A_303, %lt3A_304 : i32
        %convert_element_type3A_306 = arith.extui %lt3A_305 : i1 to i32
        %cond3A_307 = arith.constant 0 : i32
        %cond3A_308 = arith.cmpi ne, %convert_element_type3A_306, %cond3A_307 : i32
        scf.if %cond3A_308 {
          %mul3A_442 = arith.constant 16 : i32
          %mul3A_443 = arith.muli %add3A_303, %mul3A_442 : i32
          %swap3A = arith.index_cast %mul3A_443 : i32 to index
          %swap3A_444 = tpu.vector_load %arg8[%swap3A] {strides = array<i32>} : memref<31808xi32, #tpu.memory_space<vmem>>, vector<16xi32>,
          tpu.vector_store %arg8[%swap3A], %broadcast_in_dim3A_21 {strides = array<i32>} : memref<31808xi32, #tpu.memory_space<vmem>>, vector<16xi32>,
        } else {
        }
        %scan3A_309 = arith.constant 18 : i32
        %mul3A_310 = arith.constant 32 : i32
        %mul3A_311 = arith.muli %scan3A_83, %mul3A_310 : i32
        %add3A_312 = arith.addi %mul3A_311, %scan3A_309 : i32
        %lt3A_313 = arith.constant 1952 : i32
        %lt3A_314 = arith.cmpi slt, %add3A_312, %lt3A_313 : i32
        %convert_element_type3A_315 = arith.extui %lt3A_314 : i1 to i32
        %cond3A_316 = arith.constant 0 : i32
        %cond3A_317 = arith.cmpi ne, %convert_element_type3A_315, %cond3A_316 : i32
        scf.if %cond3A_317 {
          %mul3A_442 = arith.constant 16 : i32
          %mul3A_443 = arith.muli %add3A_312, %mul3A_442 : i32
          %swap3A = arith.index_cast %mul3A_443 : i32 to index
          %swap3A_444 = tpu.vector_load %arg8[%swap3A] {strides = array<i32>} : memref<31808xi32, #tpu.memory_space<vmem>>, vector<16xi32>,
          tpu.vector_store %arg8[%swap3A], %broadcast_in_dim3A_21 {strides = array<i32>} : memref<31808xi32, #tpu.memory_space<vmem>>, vector<16xi32>,
        } else {
        }
        %scan3A_318 = arith.constant 19 : i32
        %mul3A_319 = arith.constant 32 : i32
        %mul3A_320 = arith.muli %scan3A_83, %mul3A_319 : i32
        %add3A_321 = arith.addi %mul3A_320, %scan3A_318 : i32
        %lt3A_322 = arith.constant 1952 : i32
        %lt3A_323 = arith.cmpi slt, %add3A_321, %lt3A_322 : i32
        %convert_element_type3A_324 = arith.extui %lt3A_323 : i1 to i32
        %cond3A_325 = arith.constant 0 : i32
        %cond3A_326 = arith.cmpi ne, %convert_element_type3A_324, %cond3A_325 : i32
        scf.if %cond3A_326 {
          %mul3A_442 = arith.constant 16 : i32
          %mul3A_443 = arith.muli %add3A_321, %mul3A_442 : i32
          %swap3A = arith.index_cast %mul3A_443 : i32 to index
          %swap3A_444 = tpu.vector_load %arg8[%swap3A] {strides = array<i32>} : memref<31808xi32, #tpu.memory_space<vmem>>, vector<16xi32>,
          tpu.vector_store %arg8[%swap3A], %broadcast_in_dim3A_21 {strides = array<i32>} : memref<31808xi32, #tpu.memory_space<vmem>>, vector<16xi32>,
        } else {
        }
        %scan3A_327 = arith.constant 20 : i32
        %mul3A_328 = arith.constant 32 : i32
        %mul3A_329 = arith.muli %scan3A_83, %mul3A_328 : i32
        %add3A_330 = arith.addi %mul3A_329, %scan3A_327 : i32
        %lt3A_331 = arith.constant 1952 : i32
        %lt3A_332 = arith.cmpi slt, %add3A_330, %lt3A_331 : i32
        %convert_element_type3A_333 = arith.extui %lt3A_332 : i1 to i32
        %cond3A_334 = arith.constant 0 : i32
        %cond3A_335 = arith.cmpi ne, %convert_element_type3A_333, %cond3A_334 : i32
        scf.if %cond3A_335 {
          %mul3A_442 = arith.constant 16 : i32
          %mul3A_443 = arith.muli %add3A_330, %mul3A_442 : i32
          %swap3A = arith.index_cast %mul3A_443 : i32 to index
          %swap3A_444 = tpu.vector_load %arg8[%swap3A] {strides = array<i32>} : memref<31808xi32, #tpu.memory_space<vmem>>, vector<16xi32>,
          tpu.vector_store %arg8[%swap3A], %broadcast_in_dim3A_21 {strides = array<i32>} : memref<31808xi32, #tpu.memory_space<vmem>>, vector<16xi32>,
        } else {
        }
        %scan3A_336 = arith.constant 21 : i32
        %mul3A_337 = arith.constant 32 : i32
        %mul3A_338 = arith.muli %scan3A_83, %mul3A_337 : i32
        %add3A_339 = arith.addi %mul3A_338, %scan3A_336 : i32
        %lt3A_340 = arith.constant 1952 : i32
        %lt3A_341 = arith.cmpi slt, %add3A_339, %lt3A_340 : i32
        %convert_element_type3A_342 = arith.extui %lt3A_341 : i1 to i32
        %cond3A_343 = arith.constant 0 : i32
        %cond3A_344 = arith.cmpi ne, %convert_element_type3A_342, %cond3A_343 : i32
        scf.if %cond3A_344 {
          %mul3A_442 = arith.constant 16 : i32
          %mul3A_443 = arith.muli %add3A_339, %mul3A_442 : i32
          %swap3A = arith.index_cast %mul3A_443 : i32 to index
          %swap3A_444 = tpu.vector_load %arg8[%swap3A] {strides = array<i32>} : memref<31808xi32, #tpu.memory_space<vmem>>, vector<16xi32>,
          tpu.vector_store %arg8[%swap3A], %broadcast_in_dim3A_21 {strides = array<i32>} : memref<31808xi32, #tpu.memory_space<vmem>>, vector<16xi32>,
        } else {
        }
        %scan3A_345 = arith.constant 22 : i32
        %mul3A_346 = arith.constant 32 : i32
        %mul3A_347 = arith.muli %scan3A_83, %mul3A_346 : i32
        %add3A_348 = arith.addi %mul3A_347, %scan3A_345 : i32
        %lt3A_349 = arith.constant 1952 : i32
        %lt3A_350 = arith.cmpi slt, %add3A_348, %lt3A_349 : i32
        %convert_element_type3A_351 = arith.extui %lt3A_350 : i1 to i32
        %cond3A_352 = arith.constant 0 : i32
        %cond3A_353 = arith.cmpi ne, %convert_element_type3A_351, %cond3A_352 : i32
        scf.if %cond3A_353 {
          %mul3A_442 = arith.constant 16 : i32
          %mul3A_443 = arith.muli %add3A_348, %mul3A_442 : i32
          %swap3A = arith.index_cast %mul3A_443 : i32 to index
          %swap3A_444 = tpu.vector_load %arg8[%swap3A] {strides = array<i32>} : memref<31808xi32, #tpu.memory_space<vmem>>, vector<16xi32>,
          tpu.vector_store %arg8[%swap3A], %broadcast_in_dim3A_21 {strides = array<i32>} : memref<31808xi32, #tpu.memory_space<vmem>>, vector<16xi32>,
        } else {
        }
        %scan3A_354 = arith.constant 23 : i32
        %mul3A_355 = arith.constant 32 : i32
        %mul3A_356 = arith.muli %scan3A_83, %mul3A_355 : i32
        %add3A_357 = arith.addi %mul3A_356, %scan3A_354 : i32
        %lt3A_358 = arith.constant 1952 : i32
        %lt3A_359 = arith.cmpi slt, %add3A_357, %lt3A_358 : i32
        %convert_element_type3A_360 = arith.extui %lt3A_359 : i1 to i32
        %cond3A_361 = arith.constant 0 : i32
        %cond3A_362 = arith.cmpi ne, %convert_element_type3A_360, %cond3A_361 : i32
        scf.if %cond3A_362 {
          %mul3A_442 = arith.constant 16 : i32
          %mul3A_443 = arith.muli %add3A_357, %mul3A_442 : i32
          %swap3A = arith.index_cast %mul3A_443 : i32 to index
          %swap3A_444 = tpu.vector_load %arg8[%swap3A] {strides = array<i32>} : memref<31808xi32, #tpu.memory_space<vmem>>, vector<16xi32>,
          tpu.vector_store %arg8[%swap3A], %broadcast_in_dim3A_21 {strides = array<i32>} : memref<31808xi32, #tpu.memory_space<vmem>>, vector<16xi32>,
        } else {
        }
        %scan3A_363 = arith.constant 24 : i32
        %mul3A_364 = arith.constant 32 : i32
        %mul3A_365 = arith.muli %scan3A_83, %mul3A_364 : i32
        %add3A_366 = arith.addi %mul3A_365, %scan3A_363 : i32
        %lt3A_367 = arith.constant 1952 : i32
        %lt3A_368 = arith.cmpi slt, %add3A_366, %lt3A_367 : i32
        %convert_element_type3A_369 = arith.extui %lt3A_368 : i1 to i32
        %cond3A_370 = arith.constant 0 : i32
        %cond3A_371 = arith.cmpi ne, %convert_element_type3A_369, %cond3A_370 : i32
        scf.if %cond3A_371 {
          %mul3A_442 = arith.constant 16 : i32
          %mul3A_443 = arith.muli %add3A_366, %mul3A_442 : i32
          %swap3A = arith.index_cast %mul3A_443 : i32 to index
          %swap3A_444 = tpu.vector_load %arg8[%swap3A] {strides = array<i32>} : memref<31808xi32, #tpu.memory_space<vmem>>, vector<16xi32>,
          tpu.vector_store %arg8[%swap3A], %broadcast_in_dim3A_21 {strides = array<i32>} : memref<31808xi32, #tpu.memory_space<vmem>>, vector<16xi32>,
        } else {
        }
        %scan3A_372 = arith.constant 25 : i32
        %mul3A_373 = arith.constant 32 : i32
        %mul3A_374 = arith.muli %scan3A_83, %mul3A_373 : i32
        %add3A_375 = arith.addi %mul3A_374, %scan3A_372 : i32
        %lt3A_376 = arith.constant 1952 : i32
        %lt3A_377 = arith.cmpi slt, %add3A_375, %lt3A_376 : i32
        %convert_element_type3A_378 = arith.extui %lt3A_377 : i1 to i32
        %cond3A_379 = arith.constant 0 : i32
        %cond3A_380 = arith.cmpi ne, %convert_element_type3A_378, %cond3A_379 : i32
        scf.if %cond3A_380 {
          %mul3A_442 = arith.constant 16 : i32
          %mul3A_443 = arith.muli %add3A_375, %mul3A_442 : i32
          %swap3A = arith.index_cast %mul3A_443 : i32 to index
          %swap3A_444 = tpu.vector_load %arg8[%swap3A] {strides = array<i32>} : memref<31808xi32, #tpu.memory_space<vmem>>, vector<16xi32>,
          tpu.vector_store %arg8[%swap3A], %broadcast_in_dim3A_21 {strides = array<i32>} : memref<31808xi32, #tpu.memory_space<vmem>>, vector<16xi32>,
        } else {
        }
        %scan3A_381 = arith.constant 26 : i32
        %mul3A_382 = arith.constant 32 : i32
        %mul3A_383 = arith.muli %scan3A_83, %mul3A_382 : i32
        %add3A_384 = arith.addi %mul3A_383, %scan3A_381 : i32
        %lt3A_385 = arith.constant 1952 : i32
        %lt3A_386 = arith.cmpi slt, %add3A_384, %lt3A_385 : i32
        %convert_element_type3A_387 = arith.extui %lt3A_386 : i1 to i32
        %cond3A_388 = arith.constant 0 : i32
        %cond3A_389 = arith.cmpi ne, %convert_element_type3A_387, %cond3A_388 : i32
        scf.if %cond3A_389 {
          %mul3A_442 = arith.constant 16 : i32
          %mul3A_443 = arith.muli %add3A_384, %mul3A_442 : i32
          %swap3A = arith.index_cast %mul3A_443 : i32 to index
          %swap3A_444 = tpu.vector_load %arg8[%swap3A] {strides = array<i32>} : memref<31808xi32, #tpu.memory_space<vmem>>, vector<16xi32>,
          tpu.vector_store %arg8[%swap3A], %broadcast_in_dim3A_21 {strides = array<i32>} : memref<31808xi32, #tpu.memory_space<vmem>>, vector<16xi32>,
        } else {
        }
        %scan3A_390 = arith.constant 27 : i32
        %mul3A_391 = arith.constant 32 : i32
        %mul3A_392 = arith.muli %scan3A_83, %mul3A_391 : i32
        %add3A_393 = arith.addi %mul3A_392, %scan3A_390 : i32
        %lt3A_394 = arith.constant 1952 : i32
        %lt3A_395 = arith.cmpi slt, %add3A_393, %lt3A_394 : i32
        %convert_element_type3A_396 = arith.extui %lt3A_395 : i1 to i32
        %cond3A_397 = arith.constant 0 : i32
        %cond3A_398 = arith.cmpi ne, %convert_element_type3A_396, %cond3A_397 : i32
        scf.if %cond3A_398 {
          %mul3A_442 = arith.constant 16 : i32
          %mul3A_443 = arith.muli %add3A_393, %mul3A_442 : i32
          %swap3A = arith.index_cast %mul3A_443 : i32 to index
          %swap3A_444 = tpu.vector_load %arg8[%swap3A] {strides = array<i32>} : memref<31808xi32, #tpu.memory_space<vmem>>, vector<16xi32>,
          tpu.vector_store %arg8[%swap3A], %broadcast_in_dim3A_21 {strides = array<i32>} : memref<31808xi32, #tpu.memory_space<vmem>>, vector<16xi32>,
        } else {
        }
        %scan3A_399 = arith.constant 28 : i32
        %mul3A_400 = arith.constant 32 : i32
        %mul3A_401 = arith.muli %scan3A_83, %mul3A_400 : i32
        %add3A_402 = arith.addi %mul3A_401, %scan3A_399 : i32
        %lt3A_403 = arith.constant 1952 : i32
        %lt3A_404 = arith.cmpi slt, %add3A_402, %lt3A_403 : i32
        %convert_element_type3A_405 = arith.extui %lt3A_404 : i1 to i32
        %cond3A_406 = arith.constant 0 : i32
        %cond3A_407 = arith.cmpi ne, %convert_element_type3A_405, %cond3A_406 : i32
        scf.if %cond3A_407 {
          %mul3A_442 = arith.constant 16 : i32
          %mul3A_443 = arith.muli %add3A_402, %mul3A_442 : i32
          %swap3A = arith.index_cast %mul3A_443 : i32 to index
          %swap3A_444 = tpu.vector_load %arg8[%swap3A] {strides = array<i32>} : memref<31808xi32, #tpu.memory_space<vmem>>, vector<16xi32>,
          tpu.vector_store %arg8[%swap3A], %broadcast_in_dim3A_21 {strides = array<i32>} : memref<31808xi32, #tpu.memory_space<vmem>>, vector<16xi32>,
        } else {
        }
        %scan3A_408 = arith.constant 29 : i32
        %mul3A_409 = arith.constant 32 : i32
        %mul3A_410 = arith.muli %scan3A_83, %mul3A_409 : i32
        %add3A_411 = arith.addi %mul3A_410, %scan3A_408 : i32
        %lt3A_412 = arith.constant 1952 : i32
        %lt3A_413 = arith.cmpi slt, %add3A_411, %lt3A_412 : i32
        %convert_element_type3A_414 = arith.extui %lt3A_413 : i1 to i32
        %cond3A_415 = arith.constant 0 : i32
        %cond3A_416 = arith.cmpi ne, %convert_element_type3A_414, %cond3A_415 : i32
        scf.if %cond3A_416 {
          %mul3A_442 = arith.constant 16 : i32
          %mul3A_443 = arith.muli %add3A_411, %mul3A_442 : i32
          %swap3A = arith.index_cast %mul3A_443 : i32 to index
          %swap3A_444 = tpu.vector_load %arg8[%swap3A] {strides = array<i32>} : memref<31808xi32, #tpu.memory_space<vmem>>, vector<16xi32>,
          tpu.vector_store %arg8[%swap3A], %broadcast_in_dim3A_21 {strides = array<i32>} : memref<31808xi32, #tpu.memory_space<vmem>>, vector<16xi32>,
        } else {
        }
        %scan3A_417 = arith.constant 30 : i32
        %mul3A_418 = arith.constant 32 : i32
        %mul3A_419 = arith.muli %scan3A_83, %mul3A_418 : i32
        %add3A_420 = arith.addi %mul3A_419, %scan3A_417 : i32
        %lt3A_421 = arith.constant 1952 : i32
        %lt3A_422 = arith.cmpi slt, %add3A_420, %lt3A_421 : i32
        %convert_element_type3A_423 = arith.extui %lt3A_422 : i1 to i32
        %cond3A_424 = arith.constant 0 : i32
        %cond3A_425 = arith.cmpi ne, %convert_element_type3A_423, %cond3A_424 : i32
        scf.if %cond3A_425 {
          %mul3A_442 = arith.constant 16 : i32
          %mul3A_443 = arith.muli %add3A_420, %mul3A_442 : i32
          %swap3A = arith.index_cast %mul3A_443 : i32 to index
          %swap3A_444 = tpu.vector_load %arg8[%swap3A] {strides = array<i32>} : memref<31808xi32, #tpu.memory_space<vmem>>, vector<16xi32>,
          tpu.vector_store %arg8[%swap3A], %broadcast_in_dim3A_21 {strides = array<i32>} : memref<31808xi32, #tpu.memory_space<vmem>>, vector<16xi32>,
        } else {
        }
        %scan3A_426 = arith.constant 31 : i32
        %mul3A_427 = arith.constant 32 : i32
        %mul3A_428 = arith.muli %scan3A_83, %mul3A_427 : i32
        %add3A_429 = arith.addi %mul3A_428, %scan3A_426 : i32
        %lt3A_430 = arith.constant 1952 : i32
        %lt3A_431 = arith.cmpi slt, %add3A_429, %lt3A_430 : i32
        %convert_element_type3A_432 = arith.extui %lt3A_431 : i1 to i32
        %cond3A_433 = arith.constant 0 : i32
        %cond3A_434 = arith.cmpi ne, %convert_element_type3A_432, %cond3A_433 : i32
        scf.if %cond3A_434 {
          %mul3A_442 = arith.constant 16 : i32
          %mul3A_443 = arith.muli %add3A_429, %mul3A_442 : i32
          %swap3A = arith.index_cast %mul3A_443 : i32 to index
          %swap3A_444 = tpu.vector_load %arg8[%swap3A] {strides = array<i32>} : memref<31808xi32, #tpu.memory_space<vmem>>, vector<16xi32>,
          tpu.vector_store %arg8[%swap3A], %broadcast_in_dim3A_21 {strides = array<i32>} : memref<31808xi32, #tpu.memory_space<vmem>>, vector<16xi32>,
        } else {
        }
        %scan3A_435 = arith.constant 32 : i32
        %eq3A_436 = arith.constant 60 : i32
        %eq3A_437 = arith.cmpi eq, %scan3A_83, %eq3A_436 : i32
        %and3A_438 = arith.andi %eq3A_437, %eq3A_3 : i1
        %convert_element_type3A_439 = arith.extui %and3A_438 : i1 to i32
        %cond3A_440 = arith.constant 0 : i32
        %cond3A_441 = arith.cmpi ne, %convert_element_type3A_439, %cond3A_440 : i32
        scf.if %cond3A_441 {
          %scan3A_442 = arith.constant 0 : i32
          %scan3A_443 = arith.constant 1952 : i32
          %scan3A_444 = arith.constant 32 : i32
          %scan3A_445 = arith.addi %scan3A_443, %scan3A_444 : i32
          %scan3A_446 = arith.constant 8 : i32
          scf.for %scan3A_471 = %scan3A_443 to %scan3A_445 step %scan3A_446  : i32 {
            %mul3A_472 = arith.constant 16 : i32
            %mul3A_473 = arith.muli %scan3A_471, %mul3A_472 : i32
            %swap3A_474 = arith.index_cast %mul3A_473 : i32 to index
            %swap3A_475 = tpu.vector_load %arg8[%swap3A_474] {strides = array<i32>} : memref<31808xi32, #tpu.memory_space<vmem>>, vector<16xi32>,
            tpu.vector_store %arg8[%swap3A_474], %broadcast_in_dim3A_21 {strides = array<i32>} : memref<31808xi32, #tpu.memory_space<vmem>>, vector<16xi32>,
            %scan3A_476 = arith.constant 1 : i32
            %scan3A_477 = arith.addi %scan3A_471, %scan3A_476 : i32
            %mul3A_478 = arith.constant 16 : i32
            %mul3A_479 = arith.muli %scan3A_477, %mul3A_478 : i32
            %swap3A_480 = arith.index_cast %mul3A_479 : i32 to index
            %swap3A_481 = tpu.vector_load %arg8[%swap3A_480] {strides = array<i32>} : memref<31808xi32, #tpu.memory_space<vmem>>, vector<16xi32>,
            tpu.vector_store %arg8[%swap3A_480], %broadcast_in_dim3A_21 {strides = array<i32>} : memref<31808xi32, #tpu.memory_space<vmem>>, vector<16xi32>,
            %scan3A_482 = arith.constant 2 : i32
            %scan3A_483 = arith.addi %scan3A_471, %scan3A_482 : i32
            %mul3A_484 = arith.constant 16 : i32
            %mul3A_485 = arith.muli %scan3A_483, %mul3A_484 : i32
            %swap3A_486 = arith.index_cast %mul3A_485 : i32 to index
            %swap3A_487 = tpu.vector_load %arg8[%swap3A_486] {strides = array<i32>} : memref<31808xi32, #tpu.memory_space<vmem>>, vector<16xi32>,
            tpu.vector_store %arg8[%swap3A_486], %broadcast_in_dim3A_21 {strides = array<i32>} : memref<31808xi32, #tpu.memory_space<vmem>>, vector<16xi32>,
            %scan3A_488 = arith.constant 3 : i32
            %scan3A_489 = arith.addi %scan3A_471, %scan3A_488 : i32
            %mul3A_490 = arith.constant 16 : i32
            %mul3A_491 = arith.muli %scan3A_489, %mul3A_490 : i32
            %swap3A_492 = arith.index_cast %mul3A_491 : i32 to index
            %swap3A_493 = tpu.vector_load %arg8[%swap3A_492] {strides = array<i32>} : memref<31808xi32, #tpu.memory_space<vmem>>, vector<16xi32>,
            tpu.vector_store %arg8[%swap3A_492], %broadcast_in_dim3A_21 {strides = array<i32>} : memref<31808xi32, #tpu.memory_space<vmem>>, vector<16xi32>,
            %scan3A_494 = arith.constant 4 : i32
            %scan3A_495 = arith.addi %scan3A_471, %scan3A_494 : i32
            %mul3A_496 = arith.constant 16 : i32
            %mul3A_497 = arith.muli %scan3A_495, %mul3A_496 : i32
            %swap3A_498 = arith.index_cast %mul3A_497 : i32 to index
            %swap3A_499 = tpu.vector_load %arg8[%swap3A_498] {strides = array<i32>} : memref<31808xi32, #tpu.memory_space<vmem>>, vector<16xi32>,
            tpu.vector_store %arg8[%swap3A_498], %broadcast_in_dim3A_21 {strides = array<i32>} : memref<31808xi32, #tpu.memory_space<vmem>>, vector<16xi32>,
            %scan3A_500 = arith.constant 5 : i32
            %scan3A_501 = arith.addi %scan3A_471, %scan3A_500 : i32
            %mul3A_502 = arith.constant 16 : i32
            %mul3A_503 = arith.muli %scan3A_501, %mul3A_502 : i32
            %swap3A_504 = arith.index_cast %mul3A_503 : i32 to index
            %swap3A_505 = tpu.vector_load %arg8[%swap3A_504] {strides = array<i32>} : memref<31808xi32, #tpu.memory_space<vmem>>, vector<16xi32>,
            tpu.vector_store %arg8[%swap3A_504], %broadcast_in_dim3A_21 {strides = array<i32>} : memref<31808xi32, #tpu.memory_space<vmem>>, vector<16xi32>,
            %scan3A_506 = arith.constant 6 : i32
            %scan3A_507 = arith.addi %scan3A_471, %scan3A_506 : i32
            %mul3A_508 = arith.constant 16 : i32
            %mul3A_509 = arith.muli %scan3A_507, %mul3A_508 : i32
            %swap3A_510 = arith.index_cast %mul3A_509 : i32 to index
            %swap3A_511 = tpu.vector_load %arg8[%swap3A_510] {strides = array<i32>} : memref<31808xi32, #tpu.memory_space<vmem>>, vector<16xi32>,
            tpu.vector_store %arg8[%swap3A_510], %broadcast_in_dim3A_21 {strides = array<i32>} : memref<31808xi32, #tpu.memory_space<vmem>>, vector<16xi32>,
            %scan3A_512 = arith.constant 7 : i32
            %scan3A_513 = arith.addi %scan3A_471, %scan3A_512 : i32
            %mul3A_514 = arith.constant 16 : i32
            %mul3A_515 = arith.muli %scan3A_513, %mul3A_514 : i32
            %swap3A_516 = arith.index_cast %mul3A_515 : i32 to index
            %swap3A_517 = tpu.vector_load %arg8[%swap3A_516] {strides = array<i32>} : memref<31808xi32, #tpu.memory_space<vmem>>, vector<16xi32>,
            tpu.vector_store %arg8[%swap3A_516], %broadcast_in_dim3A_21 {strides = array<i32>} : memref<31808xi32, #tpu.memory_space<vmem>>, vector<16xi32>,
          }
          %scan3A_447 = arith.constant 32 : i32
          %scan3A_448 = arith.addi %scan3A_443, %scan3A_447 : i32
          %mul3A_449 = arith.constant 16 : i32
          %mul3A_450 = arith.muli %scan3A_448, %mul3A_449 : i32
          %swap3A = arith.index_cast %mul3A_450 : i32 to index
          %swap3A_451 = tpu.vector_load %arg8[%swap3A] {strides = array<i32>} : memref<31808xi32, #tpu.memory_space<vmem>>, vector<16xi32>,
          tpu.vector_store %arg8[%swap3A], %broadcast_in_dim3A_21 {strides = array<i32>} : memref<31808xi32, #tpu.memory_space<vmem>>, vector<16xi32>,
          %scan3A_452 = arith.constant 33 : i32
          %scan3A_453 = arith.addi %scan3A_443, %scan3A_452 : i32
          %mul3A_454 = arith.constant 16 : i32
          %mul3A_455 = arith.muli %scan3A_453, %mul3A_454 : i32
          %swap3A_456 = arith.index_cast %mul3A_455 : i32 to index
          %swap3A_457 = tpu.vector_load %arg8[%swap3A_456] {strides = array<i32>} : memref<31808xi32, #tpu.memory_space<vmem>>, vector<16xi32>,
          tpu.vector_store %arg8[%swap3A_456], %broadcast_in_dim3A_21 {strides = array<i32>} : memref<31808xi32, #tpu.memory_space<vmem>>, vector<16xi32>,
          %scan3A_458 = arith.constant 34 : i32
          %scan3A_459 = arith.addi %scan3A_443, %scan3A_458 : i32
          %mul3A_460 = arith.constant 16 : i32
          %mul3A_461 = arith.muli %scan3A_459, %mul3A_460 : i32
          %swap3A_462 = arith.index_cast %mul3A_461 : i32 to index
          %swap3A_463 = tpu.vector_load %arg8[%swap3A_462] {strides = array<i32>} : memref<31808xi32, #tpu.memory_space<vmem>>, vector<16xi32>,
          tpu.vector_store %arg8[%swap3A_462], %broadcast_in_dim3A_21 {strides = array<i32>} : memref<31808xi32, #tpu.memory_space<vmem>>, vector<16xi32>,
          %scan3A_464 = arith.constant 35 : i32
          %scan3A_465 = arith.addi %scan3A_443, %scan3A_464 : i32
          %mul3A_466 = arith.constant 16 : i32
          %mul3A_467 = arith.muli %scan3A_465, %mul3A_466 : i32
          %swap3A_468 = arith.index_cast %mul3A_467 : i32 to index
          %swap3A_469 = tpu.vector_load %arg8[%swap3A_468] {strides = array<i32>} : memref<31808xi32, #tpu.memory_space<vmem>>, vector<16xi32>,
          tpu.vector_store %arg8[%swap3A_468], %broadcast_in_dim3A_21 {strides = array<i32>} : memref<31808xi32, #tpu.memory_space<vmem>>, vector<16xi32>,
          %scan3A_470 = arith.constant 36 : i32
        } else {
        }
      } else {
      }
      %ge3A = arith.constant 61 : i32
      %ge3A_142 = arith.cmpi sge, %scan3A_83, %ge3A : i32
      %convert_element_type3A_143 = arith.extui %ge3A_142 : i1 to i32
      %cond3A_144 = arith.constant 0 : i32
      %cond3A_145 = arith.cmpi ne, %convert_element_type3A_143, %cond3A_144 : i32
      scf.if %cond3A_145 {
        %scan3A_146 = arith.constant 0 : i32
        %scan3A_147 = arith.constant 0 : i32
        %sub3A_148 = arith.constant 61 : i32
        %sub3A_149 = arith.subi %scan3A_83, %sub3A_148 : i32
        %mul3A_150 = arith.constant 17 : i32
        %mul3A_151 = arith.muli %sub3A_149, %mul3A_150 : i32
        %add3A_152 = arith.addi %mul3A_151, %scan3A_147 : i32
        %lt3A_153 = arith.constant 1024 : i32
        %lt3A_154 = arith.cmpi slt, %add3A_152, %lt3A_153 : i32
        %convert_element_type3A_155 = arith.extui %lt3A_154 : i1 to i32
        %cond3A_156 = arith.constant 0 : i32
        %cond3A_157 = arith.cmpi ne, %convert_element_type3A_155, %cond3A_156 : i32
        scf.if %cond3A_157 {
          %mul3A_335 = arith.constant 16 : i32
          %mul3A_336 = arith.muli %add3A_152, %mul3A_335 : i32
          %get3A_337 = arith.index_cast %mul3A_336 : i32 to index
          %get3A_338 = tpu.vector_load %arg7[%get3A_337] {strides = array<i32>} : memref<16384xi32, #tpu.memory_space<vmem>>, vector<16xi32>,
          %iota3A = tpu.iota {dimensions = array<i32: 0>} : vector<16xi32>
          %mul3A_339 = arith.constant 16 : i32
          %mul3A_340 = arith.muli %add3A_152, %mul3A_339 : i32
          %add3A_341 = vector.broadcast %mul3A_340 : i32 to vector<16xi32>
          %add3A_342 = arith.addi %iota3A, %add3A_341 : vector<16xi32>
          %ge3A_343 = vector.broadcast %mul3A_2 : i32 to vector<16xi32>
          %ge3A_344 = arith.cmpi sge, %get3A_338, %ge3A_343 : vector<16xi32>
          %lt3A_345 = vector.broadcast %select_n3A_16 : i32 to vector<16xi32>
          %lt3A_346 = arith.cmpi slt, %get3A_338, %lt3A_345 : vector<16xi32>
          %and3A_347 = arith.andi %ge3A_344, %lt3A_346 : vector<16xi1>
          %sub3A_348 = vector.broadcast %mul3A_2 : i32 to vector<16xi32>
          %sub3A_349 = arith.subi %get3A_338, %sub3A_348 : vector<16xi32>
          tpu.vector_store_idx %arg8[%sub3A_349], %add3A_342 masked %and3A_347 : memref<31808xi32, #tpu.memory_space<vmem>>[vector<16xi32>], vector<16xi32>, vector<16xi1>
        } else {
        }
        %scan3A_158 = arith.constant 1 : i32
        %sub3A_159 = arith.constant 61 : i32
        %sub3A_160 = arith.subi %scan3A_83, %sub3A_159 : i32
        %mul3A_161 = arith.constant 17 : i32
        %mul3A_162 = arith.muli %sub3A_160, %mul3A_161 : i32
        %add3A_163 = arith.addi %mul3A_162, %scan3A_158 : i32
        %lt3A_164 = arith.constant 1024 : i32
        %lt3A_165 = arith.cmpi slt, %add3A_163, %lt3A_164 : i32
        %convert_element_type3A_166 = arith.extui %lt3A_165 : i1 to i32
        %cond3A_167 = arith.constant 0 : i32
        %cond3A_168 = arith.cmpi ne, %convert_element_type3A_166, %cond3A_167 : i32
        scf.if %cond3A_168 {
          %mul3A_335 = arith.constant 16 : i32
          %mul3A_336 = arith.muli %add3A_163, %mul3A_335 : i32
          %get3A_337 = arith.index_cast %mul3A_336 : i32 to index
          %get3A_338 = tpu.vector_load %arg7[%get3A_337] {strides = array<i32>} : memref<16384xi32, #tpu.memory_space<vmem>>, vector<16xi32>,
          %iota3A = tpu.iota {dimensions = array<i32: 0>} : vector<16xi32>
          %mul3A_339 = arith.constant 16 : i32
          %mul3A_340 = arith.muli %add3A_163, %mul3A_339 : i32
          %add3A_341 = vector.broadcast %mul3A_340 : i32 to vector<16xi32>
          %add3A_342 = arith.addi %iota3A, %add3A_341 : vector<16xi32>
          %ge3A_343 = vector.broadcast %mul3A_2 : i32 to vector<16xi32>
          %ge3A_344 = arith.cmpi sge, %get3A_338, %ge3A_343 : vector<16xi32>
          %lt3A_345 = vector.broadcast %select_n3A_16 : i32 to vector<16xi32>
          %lt3A_346 = arith.cmpi slt, %get3A_338, %lt3A_345 : vector<16xi32>
          %and3A_347 = arith.andi %ge3A_344, %lt3A_346 : vector<16xi1>
          %sub3A_348 = vector.broadcast %mul3A_2 : i32 to vector<16xi32>
          %sub3A_349 = arith.subi %get3A_338, %sub3A_348 : vector<16xi32>
          tpu.vector_store_idx %arg8[%sub3A_349], %add3A_342 masked %and3A_347 : memref<31808xi32, #tpu.memory_space<vmem>>[vector<16xi32>], vector<16xi32>, vector<16xi1>
        } else {
        }
        %scan3A_169 = arith.constant 2 : i32
        %sub3A_170 = arith.constant 61 : i32
        %sub3A_171 = arith.subi %scan3A_83, %sub3A_170 : i32
        %mul3A_172 = arith.constant 17 : i32
        %mul3A_173 = arith.muli %sub3A_171, %mul3A_172 : i32
        %add3A_174 = arith.addi %mul3A_173, %scan3A_169 : i32
        %lt3A_175 = arith.constant 1024 : i32
        %lt3A_176 = arith.cmpi slt, %add3A_174, %lt3A_175 : i32
        %convert_element_type3A_177 = arith.extui %lt3A_176 : i1 to i32
        %cond3A_178 = arith.constant 0 : i32
        %cond3A_179 = arith.cmpi ne, %convert_element_type3A_177, %cond3A_178 : i32
        scf.if %cond3A_179 {
          %mul3A_335 = arith.constant 16 : i32
          %mul3A_336 = arith.muli %add3A_174, %mul3A_335 : i32
          %get3A_337 = arith.index_cast %mul3A_336 : i32 to index
          %get3A_338 = tpu.vector_load %arg7[%get3A_337] {strides = array<i32>} : memref<16384xi32, #tpu.memory_space<vmem>>, vector<16xi32>,
          %iota3A = tpu.iota {dimensions = array<i32: 0>} : vector<16xi32>
          %mul3A_339 = arith.constant 16 : i32
          %mul3A_340 = arith.muli %add3A_174, %mul3A_339 : i32
          %add3A_341 = vector.broadcast %mul3A_340 : i32 to vector<16xi32>
          %add3A_342 = arith.addi %iota3A, %add3A_341 : vector<16xi32>
          %ge3A_343 = vector.broadcast %mul3A_2 : i32 to vector<16xi32>
          %ge3A_344 = arith.cmpi sge, %get3A_338, %ge3A_343 : vector<16xi32>
          %lt3A_345 = vector.broadcast %select_n3A_16 : i32 to vector<16xi32>
          %lt3A_346 = arith.cmpi slt, %get3A_338, %lt3A_345 : vector<16xi32>
          %and3A_347 = arith.andi %ge3A_344, %lt3A_346 : vector<16xi1>
          %sub3A_348 = vector.broadcast %mul3A_2 : i32 to vector<16xi32>
          %sub3A_349 = arith.subi %get3A_338, %sub3A_348 : vector<16xi32>
          tpu.vector_store_idx %arg8[%sub3A_349], %add3A_342 masked %and3A_347 : memref<31808xi32, #tpu.memory_space<vmem>>[vector<16xi32>], vector<16xi32>, vector<16xi1>
        } else {
        }
        %scan3A_180 = arith.constant 3 : i32
        %sub3A_181 = arith.constant 61 : i32
        %sub3A_182 = arith.subi %scan3A_83, %sub3A_181 : i32
        %mul3A_183 = arith.constant 17 : i32
        %mul3A_184 = arith.muli %sub3A_182, %mul3A_183 : i32
        %add3A_185 = arith.addi %mul3A_184, %scan3A_180 : i32
        %lt3A_186 = arith.constant 1024 : i32
        %lt3A_187 = arith.cmpi slt, %add3A_185, %lt3A_186 : i32
        %convert_element_type3A_188 = arith.extui %lt3A_187 : i1 to i32
        %cond3A_189 = arith.constant 0 : i32
        %cond3A_190 = arith.cmpi ne, %convert_element_type3A_188, %cond3A_189 : i32
        scf.if %cond3A_190 {
          %mul3A_335 = arith.constant 16 : i32
          %mul3A_336 = arith.muli %add3A_185, %mul3A_335 : i32
          %get3A_337 = arith.index_cast %mul3A_336 : i32 to index
          %get3A_338 = tpu.vector_load %arg7[%get3A_337] {strides = array<i32>} : memref<16384xi32, #tpu.memory_space<vmem>>, vector<16xi32>,
          %iota3A = tpu.iota {dimensions = array<i32: 0>} : vector<16xi32>
          %mul3A_339 = arith.constant 16 : i32
          %mul3A_340 = arith.muli %add3A_185, %mul3A_339 : i32
          %add3A_341 = vector.broadcast %mul3A_340 : i32 to vector<16xi32>
          %add3A_342 = arith.addi %iota3A, %add3A_341 : vector<16xi32>
          %ge3A_343 = vector.broadcast %mul3A_2 : i32 to vector<16xi32>
          %ge3A_344 = arith.cmpi sge, %get3A_338, %ge3A_343 : vector<16xi32>
          %lt3A_345 = vector.broadcast %select_n3A_16 : i32 to vector<16xi32>
          %lt3A_346 = arith.cmpi slt, %get3A_338, %lt3A_345 : vector<16xi32>
          %and3A_347 = arith.andi %ge3A_344, %lt3A_346 : vector<16xi1>
          %sub3A_348 = vector.broadcast %mul3A_2 : i32 to vector<16xi32>
          %sub3A_349 = arith.subi %get3A_338, %sub3A_348 : vector<16xi32>
          tpu.vector_store_idx %arg8[%sub3A_349], %add3A_342 masked %and3A_347 : memref<31808xi32, #tpu.memory_space<vmem>>[vector<16xi32>], vector<16xi32>, vector<16xi1>
        } else {
        }
        %scan3A_191 = arith.constant 4 : i32
        %sub3A_192 = arith.constant 61 : i32
        %sub3A_193 = arith.subi %scan3A_83, %sub3A_192 : i32
        %mul3A_194 = arith.constant 17 : i32
        %mul3A_195 = arith.muli %sub3A_193, %mul3A_194 : i32
        %add3A_196 = arith.addi %mul3A_195, %scan3A_191 : i32
        %lt3A_197 = arith.constant 1024 : i32
        %lt3A_198 = arith.cmpi slt, %add3A_196, %lt3A_197 : i32
        %convert_element_type3A_199 = arith.extui %lt3A_198 : i1 to i32
        %cond3A_200 = arith.constant 0 : i32
        %cond3A_201 = arith.cmpi ne, %convert_element_type3A_199, %cond3A_200 : i32
        scf.if %cond3A_201 {
          %mul3A_335 = arith.constant 16 : i32
          %mul3A_336 = arith.muli %add3A_196, %mul3A_335 : i32
          %get3A_337 = arith.index_cast %mul3A_336 : i32 to index
          %get3A_338 = tpu.vector_load %arg7[%get3A_337] {strides = array<i32>} : memref<16384xi32, #tpu.memory_space<vmem>>, vector<16xi32>,
          %iota3A = tpu.iota {dimensions = array<i32: 0>} : vector<16xi32>
          %mul3A_339 = arith.constant 16 : i32
          %mul3A_340 = arith.muli %add3A_196, %mul3A_339 : i32
          %add3A_341 = vector.broadcast %mul3A_340 : i32 to vector<16xi32>
          %add3A_342 = arith.addi %iota3A, %add3A_341 : vector<16xi32>
          %ge3A_343 = vector.broadcast %mul3A_2 : i32 to vector<16xi32>
          %ge3A_344 = arith.cmpi sge, %get3A_338, %ge3A_343 : vector<16xi32>
          %lt3A_345 = vector.broadcast %select_n3A_16 : i32 to vector<16xi32>
          %lt3A_346 = arith.cmpi slt, %get3A_338, %lt3A_345 : vector<16xi32>
          %and3A_347 = arith.andi %ge3A_344, %lt3A_346 : vector<16xi1>
          %sub3A_348 = vector.broadcast %mul3A_2 : i32 to vector<16xi32>
          %sub3A_349 = arith.subi %get3A_338, %sub3A_348 : vector<16xi32>
          tpu.vector_store_idx %arg8[%sub3A_349], %add3A_342 masked %and3A_347 : memref<31808xi32, #tpu.memory_space<vmem>>[vector<16xi32>], vector<16xi32>, vector<16xi1>
        } else {
        }
        %scan3A_202 = arith.constant 5 : i32
        %sub3A_203 = arith.constant 61 : i32
        %sub3A_204 = arith.subi %scan3A_83, %sub3A_203 : i32
        %mul3A_205 = arith.constant 17 : i32
        %mul3A_206 = arith.muli %sub3A_204, %mul3A_205 : i32
        %add3A_207 = arith.addi %mul3A_206, %scan3A_202 : i32
        %lt3A_208 = arith.constant 1024 : i32
        %lt3A_209 = arith.cmpi slt, %add3A_207, %lt3A_208 : i32
        %convert_element_type3A_210 = arith.extui %lt3A_209 : i1 to i32
        %cond3A_211 = arith.constant 0 : i32
        %cond3A_212 = arith.cmpi ne, %convert_element_type3A_210, %cond3A_211 : i32
        scf.if %cond3A_212 {
          %mul3A_335 = arith.constant 16 : i32
          %mul3A_336 = arith.muli %add3A_207, %mul3A_335 : i32
          %get3A_337 = arith.index_cast %mul3A_336 : i32 to index
          %get3A_338 = tpu.vector_load %arg7[%get3A_337] {strides = array<i32>} : memref<16384xi32, #tpu.memory_space<vmem>>, vector<16xi32>,
          %iota3A = tpu.iota {dimensions = array<i32: 0>} : vector<16xi32>
          %mul3A_339 = arith.constant 16 : i32
          %mul3A_340 = arith.muli %add3A_207, %mul3A_339 : i32
          %add3A_341 = vector.broadcast %mul3A_340 : i32 to vector<16xi32>
          %add3A_342 = arith.addi %iota3A, %add3A_341 : vector<16xi32>
          %ge3A_343 = vector.broadcast %mul3A_2 : i32 to vector<16xi32>
          %ge3A_344 = arith.cmpi sge, %get3A_338, %ge3A_343 : vector<16xi32>
          %lt3A_345 = vector.broadcast %select_n3A_16 : i32 to vector<16xi32>
          %lt3A_346 = arith.cmpi slt, %get3A_338, %lt3A_345 : vector<16xi32>
          %and3A_347 = arith.andi %ge3A_344, %lt3A_346 : vector<16xi1>
          %sub3A_348 = vector.broadcast %mul3A_2 : i32 to vector<16xi32>
          %sub3A_349 = arith.subi %get3A_338, %sub3A_348 : vector<16xi32>
          tpu.vector_store_idx %arg8[%sub3A_349], %add3A_342 masked %and3A_347 : memref<31808xi32, #tpu.memory_space<vmem>>[vector<16xi32>], vector<16xi32>, vector<16xi1>
        } else {
        }
        %scan3A_213 = arith.constant 6 : i32
        %sub3A_214 = arith.constant 61 : i32
        %sub3A_215 = arith.subi %scan3A_83, %sub3A_214 : i32
        %mul3A_216 = arith.constant 17 : i32
        %mul3A_217 = arith.muli %sub3A_215, %mul3A_216 : i32
        %add3A_218 = arith.addi %mul3A_217, %scan3A_213 : i32
        %lt3A_219 = arith.constant 1024 : i32
        %lt3A_220 = arith.cmpi slt, %add3A_218, %lt3A_219 : i32
        %convert_element_type3A_221 = arith.extui %lt3A_220 : i1 to i32
        %cond3A_222 = arith.constant 0 : i32
        %cond3A_223 = arith.cmpi ne, %convert_element_type3A_221, %cond3A_222 : i32
        scf.if %cond3A_223 {
          %mul3A_335 = arith.constant 16 : i32
          %mul3A_336 = arith.muli %add3A_218, %mul3A_335 : i32
          %get3A_337 = arith.index_cast %mul3A_336 : i32 to index
          %get3A_338 = tpu.vector_load %arg7[%get3A_337] {strides = array<i32>} : memref<16384xi32, #tpu.memory_space<vmem>>, vector<16xi32>,
          %iota3A = tpu.iota {dimensions = array<i32: 0>} : vector<16xi32>
          %mul3A_339 = arith.constant 16 : i32
          %mul3A_340 = arith.muli %add3A_218, %mul3A_339 : i32
          %add3A_341 = vector.broadcast %mul3A_340 : i32 to vector<16xi32>
          %add3A_342 = arith.addi %iota3A, %add3A_341 : vector<16xi32>
          %ge3A_343 = vector.broadcast %mul3A_2 : i32 to vector<16xi32>
          %ge3A_344 = arith.cmpi sge, %get3A_338, %ge3A_343 : vector<16xi32>
          %lt3A_345 = vector.broadcast %select_n3A_16 : i32 to vector<16xi32>
          %lt3A_346 = arith.cmpi slt, %get3A_338, %lt3A_345 : vector<16xi32>
          %and3A_347 = arith.andi %ge3A_344, %lt3A_346 : vector<16xi1>
          %sub3A_348 = vector.broadcast %mul3A_2 : i32 to vector<16xi32>
          %sub3A_349 = arith.subi %get3A_338, %sub3A_348 : vector<16xi32>
          tpu.vector_store_idx %arg8[%sub3A_349], %add3A_342 masked %and3A_347 : memref<31808xi32, #tpu.memory_space<vmem>>[vector<16xi32>], vector<16xi32>, vector<16xi1>
        } else {
        }
        %scan3A_224 = arith.constant 7 : i32
        %sub3A_225 = arith.constant 61 : i32
        %sub3A_226 = arith.subi %scan3A_83, %sub3A_225 : i32
        %mul3A_227 = arith.constant 17 : i32
        %mul3A_228 = arith.muli %sub3A_226, %mul3A_227 : i32
        %add3A_229 = arith.addi %mul3A_228, %scan3A_224 : i32
        %lt3A_230 = arith.constant 1024 : i32
        %lt3A_231 = arith.cmpi slt, %add3A_229, %lt3A_230 : i32
        %convert_element_type3A_232 = arith.extui %lt3A_231 : i1 to i32
        %cond3A_233 = arith.constant 0 : i32
        %cond3A_234 = arith.cmpi ne, %convert_element_type3A_232, %cond3A_233 : i32
        scf.if %cond3A_234 {
          %mul3A_335 = arith.constant 16 : i32
          %mul3A_336 = arith.muli %add3A_229, %mul3A_335 : i32
          %get3A_337 = arith.index_cast %mul3A_336 : i32 to index
          %get3A_338 = tpu.vector_load %arg7[%get3A_337] {strides = array<i32>} : memref<16384xi32, #tpu.memory_space<vmem>>, vector<16xi32>,
          %iota3A = tpu.iota {dimensions = array<i32: 0>} : vector<16xi32>
          %mul3A_339 = arith.constant 16 : i32
          %mul3A_340 = arith.muli %add3A_229, %mul3A_339 : i32
          %add3A_341 = vector.broadcast %mul3A_340 : i32 to vector<16xi32>
          %add3A_342 = arith.addi %iota3A, %add3A_341 : vector<16xi32>
          %ge3A_343 = vector.broadcast %mul3A_2 : i32 to vector<16xi32>
          %ge3A_344 = arith.cmpi sge, %get3A_338, %ge3A_343 : vector<16xi32>
          %lt3A_345 = vector.broadcast %select_n3A_16 : i32 to vector<16xi32>
          %lt3A_346 = arith.cmpi slt, %get3A_338, %lt3A_345 : vector<16xi32>
          %and3A_347 = arith.andi %ge3A_344, %lt3A_346 : vector<16xi1>
          %sub3A_348 = vector.broadcast %mul3A_2 : i32 to vector<16xi32>
          %sub3A_349 = arith.subi %get3A_338, %sub3A_348 : vector<16xi32>
          tpu.vector_store_idx %arg8[%sub3A_349], %add3A_342 masked %and3A_347 : memref<31808xi32, #tpu.memory_space<vmem>>[vector<16xi32>], vector<16xi32>, vector<16xi1>
        } else {
        }
        %scan3A_235 = arith.constant 8 : i32
        %sub3A_236 = arith.constant 61 : i32
        %sub3A_237 = arith.subi %scan3A_83, %sub3A_236 : i32
        %mul3A_238 = arith.constant 17 : i32
        %mul3A_239 = arith.muli %sub3A_237, %mul3A_238 : i32
        %add3A_240 = arith.addi %mul3A_239, %scan3A_235 : i32
        %lt3A_241 = arith.constant 1024 : i32
        %lt3A_242 = arith.cmpi slt, %add3A_240, %lt3A_241 : i32
        %convert_element_type3A_243 = arith.extui %lt3A_242 : i1 to i32
        %cond3A_244 = arith.constant 0 : i32
        %cond3A_245 = arith.cmpi ne, %convert_element_type3A_243, %cond3A_244 : i32
        scf.if %cond3A_245 {
          %mul3A_335 = arith.constant 16 : i32
          %mul3A_336 = arith.muli %add3A_240, %mul3A_335 : i32
          %get3A_337 = arith.index_cast %mul3A_336 : i32 to index
          %get3A_338 = tpu.vector_load %arg7[%get3A_337] {strides = array<i32>} : memref<16384xi32, #tpu.memory_space<vmem>>, vector<16xi32>,
          %iota3A = tpu.iota {dimensions = array<i32: 0>} : vector<16xi32>
          %mul3A_339 = arith.constant 16 : i32
          %mul3A_340 = arith.muli %add3A_240, %mul3A_339 : i32
          %add3A_341 = vector.broadcast %mul3A_340 : i32 to vector<16xi32>
          %add3A_342 = arith.addi %iota3A, %add3A_341 : vector<16xi32>
          %ge3A_343 = vector.broadcast %mul3A_2 : i32 to vector<16xi32>
          %ge3A_344 = arith.cmpi sge, %get3A_338, %ge3A_343 : vector<16xi32>
          %lt3A_345 = vector.broadcast %select_n3A_16 : i32 to vector<16xi32>
          %lt3A_346 = arith.cmpi slt, %get3A_338, %lt3A_345 : vector<16xi32>
          %and3A_347 = arith.andi %ge3A_344, %lt3A_346 : vector<16xi1>
          %sub3A_348 = vector.broadcast %mul3A_2 : i32 to vector<16xi32>
          %sub3A_349 = arith.subi %get3A_338, %sub3A_348 : vector<16xi32>
          tpu.vector_store_idx %arg8[%sub3A_349], %add3A_342 masked %and3A_347 : memref<31808xi32, #tpu.memory_space<vmem>>[vector<16xi32>], vector<16xi32>, vector<16xi1>
        } else {
        }
        %scan3A_246 = arith.constant 9 : i32
        %sub3A_247 = arith.constant 61 : i32
        %sub3A_248 = arith.subi %scan3A_83, %sub3A_247 : i32
        %mul3A_249 = arith.constant 17 : i32
        %mul3A_250 = arith.muli %sub3A_248, %mul3A_249 : i32
        %add3A_251 = arith.addi %mul3A_250, %scan3A_246 : i32
        %lt3A_252 = arith.constant 1024 : i32
        %lt3A_253 = arith.cmpi slt, %add3A_251, %lt3A_252 : i32
        %convert_element_type3A_254 = arith.extui %lt3A_253 : i1 to i32
        %cond3A_255 = arith.constant 0 : i32
        %cond3A_256 = arith.cmpi ne, %convert_element_type3A_254, %cond3A_255 : i32
        scf.if %cond3A_256 {
          %mul3A_335 = arith.constant 16 : i32
          %mul3A_336 = arith.muli %add3A_251, %mul3A_335 : i32
          %get3A_337 = arith.index_cast %mul3A_336 : i32 to index
          %get3A_338 = tpu.vector_load %arg7[%get3A_337] {strides = array<i32>} : memref<16384xi32, #tpu.memory_space<vmem>>, vector<16xi32>,
          %iota3A = tpu.iota {dimensions = array<i32: 0>} : vector<16xi32>
          %mul3A_339 = arith.constant 16 : i32
          %mul3A_340 = arith.muli %add3A_251, %mul3A_339 : i32
          %add3A_341 = vector.broadcast %mul3A_340 : i32 to vector<16xi32>
          %add3A_342 = arith.addi %iota3A, %add3A_341 : vector<16xi32>
          %ge3A_343 = vector.broadcast %mul3A_2 : i32 to vector<16xi32>
          %ge3A_344 = arith.cmpi sge, %get3A_338, %ge3A_343 : vector<16xi32>
          %lt3A_345 = vector.broadcast %select_n3A_16 : i32 to vector<16xi32>
          %lt3A_346 = arith.cmpi slt, %get3A_338, %lt3A_345 : vector<16xi32>
          %and3A_347 = arith.andi %ge3A_344, %lt3A_346 : vector<16xi1>
          %sub3A_348 = vector.broadcast %mul3A_2 : i32 to vector<16xi32>
          %sub3A_349 = arith.subi %get3A_338, %sub3A_348 : vector<16xi32>
          tpu.vector_store_idx %arg8[%sub3A_349], %add3A_342 masked %and3A_347 : memref<31808xi32, #tpu.memory_space<vmem>>[vector<16xi32>], vector<16xi32>, vector<16xi1>
        } else {
        }
        %scan3A_257 = arith.constant 10 : i32
        %sub3A_258 = arith.constant 61 : i32
        %sub3A_259 = arith.subi %scan3A_83, %sub3A_258 : i32
        %mul3A_260 = arith.constant 17 : i32
        %mul3A_261 = arith.muli %sub3A_259, %mul3A_260 : i32
        %add3A_262 = arith.addi %mul3A_261, %scan3A_257 : i32
        %lt3A_263 = arith.constant 1024 : i32
        %lt3A_264 = arith.cmpi slt, %add3A_262, %lt3A_263 : i32
        %convert_element_type3A_265 = arith.extui %lt3A_264 : i1 to i32
        %cond3A_266 = arith.constant 0 : i32
        %cond3A_267 = arith.cmpi ne, %convert_element_type3A_265, %cond3A_266 : i32
        scf.if %cond3A_267 {
          %mul3A_335 = arith.constant 16 : i32
          %mul3A_336 = arith.muli %add3A_262, %mul3A_335 : i32
          %get3A_337 = arith.index_cast %mul3A_336 : i32 to index
          %get3A_338 = tpu.vector_load %arg7[%get3A_337] {strides = array<i32>} : memref<16384xi32, #tpu.memory_space<vmem>>, vector<16xi32>,
          %iota3A = tpu.iota {dimensions = array<i32: 0>} : vector<16xi32>
          %mul3A_339 = arith.constant 16 : i32
          %mul3A_340 = arith.muli %add3A_262, %mul3A_339 : i32
          %add3A_341 = vector.broadcast %mul3A_340 : i32 to vector<16xi32>
          %add3A_342 = arith.addi %iota3A, %add3A_341 : vector<16xi32>
          %ge3A_343 = vector.broadcast %mul3A_2 : i32 to vector<16xi32>
          %ge3A_344 = arith.cmpi sge, %get3A_338, %ge3A_343 : vector<16xi32>
          %lt3A_345 = vector.broadcast %select_n3A_16 : i32 to vector<16xi32>
          %lt3A_346 = arith.cmpi slt, %get3A_338, %lt3A_345 : vector<16xi32>
          %and3A_347 = arith.andi %ge3A_344, %lt3A_346 : vector<16xi1>
          %sub3A_348 = vector.broadcast %mul3A_2 : i32 to vector<16xi32>
          %sub3A_349 = arith.subi %get3A_338, %sub3A_348 : vector<16xi32>
          tpu.vector_store_idx %arg8[%sub3A_349], %add3A_342 masked %and3A_347 : memref<31808xi32, #tpu.memory_space<vmem>>[vector<16xi32>], vector<16xi32>, vector<16xi1>
        } else {
        }
        %scan3A_268 = arith.constant 11 : i32
        %sub3A_269 = arith.constant 61 : i32
        %sub3A_270 = arith.subi %scan3A_83, %sub3A_269 : i32
        %mul3A_271 = arith.constant 17 : i32
        %mul3A_272 = arith.muli %sub3A_270, %mul3A_271 : i32
        %add3A_273 = arith.addi %mul3A_272, %scan3A_268 : i32
        %lt3A_274 = arith.constant 1024 : i32
        %lt3A_275 = arith.cmpi slt, %add3A_273, %lt3A_274 : i32
        %convert_element_type3A_276 = arith.extui %lt3A_275 : i1 to i32
        %cond3A_277 = arith.constant 0 : i32
        %cond3A_278 = arith.cmpi ne, %convert_element_type3A_276, %cond3A_277 : i32
        scf.if %cond3A_278 {
          %mul3A_335 = arith.constant 16 : i32
          %mul3A_336 = arith.muli %add3A_273, %mul3A_335 : i32
          %get3A_337 = arith.index_cast %mul3A_336 : i32 to index
          %get3A_338 = tpu.vector_load %arg7[%get3A_337] {strides = array<i32>} : memref<16384xi32, #tpu.memory_space<vmem>>, vector<16xi32>,
          %iota3A = tpu.iota {dimensions = array<i32: 0>} : vector<16xi32>
          %mul3A_339 = arith.constant 16 : i32
          %mul3A_340 = arith.muli %add3A_273, %mul3A_339 : i32
          %add3A_341 = vector.broadcast %mul3A_340 : i32 to vector<16xi32>
          %add3A_342 = arith.addi %iota3A, %add3A_341 : vector<16xi32>
          %ge3A_343 = vector.broadcast %mul3A_2 : i32 to vector<16xi32>
          %ge3A_344 = arith.cmpi sge, %get3A_338, %ge3A_343 : vector<16xi32>
          %lt3A_345 = vector.broadcast %select_n3A_16 : i32 to vector<16xi32>
          %lt3A_346 = arith.cmpi slt, %get3A_338, %lt3A_345 : vector<16xi32>
          %and3A_347 = arith.andi %ge3A_344, %lt3A_346 : vector<16xi1>
          %sub3A_348 = vector.broadcast %mul3A_2 : i32 to vector<16xi32>
          %sub3A_349 = arith.subi %get3A_338, %sub3A_348 : vector<16xi32>
          tpu.vector_store_idx %arg8[%sub3A_349], %add3A_342 masked %and3A_347 : memref<31808xi32, #tpu.memory_space<vmem>>[vector<16xi32>], vector<16xi32>, vector<16xi1>
        } else {
        }
        %scan3A_279 = arith.constant 12 : i32
        %sub3A_280 = arith.constant 61 : i32
        %sub3A_281 = arith.subi %scan3A_83, %sub3A_280 : i32
        %mul3A_282 = arith.constant 17 : i32
        %mul3A_283 = arith.muli %sub3A_281, %mul3A_282 : i32
        %add3A_284 = arith.addi %mul3A_283, %scan3A_279 : i32
        %lt3A_285 = arith.constant 1024 : i32
        %lt3A_286 = arith.cmpi slt, %add3A_284, %lt3A_285 : i32
        %convert_element_type3A_287 = arith.extui %lt3A_286 : i1 to i32
        %cond3A_288 = arith.constant 0 : i32
        %cond3A_289 = arith.cmpi ne, %convert_element_type3A_287, %cond3A_288 : i32
        scf.if %cond3A_289 {
          %mul3A_335 = arith.constant 16 : i32
          %mul3A_336 = arith.muli %add3A_284, %mul3A_335 : i32
          %get3A_337 = arith.index_cast %mul3A_336 : i32 to index
          %get3A_338 = tpu.vector_load %arg7[%get3A_337] {strides = array<i32>} : memref<16384xi32, #tpu.memory_space<vmem>>, vector<16xi32>,
          %iota3A = tpu.iota {dimensions = array<i32: 0>} : vector<16xi32>
          %mul3A_339 = arith.constant 16 : i32
          %mul3A_340 = arith.muli %add3A_284, %mul3A_339 : i32
          %add3A_341 = vector.broadcast %mul3A_340 : i32 to vector<16xi32>
          %add3A_342 = arith.addi %iota3A, %add3A_341 : vector<16xi32>
          %ge3A_343 = vector.broadcast %mul3A_2 : i32 to vector<16xi32>
          %ge3A_344 = arith.cmpi sge, %get3A_338, %ge3A_343 : vector<16xi32>
          %lt3A_345 = vector.broadcast %select_n3A_16 : i32 to vector<16xi32>
          %lt3A_346 = arith.cmpi slt, %get3A_338, %lt3A_345 : vector<16xi32>
          %and3A_347 = arith.andi %ge3A_344, %lt3A_346 : vector<16xi1>
          %sub3A_348 = vector.broadcast %mul3A_2 : i32 to vector<16xi32>
          %sub3A_349 = arith.subi %get3A_338, %sub3A_348 : vector<16xi32>
          tpu.vector_store_idx %arg8[%sub3A_349], %add3A_342 masked %and3A_347 : memref<31808xi32, #tpu.memory_space<vmem>>[vector<16xi32>], vector<16xi32>, vector<16xi1>
        } else {
        }
        %scan3A_290 = arith.constant 13 : i32
        %sub3A_291 = arith.constant 61 : i32
        %sub3A_292 = arith.subi %scan3A_83, %sub3A_291 : i32
        %mul3A_293 = arith.constant 17 : i32
        %mul3A_294 = arith.muli %sub3A_292, %mul3A_293 : i32
        %add3A_295 = arith.addi %mul3A_294, %scan3A_290 : i32
        %lt3A_296 = arith.constant 1024 : i32
        %lt3A_297 = arith.cmpi slt, %add3A_295, %lt3A_296 : i32
        %convert_element_type3A_298 = arith.extui %lt3A_297 : i1 to i32
        %cond3A_299 = arith.constant 0 : i32
        %cond3A_300 = arith.cmpi ne, %convert_element_type3A_298, %cond3A_299 : i32
        scf.if %cond3A_300 {
          %mul3A_335 = arith.constant 16 : i32
          %mul3A_336 = arith.muli %add3A_295, %mul3A_335 : i32
          %get3A_337 = arith.index_cast %mul3A_336 : i32 to index
          %get3A_338 = tpu.vector_load %arg7[%get3A_337] {strides = array<i32>} : memref<16384xi32, #tpu.memory_space<vmem>>, vector<16xi32>,
          %iota3A = tpu.iota {dimensions = array<i32: 0>} : vector<16xi32>
          %mul3A_339 = arith.constant 16 : i32
          %mul3A_340 = arith.muli %add3A_295, %mul3A_339 : i32
          %add3A_341 = vector.broadcast %mul3A_340 : i32 to vector<16xi32>
          %add3A_342 = arith.addi %iota3A, %add3A_341 : vector<16xi32>
          %ge3A_343 = vector.broadcast %mul3A_2 : i32 to vector<16xi32>
          %ge3A_344 = arith.cmpi sge, %get3A_338, %ge3A_343 : vector<16xi32>
          %lt3A_345 = vector.broadcast %select_n3A_16 : i32 to vector<16xi32>
          %lt3A_346 = arith.cmpi slt, %get3A_338, %lt3A_345 : vector<16xi32>
          %and3A_347 = arith.andi %ge3A_344, %lt3A_346 : vector<16xi1>
          %sub3A_348 = vector.broadcast %mul3A_2 : i32 to vector<16xi32>
          %sub3A_349 = arith.subi %get3A_338, %sub3A_348 : vector<16xi32>
          tpu.vector_store_idx %arg8[%sub3A_349], %add3A_342 masked %and3A_347 : memref<31808xi32, #tpu.memory_space<vmem>>[vector<16xi32>], vector<16xi32>, vector<16xi1>
        } else {
        }
        %scan3A_301 = arith.constant 14 : i32
        %sub3A_302 = arith.constant 61 : i32
        %sub3A_303 = arith.subi %scan3A_83, %sub3A_302 : i32
        %mul3A_304 = arith.constant 17 : i32
        %mul3A_305 = arith.muli %sub3A_303, %mul3A_304 : i32
        %add3A_306 = arith.addi %mul3A_305, %scan3A_301 : i32
        %lt3A_307 = arith.constant 1024 : i32
        %lt3A_308 = arith.cmpi slt, %add3A_306, %lt3A_307 : i32
        %convert_element_type3A_309 = arith.extui %lt3A_308 : i1 to i32
        %cond3A_310 = arith.constant 0 : i32
        %cond3A_311 = arith.cmpi ne, %convert_element_type3A_309, %cond3A_310 : i32
        scf.if %cond3A_311 {
          %mul3A_335 = arith.constant 16 : i32
          %mul3A_336 = arith.muli %add3A_306, %mul3A_335 : i32
          %get3A_337 = arith.index_cast %mul3A_336 : i32 to index
          %get3A_338 = tpu.vector_load %arg7[%get3A_337] {strides = array<i32>} : memref<16384xi32, #tpu.memory_space<vmem>>, vector<16xi32>,
          %iota3A = tpu.iota {dimensions = array<i32: 0>} : vector<16xi32>
          %mul3A_339 = arith.constant 16 : i32
          %mul3A_340 = arith.muli %add3A_306, %mul3A_339 : i32
          %add3A_341 = vector.broadcast %mul3A_340 : i32 to vector<16xi32>
          %add3A_342 = arith.addi %iota3A, %add3A_341 : vector<16xi32>
          %ge3A_343 = vector.broadcast %mul3A_2 : i32 to vector<16xi32>
          %ge3A_344 = arith.cmpi sge, %get3A_338, %ge3A_343 : vector<16xi32>
          %lt3A_345 = vector.broadcast %select_n3A_16 : i32 to vector<16xi32>
          %lt3A_346 = arith.cmpi slt, %get3A_338, %lt3A_345 : vector<16xi32>
          %and3A_347 = arith.andi %ge3A_344, %lt3A_346 : vector<16xi1>
          %sub3A_348 = vector.broadcast %mul3A_2 : i32 to vector<16xi32>
          %sub3A_349 = arith.subi %get3A_338, %sub3A_348 : vector<16xi32>
          tpu.vector_store_idx %arg8[%sub3A_349], %add3A_342 masked %and3A_347 : memref<31808xi32, #tpu.memory_space<vmem>>[vector<16xi32>], vector<16xi32>, vector<16xi1>
        } else {
        }
        %scan3A_312 = arith.constant 15 : i32
        %sub3A_313 = arith.constant 61 : i32
        %sub3A_314 = arith.subi %scan3A_83, %sub3A_313 : i32
        %mul3A_315 = arith.constant 17 : i32
        %mul3A_316 = arith.muli %sub3A_314, %mul3A_315 : i32
        %add3A_317 = arith.addi %mul3A_316, %scan3A_312 : i32
        %lt3A_318 = arith.constant 1024 : i32
        %lt3A_319 = arith.cmpi slt, %add3A_317, %lt3A_318 : i32
        %convert_element_type3A_320 = arith.extui %lt3A_319 : i1 to i32
        %cond3A_321 = arith.constant 0 : i32
        %cond3A_322 = arith.cmpi ne, %convert_element_type3A_320, %cond3A_321 : i32
        scf.if %cond3A_322 {
          %mul3A_335 = arith.constant 16 : i32
          %mul3A_336 = arith.muli %add3A_317, %mul3A_335 : i32
          %get3A_337 = arith.index_cast %mul3A_336 : i32 to index
          %get3A_338 = tpu.vector_load %arg7[%get3A_337] {strides = array<i32>} : memref<16384xi32, #tpu.memory_space<vmem>>, vector<16xi32>,
          %iota3A = tpu.iota {dimensions = array<i32: 0>} : vector<16xi32>
          %mul3A_339 = arith.constant 16 : i32
          %mul3A_340 = arith.muli %add3A_317, %mul3A_339 : i32
          %add3A_341 = vector.broadcast %mul3A_340 : i32 to vector<16xi32>
          %add3A_342 = arith.addi %iota3A, %add3A_341 : vector<16xi32>
          %ge3A_343 = vector.broadcast %mul3A_2 : i32 to vector<16xi32>
          %ge3A_344 = arith.cmpi sge, %get3A_338, %ge3A_343 : vector<16xi32>
          %lt3A_345 = vector.broadcast %select_n3A_16 : i32 to vector<16xi32>
          %lt3A_346 = arith.cmpi slt, %get3A_338, %lt3A_345 : vector<16xi32>
          %and3A_347 = arith.andi %ge3A_344, %lt3A_346 : vector<16xi1>
          %sub3A_348 = vector.broadcast %mul3A_2 : i32 to vector<16xi32>
          %sub3A_349 = arith.subi %get3A_338, %sub3A_348 : vector<16xi32>
          tpu.vector_store_idx %arg8[%sub3A_349], %add3A_342 masked %and3A_347 : memref<31808xi32, #tpu.memory_space<vmem>>[vector<16xi32>], vector<16xi32>, vector<16xi1>
        } else {
        }
        %scan3A_323 = arith.constant 16 : i32
        %sub3A_324 = arith.constant 61 : i32
        %sub3A_325 = arith.subi %scan3A_83, %sub3A_324 : i32
        %mul3A_326 = arith.constant 17 : i32
        %mul3A_327 = arith.muli %sub3A_325, %mul3A_326 : i32
        %add3A_328 = arith.addi %mul3A_327, %scan3A_323 : i32
        %lt3A_329 = arith.constant 1024 : i32
        %lt3A_330 = arith.cmpi slt, %add3A_328, %lt3A_329 : i32
        %convert_element_type3A_331 = arith.extui %lt3A_330 : i1 to i32
        %cond3A_332 = arith.constant 0 : i32
        %cond3A_333 = arith.cmpi ne, %convert_element_type3A_331, %cond3A_332 : i32
        scf.if %cond3A_333 {
          %mul3A_335 = arith.constant 16 : i32
          %mul3A_336 = arith.muli %add3A_328, %mul3A_335 : i32
          %get3A_337 = arith.index_cast %mul3A_336 : i32 to index
          %get3A_338 = tpu.vector_load %arg7[%get3A_337] {strides = array<i32>} : memref<16384xi32, #tpu.memory_space<vmem>>, vector<16xi32>,
          %iota3A = tpu.iota {dimensions = array<i32: 0>} : vector<16xi32>
          %mul3A_339 = arith.constant 16 : i32
          %mul3A_340 = arith.muli %add3A_328, %mul3A_339 : i32
          %add3A_341 = vector.broadcast %mul3A_340 : i32 to vector<16xi32>
          %add3A_342 = arith.addi %iota3A, %add3A_341 : vector<16xi32>
          %ge3A_343 = vector.broadcast %mul3A_2 : i32 to vector<16xi32>
          %ge3A_344 = arith.cmpi sge, %get3A_338, %ge3A_343 : vector<16xi32>
          %lt3A_345 = vector.broadcast %select_n3A_16 : i32 to vector<16xi32>
          %lt3A_346 = arith.cmpi slt, %get3A_338, %lt3A_345 : vector<16xi32>
          %and3A_347 = arith.andi %ge3A_344, %lt3A_346 : vector<16xi1>
          %sub3A_348 = vector.broadcast %mul3A_2 : i32 to vector<16xi32>
          %sub3A_349 = arith.subi %get3A_338, %sub3A_348 : vector<16xi32>
          tpu.vector_store_idx %arg8[%sub3A_349], %add3A_342 masked %and3A_347 : memref<31808xi32, #tpu.memory_space<vmem>>[vector<16xi32>], vector<16xi32>, vector<16xi1>
        } else {
        }
        %scan3A_334 = arith.constant 17 : i32
      } else {
      }
    }
    %scan3A_26 = arith.constant 122 : i32
    %mul3A_27 = arith.constant 0 : i32
    %mul3A_28 = arith.constant 128 : i32
    %mul3A_29 = arith.muli %mul3A_27, %mul3A_28 : i32
    %add3A_30 = arith.addi %mul3A_2, %mul3A_29 : i32
    %dma_wait3A = arith.constant 0 : i32
    %dma_wait3A_31 = tpu.memref_slice %arg6[%add3A_30, %dma_wait3A] : memref<1000000x32xf32, #tpu.memory_space<hbm>> -> memref<128x32xf32, #tpu.memory_space<hbm>>
    %dma_wait3A_32 = arith.constant 0 : i32
    %dma_wait3A_33 = tpu.memref_slice %arg6[%add3A_30, %dma_wait3A_32] : memref<1000000x32xf32, #tpu.memory_space<hbm>> -> memref<128x32xf32, #tpu.memory_space<hbm>>
    tpu.wait_dma2 semaphore(%arg17 : memref<!tpu.dma_semaphore, #tpu.memory_space<semaphore_mem>>) src(%arg13 : memref<128x32xf32, #tpu.memory_space<vmem>>) dst(%dma_wait3A_33 : memref<128x32xf32, #tpu.memory_space<hbm>>)
    %mul3A_34 = arith.constant 0 : i32
    %mul3A_35 = arith.constant 128 : i32
    %mul3A_36 = arith.muli %mul3A_34, %mul3A_35 : i32
    %add3A_37 = arith.addi %mul3A_2, %mul3A_36 : i32
    %dma_wait3A_38 = arith.constant 0 : i32
    %dma_wait3A_39 = tpu.memref_slice %arg6[%add3A_37, %dma_wait3A_38] : memref<1000000x32xf32, #tpu.memory_space<hbm>> -> memref<128x32xf32, #tpu.memory_space<hbm>>
    %dma_wait3A_40 = arith.constant 0 : i32
    %dma_wait3A_41 = tpu.memref_slice %arg6[%add3A_37, %dma_wait3A_40] : memref<1000000x32xf32, #tpu.memory_space<hbm>> -> memref<128x32xf32, #tpu.memory_space<hbm>>
    tpu.wait_dma2 semaphore(%arg18 : memref<!tpu.dma_semaphore, #tpu.memory_space<semaphore_mem>>) src(%arg14 : memref<128x32xf32, #tpu.memory_space<vmem>>) dst(%dma_wait3A_41 : memref<128x32xf32, #tpu.memory_space<hbm>>)
    %convert_element_type3A = arith.extui %eq3A_3 : i1 to i32
    %cond3A = arith.constant 0 : i32
    %cond3A_42 = arith.cmpi ne, %convert_element_type3A, %cond3A : i32
    scf.if %cond3A_42 {
      "tpu.region"() ({
        %run_scoped3A = tpu.sem_alloc : memref<!tpu.dma_semaphore, #tpu.memory_space<semaphore_mem>>
        %dma_start3A_83 = arith.constant 0 : i32
        %dma_start3A_84 = arith.constant 0 : i32
        %dma_start3A_85 = tpu.memref_slice %arg13[%dma_start3A_83, %dma_start3A_84] : memref<128x32xf32, #tpu.memory_space<vmem>> -> memref<128x32xf32, #tpu.memory_space<vmem>>
        %dma_start3A_86 = arith.constant 999424 : i32
        %dma_start3A_87 = arith.constant 0 : i32
        %dma_start3A_88 = tpu.memref_slice %arg2[%dma_start3A_86, %dma_start3A_87] : memref<1000000x32xf32, #tpu.memory_space<hbm>> -> memref<128x32xf32, #tpu.memory_space<hbm>>
        %dma_start3A_89 = arith.constant 0 : i32
        %dma_start3A_90 = arith.constant 0 : i32
        %dma_start3A_91 = tpu.memref_slice %arg13[%dma_start3A_89, %dma_start3A_90] : memref<128x32xf32, #tpu.memory_space<vmem>> -> memref<128x32xf32, #tpu.memory_space<vmem>>
        %dma_start3A_92 = arith.constant 999424 : i32
        %dma_start3A_93 = arith.constant 0 : i32
        %dma_start3A_94 = tpu.memref_slice %arg2[%dma_start3A_92, %dma_start3A_93] : memref<1000000x32xf32, #tpu.memory_space<hbm>> -> memref<128x32xf32, #tpu.memory_space<hbm>>
        tpu.enqueue_dma source(%dma_start3A_94 : memref<128x32xf32, #tpu.memory_space<hbm>>) target(%dma_start3A_91 : memref<128x32xf32, #tpu.memory_space<vmem>>) target_semaphore(%run_scoped3A : memref<!tpu.dma_semaphore, #tpu.memory_space<semaphore_mem>>)
        %dma_wait3A_95 = arith.constant 0 : i32
        %dma_wait3A_96 = arith.constant 0 : i32
        %dma_wait3A_97 = tpu.memref_slice %arg13[%dma_wait3A_95, %dma_wait3A_96] : memref<128x32xf32, #tpu.memory_space<vmem>> -> memref<128x32xf32, #tpu.memory_space<vmem>>
        %dma_wait3A_98 = arith.constant 999424 : i32
        %dma_wait3A_99 = arith.constant 0 : i32
        %dma_wait3A_100 = tpu.memref_slice %arg2[%dma_wait3A_98, %dma_wait3A_99] : memref<1000000x32xf32, #tpu.memory_space<hbm>> -> memref<128x32xf32, #tpu.memory_space<hbm>>
        %dma_wait3A_101 = arith.constant 0 : i32
        %dma_wait3A_102 = arith.constant 0 : i32
        %dma_wait3A_103 = tpu.memref_slice %arg13[%dma_wait3A_101, %dma_wait3A_102] : memref<128x32xf32, #tpu.memory_space<vmem>> -> memref<128x32xf32, #tpu.memory_space<vmem>>
        %dma_wait3A_104 = arith.constant 999424 : i32
        %dma_wait3A_105 = arith.constant 0 : i32
        %dma_wait3A_106 = tpu.memref_slice %arg2[%dma_wait3A_104, %dma_wait3A_105] : memref<1000000x32xf32, #tpu.memory_space<hbm>> -> memref<128x32xf32, #tpu.memory_space<hbm>>
        tpu.wait_dma2 semaphore(%run_scoped3A : memref<!tpu.dma_semaphore, #tpu.memory_space<semaphore_mem>>) src(%dma_wait3A_106 : memref<128x32xf32, #tpu.memory_space<hbm>>) dst(%dma_wait3A_103 : memref<128x32xf32, #tpu.memory_space<vmem>>)
        tpu.yield
      }) : () -> ()
      "tpu.region"() ({
        %run_scoped3A = tpu.sem_alloc : memref<!tpu.dma_semaphore, #tpu.memory_space<semaphore_mem>>
        %dma_start3A_83 = arith.constant 0 : i32
        %dma_start3A_84 = arith.constant 0 : i32
        %dma_start3A_85 = tpu.memref_slice %arg13[%dma_start3A_83, %dma_start3A_84] : memref<128x32xf32, #tpu.memory_space<vmem>> -> memref<128x32xf32, #tpu.memory_space<vmem>>
        %dma_start3A_86 = arith.constant 999424 : i32
        %dma_start3A_87 = arith.constant 0 : i32
        %dma_start3A_88 = tpu.memref_slice %arg6[%dma_start3A_86, %dma_start3A_87] : memref<1000000x32xf32, #tpu.memory_space<hbm>> -> memref<128x32xf32, #tpu.memory_space<hbm>>
        %dma_start3A_89 = arith.constant 999424 : i32
        %dma_start3A_90 = arith.constant 0 : i32
        %dma_start3A_91 = tpu.memref_slice %arg6[%dma_start3A_89, %dma_start3A_90] : memref<1000000x32xf32, #tpu.memory_space<hbm>> -> memref<128x32xf32, #tpu.memory_space<hbm>>
        %dma_start3A_92 = arith.constant 0 : i32
        %dma_start3A_93 = arith.constant 0 : i32
        %dma_start3A_94 = tpu.memref_slice %arg13[%dma_start3A_92, %dma_start3A_93] : memref<128x32xf32, #tpu.memory_space<vmem>> -> memref<128x32xf32, #tpu.memory_space<vmem>>
        tpu.enqueue_dma source(%dma_start3A_94 : memref<128x32xf32, #tpu.memory_space<vmem>>) target(%dma_start3A_91 : memref<128x32xf32, #tpu.memory_space<hbm>>) target_semaphore(%run_scoped3A : memref<!tpu.dma_semaphore, #tpu.memory_space<semaphore_mem>>)
        %dma_wait3A_95 = arith.constant 0 : i32
        %dma_wait3A_96 = arith.constant 0 : i32
        %dma_wait3A_97 = tpu.memref_slice %arg13[%dma_wait3A_95, %dma_wait3A_96] : memref<128x32xf32, #tpu.memory_space<vmem>> -> memref<128x32xf32, #tpu.memory_space<vmem>>
        %dma_wait3A_98 = arith.constant 999424 : i32
        %dma_wait3A_99 = arith.constant 0 : i32
        %dma_wait3A_100 = tpu.memref_slice %arg6[%dma_wait3A_98, %dma_wait3A_99] : memref<1000000x32xf32, #tpu.memory_space<hbm>> -> memref<128x32xf32, #tpu.memory_space<hbm>>
        %dma_wait3A_101 = arith.constant 999424 : i32
        %dma_wait3A_102 = arith.constant 0 : i32
        %dma_wait3A_103 = tpu.memref_slice %arg6[%dma_wait3A_101, %dma_wait3A_102] : memref<1000000x32xf32, #tpu.memory_space<hbm>> -> memref<128x32xf32, #tpu.memory_space<hbm>>
        %dma_wait3A_104 = arith.constant 0 : i32
        %dma_wait3A_105 = arith.constant 0 : i32
        %dma_wait3A_106 = tpu.memref_slice %arg13[%dma_wait3A_104, %dma_wait3A_105] : memref<128x32xf32, #tpu.memory_space<vmem>> -> memref<128x32xf32, #tpu.memory_space<vmem>>
        tpu.wait_dma2 semaphore(%run_scoped3A : memref<!tpu.dma_semaphore, #tpu.memory_space<semaphore_mem>>) src(%dma_wait3A_106 : memref<128x32xf32, #tpu.memory_space<vmem>>) dst(%dma_wait3A_103 : memref<128x32xf32, #tpu.memory_space<hbm>>)
        tpu.yield
      }) : () -> ()
      "tpu.region"() ({
        %run_scoped3A = tpu.sem_alloc : memref<!tpu.dma_semaphore, #tpu.memory_space<semaphore_mem>>
        %dma_start3A_83 = arith.constant 0 : i32
        %dma_start3A_84 = arith.constant 0 : i32
        %dma_start3A_85 = tpu.memref_slice %arg13[%dma_start3A_83, %dma_start3A_84] : memref<128x32xf32, #tpu.memory_space<vmem>> -> memref<128x32xf32, #tpu.memory_space<vmem>>
        %dma_start3A_86 = arith.constant 999552 : i32
        %dma_start3A_87 = arith.constant 0 : i32
        %dma_start3A_88 = tpu.memref_slice %arg2[%dma_start3A_86, %dma_start3A_87] : memref<1000000x32xf32, #tpu.memory_space<hbm>> -> memref<128x32xf32, #tpu.memory_space<hbm>>
        %dma_start3A_89 = arith.constant 0 : i32
        %dma_start3A_90 = arith.constant 0 : i32
        %dma_start3A_91 = tpu.memref_slice %arg13[%dma_start3A_89, %dma_start3A_90] : memref<128x32xf32, #tpu.memory_space<vmem>> -> memref<128x32xf32, #tpu.memory_space<vmem>>
        %dma_start3A_92 = arith.constant 999552 : i32
        %dma_start3A_93 = arith.constant 0 : i32
        %dma_start3A_94 = tpu.memref_slice %arg2[%dma_start3A_92, %dma_start3A_93] : memref<1000000x32xf32, #tpu.memory_space<hbm>> -> memref<128x32xf32, #tpu.memory_space<hbm>>
        tpu.enqueue_dma source(%dma_start3A_94 : memref<128x32xf32, #tpu.memory_space<hbm>>) target(%dma_start3A_91 : memref<128x32xf32, #tpu.memory_space<vmem>>) target_semaphore(%run_scoped3A : memref<!tpu.dma_semaphore, #tpu.memory_space<semaphore_mem>>)
        %dma_wait3A_95 = arith.constant 0 : i32
        %dma_wait3A_96 = arith.constant 0 : i32
        %dma_wait3A_97 = tpu.memref_slice %arg13[%dma_wait3A_95, %dma_wait3A_96] : memref<128x32xf32, #tpu.memory_space<vmem>> -> memref<128x32xf32, #tpu.memory_space<vmem>>
        %dma_wait3A_98 = arith.constant 999552 : i32
        %dma_wait3A_99 = arith.constant 0 : i32
        %dma_wait3A_100 = tpu.memref_slice %arg2[%dma_wait3A_98, %dma_wait3A_99] : memref<1000000x32xf32, #tpu.memory_space<hbm>> -> memref<128x32xf32, #tpu.memory_space<hbm>>
        %dma_wait3A_101 = arith.constant 0 : i32
        %dma_wait3A_102 = arith.constant 0 : i32
        %dma_wait3A_103 = tpu.memref_slice %arg13[%dma_wait3A_101, %dma_wait3A_102] : memref<128x32xf32, #tpu.memory_space<vmem>> -> memref<128x32xf32, #tpu.memory_space<vmem>>
        %dma_wait3A_104 = arith.constant 999552 : i32
        %dma_wait3A_105 = arith.constant 0 : i32
        %dma_wait3A_106 = tpu.memref_slice %arg2[%dma_wait3A_104, %dma_wait3A_105] : memref<1000000x32xf32, #tpu.memory_space<hbm>> -> memref<128x32xf32, #tpu.memory_space<hbm>>
        tpu.wait_dma2 semaphore(%run_scoped3A : memref<!tpu.dma_semaphore, #tpu.memory_space<semaphore_mem>>) src(%dma_wait3A_106 : memref<128x32xf32, #tpu.memory_space<hbm>>) dst(%dma_wait3A_103 : memref<128x32xf32, #tpu.memory_space<vmem>>)
        tpu.yield
      }) : () -> ()
      "tpu.region"() ({
        %run_scoped3A = tpu.sem_alloc : memref<!tpu.dma_semaphore, #tpu.memory_space<semaphore_mem>>
        %dma_start3A_83 = arith.constant 0 : i32
        %dma_start3A_84 = arith.constant 0 : i32
        %dma_start3A_85 = tpu.memref_slice %arg13[%dma_start3A_83, %dma_start3A_84] : memref<128x32xf32, #tpu.memory_space<vmem>> -> memref<128x32xf32, #tpu.memory_space<vmem>>
        %dma_start3A_86 = arith.constant 999552 : i32
        %dma_start3A_87 = arith.constant 0 : i32
        %dma_start3A_88 = tpu.memref_slice %arg6[%dma_start3A_86, %dma_start3A_87] : memref<1000000x32xf32, #tpu.memory_space<hbm>> -> memref<128x32xf32, #tpu.memory_space<hbm>>
        %dma_start3A_89 = arith.constant 999552 : i32
        %dma_start3A_90 = arith.constant 0 : i32
        %dma_start3A_91 = tpu.memref_slice %arg6[%dma_start3A_89, %dma_start3A_90] : memref<1000000x32xf32, #tpu.memory_space<hbm>> -> memref<128x32xf32, #tpu.memory_space<hbm>>
        %dma_start3A_92 = arith.constant 0 : i32
        %dma_start3A_93 = arith.constant 0 : i32
        %dma_start3A_94 = tpu.memref_slice %arg13[%dma_start3A_92, %dma_start3A_93] : memref<128x32xf32, #tpu.memory_space<vmem>> -> memref<128x32xf32, #tpu.memory_space<vmem>>
        tpu.enqueue_dma source(%dma_start3A_94 : memref<128x32xf32, #tpu.memory_space<vmem>>) target(%dma_start3A_91 : memref<128x32xf32, #tpu.memory_space<hbm>>) target_semaphore(%run_scoped3A : memref<!tpu.dma_semaphore, #tpu.memory_space<semaphore_mem>>)
        %dma_wait3A_95 = arith.constant 0 : i32
        %dma_wait3A_96 = arith.constant 0 : i32
        %dma_wait3A_97 = tpu.memref_slice %arg13[%dma_wait3A_95, %dma_wait3A_96] : memref<128x32xf32, #tpu.memory_space<vmem>> -> memref<128x32xf32, #tpu.memory_space<vmem>>
        %dma_wait3A_98 = arith.constant 999552 : i32
        %dma_wait3A_99 = arith.constant 0 : i32
        %dma_wait3A_100 = tpu.memref_slice %arg6[%dma_wait3A_98, %dma_wait3A_99] : memref<1000000x32xf32, #tpu.memory_space<hbm>> -> memref<128x32xf32, #tpu.memory_space<hbm>>
        %dma_wait3A_101 = arith.constant 999552 : i32
        %dma_wait3A_102 = arith.constant 0 : i32
        %dma_wait3A_103 = tpu.memref_slice %arg6[%dma_wait3A_101, %dma_wait3A_102] : memref<1000000x32xf32, #tpu.memory_space<hbm>> -> memref<128x32xf32, #tpu.memory_space<hbm>>
        %dma_wait3A_104 = arith.constant 0 : i32
        %dma_wait3A_105 = arith.constant 0 : i32
        %dma_wait3A_106 = tpu.memref_slice %arg13[%dma_wait3A_104, %dma_wait3A_105] : memref<128x32xf32, #tpu.memory_space<vmem>> -> memref<128x32xf32, #tpu.memory_space<vmem>>
        tpu.wait_dma2 semaphore(%run_scoped3A : memref<!tpu.dma_semaphore, #tpu.memory_space<semaphore_mem>>) src(%dma_wait3A_106 : memref<128x32xf32, #tpu.memory_space<vmem>>) dst(%dma_wait3A_103 : memref<128x32xf32, #tpu.memory_space<hbm>>)
        tpu.yield
      }) : () -> ()
      "tpu.region"() ({
        %run_scoped3A = tpu.sem_alloc : memref<!tpu.dma_semaphore, #tpu.memory_space<semaphore_mem>>
        %dma_start3A_83 = arith.constant 0 : i32
        %dma_start3A_84 = arith.constant 0 : i32
        %dma_start3A_85 = tpu.memref_slice %arg13[%dma_start3A_83, %dma_start3A_84] : memref<128x32xf32, #tpu.memory_space<vmem>> -> memref<128x32xf32, #tpu.memory_space<vmem>>
        %dma_start3A_86 = arith.constant 999680 : i32
        %dma_start3A_87 = arith.constant 0 : i32
        %dma_start3A_88 = tpu.memref_slice %arg2[%dma_start3A_86, %dma_start3A_87] : memref<1000000x32xf32, #tpu.memory_space<hbm>> -> memref<128x32xf32, #tpu.memory_space<hbm>>
        %dma_start3A_89 = arith.constant 0 : i32
        %dma_start3A_90 = arith.constant 0 : i32
        %dma_start3A_91 = tpu.memref_slice %arg13[%dma_start3A_89, %dma_start3A_90] : memref<128x32xf32, #tpu.memory_space<vmem>> -> memref<128x32xf32, #tpu.memory_space<vmem>>
        %dma_start3A_92 = arith.constant 999680 : i32
        %dma_start3A_93 = arith.constant 0 : i32
        %dma_start3A_94 = tpu.memref_slice %arg2[%dma_start3A_92, %dma_start3A_93] : memref<1000000x32xf32, #tpu.memory_space<hbm>> -> memref<128x32xf32, #tpu.memory_space<hbm>>
        tpu.enqueue_dma source(%dma_start3A_94 : memref<128x32xf32, #tpu.memory_space<hbm>>) target(%dma_start3A_91 : memref<128x32xf32, #tpu.memory_space<vmem>>) target_semaphore(%run_scoped3A : memref<!tpu.dma_semaphore, #tpu.memory_space<semaphore_mem>>)
        %dma_wait3A_95 = arith.constant 0 : i32
        %dma_wait3A_96 = arith.constant 0 : i32
        %dma_wait3A_97 = tpu.memref_slice %arg13[%dma_wait3A_95, %dma_wait3A_96] : memref<128x32xf32, #tpu.memory_space<vmem>> -> memref<128x32xf32, #tpu.memory_space<vmem>>
        %dma_wait3A_98 = arith.constant 999680 : i32
        %dma_wait3A_99 = arith.constant 0 : i32
        %dma_wait3A_100 = tpu.memref_slice %arg2[%dma_wait3A_98, %dma_wait3A_99] : memref<1000000x32xf32, #tpu.memory_space<hbm>> -> memref<128x32xf32, #tpu.memory_space<hbm>>
        %dma_wait3A_101 = arith.constant 0 : i32
        %dma_wait3A_102 = arith.constant 0 : i32
        %dma_wait3A_103 = tpu.memref_slice %arg13[%dma_wait3A_101, %dma_wait3A_102] : memref<128x32xf32, #tpu.memory_space<vmem>> -> memref<128x32xf32, #tpu.memory_space<vmem>>
        %dma_wait3A_104 = arith.constant 999680 : i32
        %dma_wait3A_105 = arith.constant 0 : i32
        %dma_wait3A_106 = tpu.memref_slice %arg2[%dma_wait3A_104, %dma_wait3A_105] : memref<1000000x32xf32, #tpu.memory_space<hbm>> -> memref<128x32xf32, #tpu.memory_space<hbm>>
        tpu.wait_dma2 semaphore(%run_scoped3A : memref<!tpu.dma_semaphore, #tpu.memory_space<semaphore_mem>>) src(%dma_wait3A_106 : memref<128x32xf32, #tpu.memory_space<hbm>>) dst(%dma_wait3A_103 : memref<128x32xf32, #tpu.memory_space<vmem>>)
        tpu.yield
      }) : () -> ()
      "tpu.region"() ({
        %run_scoped3A = tpu.sem_alloc : memref<!tpu.dma_semaphore, #tpu.memory_space<semaphore_mem>>
        %dma_start3A_83 = arith.constant 0 : i32
        %dma_start3A_84 = arith.constant 0 : i32
        %dma_start3A_85 = tpu.memref_slice %arg13[%dma_start3A_83, %dma_start3A_84] : memref<128x32xf32, #tpu.memory_space<vmem>> -> memref<128x32xf32, #tpu.memory_space<vmem>>
        %dma_start3A_86 = arith.constant 999680 : i32
        %dma_start3A_87 = arith.constant 0 : i32
        %dma_start3A_88 = tpu.memref_slice %arg6[%dma_start3A_86, %dma_start3A_87] : memref<1000000x32xf32, #tpu.memory_space<hbm>> -> memref<128x32xf32, #tpu.memory_space<hbm>>
        %dma_start3A_89 = arith.constant 999680 : i32
        %dma_start3A_90 = arith.constant 0 : i32
        %dma_start3A_91 = tpu.memref_slice %arg6[%dma_start3A_89, %dma_start3A_90] : memref<1000000x32xf32, #tpu.memory_space<hbm>> -> memref<128x32xf32, #tpu.memory_space<hbm>>
        %dma_start3A_92 = arith.constant 0 : i32
        %dma_start3A_93 = arith.constant 0 : i32
        %dma_start3A_94 = tpu.memref_slice %arg13[%dma_start3A_92, %dma_start3A_93] : memref<128x32xf32, #tpu.memory_space<vmem>> -> memref<128x32xf32, #tpu.memory_space<vmem>>
        tpu.enqueue_dma source(%dma_start3A_94 : memref<128x32xf32, #tpu.memory_space<vmem>>) target(%dma_start3A_91 : memref<128x32xf32, #tpu.memory_space<hbm>>) target_semaphore(%run_scoped3A : memref<!tpu.dma_semaphore, #tpu.memory_space<semaphore_mem>>)
        %dma_wait3A_95 = arith.constant 0 : i32
        %dma_wait3A_96 = arith.constant 0 : i32
        %dma_wait3A_97 = tpu.memref_slice %arg13[%dma_wait3A_95, %dma_wait3A_96] : memref<128x32xf32, #tpu.memory_space<vmem>> -> memref<128x32xf32, #tpu.memory_space<vmem>>
        %dma_wait3A_98 = arith.constant 999680 : i32
        %dma_wait3A_99 = arith.constant 0 : i32
        %dma_wait3A_100 = tpu.memref_slice %arg6[%dma_wait3A_98, %dma_wait3A_99] : memref<1000000x32xf32, #tpu.memory_space<hbm>> -> memref<128x32xf32, #tpu.memory_space<hbm>>
        %dma_wait3A_101 = arith.constant 999680 : i32
        %dma_wait3A_102 = arith.constant 0 : i32
        %dma_wait3A_103 = tpu.memref_slice %arg6[%dma_wait3A_101, %dma_wait3A_102] : memref<1000000x32xf32, #tpu.memory_space<hbm>> -> memref<128x32xf32, #tpu.memory_space<hbm>>
        %dma_wait3A_104 = arith.constant 0 : i32
        %dma_wait3A_105 = arith.constant 0 : i32
        %dma_wait3A_106 = tpu.memref_slice %arg13[%dma_wait3A_104, %dma_wait3A_105] : memref<128x32xf32, #tpu.memory_space<vmem>> -> memref<128x32xf32, #tpu.memory_space<vmem>>
        tpu.wait_dma2 semaphore(%run_scoped3A : memref<!tpu.dma_semaphore, #tpu.memory_space<semaphore_mem>>) src(%dma_wait3A_106 : memref<128x32xf32, #tpu.memory_space<vmem>>) dst(%dma_wait3A_103 : memref<128x32xf32, #tpu.memory_space<hbm>>)
        tpu.yield
      }) : () -> ()
      "tpu.region"() ({
        %run_scoped3A = tpu.sem_alloc : memref<!tpu.dma_semaphore, #tpu.memory_space<semaphore_mem>>
        %dma_start3A_83 = arith.constant 0 : i32
        %dma_start3A_84 = arith.constant 0 : i32
        %dma_start3A_85 = tpu.memref_slice %arg13[%dma_start3A_83, %dma_start3A_84] : memref<128x32xf32, #tpu.memory_space<vmem>> -> memref<128x32xf32, #tpu.memory_space<vmem>>
        %dma_start3A_86 = arith.constant 999808 : i32
        %dma_start3A_87 = arith.constant 0 : i32
        %dma_start3A_88 = tpu.memref_slice %arg2[%dma_start3A_86, %dma_start3A_87] : memref<1000000x32xf32, #tpu.memory_space<hbm>> -> memref<128x32xf32, #tpu.memory_space<hbm>>
        %dma_start3A_89 = arith.constant 0 : i32
        %dma_start3A_90 = arith.constant 0 : i32
        %dma_start3A_91 = tpu.memref_slice %arg13[%dma_start3A_89, %dma_start3A_90] : memref<128x32xf32, #tpu.memory_space<vmem>> -> memref<128x32xf32, #tpu.memory_space<vmem>>
        %dma_start3A_92 = arith.constant 999808 : i32
        %dma_start3A_93 = arith.constant 0 : i32
        %dma_start3A_94 = tpu.memref_slice %arg2[%dma_start3A_92, %dma_start3A_93] : memref<1000000x32xf32, #tpu.memory_space<hbm>> -> memref<128x32xf32, #tpu.memory_space<hbm>>
        tpu.enqueue_dma source(%dma_start3A_94 : memref<128x32xf32, #tpu.memory_space<hbm>>) target(%dma_start3A_91 : memref<128x32xf32, #tpu.memory_space<vmem>>) target_semaphore(%run_scoped3A : memref<!tpu.dma_semaphore, #tpu.memory_space<semaphore_mem>>)
        %dma_wait3A_95 = arith.constant 0 : i32
        %dma_wait3A_96 = arith.constant 0 : i32
        %dma_wait3A_97 = tpu.memref_slice %arg13[%dma_wait3A_95, %dma_wait3A_96] : memref<128x32xf32, #tpu.memory_space<vmem>> -> memref<128x32xf32, #tpu.memory_space<vmem>>
        %dma_wait3A_98 = arith.constant 999808 : i32
        %dma_wait3A_99 = arith.constant 0 : i32
        %dma_wait3A_100 = tpu.memref_slice %arg2[%dma_wait3A_98, %dma_wait3A_99] : memref<1000000x32xf32, #tpu.memory_space<hbm>> -> memref<128x32xf32, #tpu.memory_space<hbm>>
        %dma_wait3A_101 = arith.constant 0 : i32
        %dma_wait3A_102 = arith.constant 0 : i32
        %dma_wait3A_103 = tpu.memref_slice %arg13[%dma_wait3A_101, %dma_wait3A_102] : memref<128x32xf32, #tpu.memory_space<vmem>> -> memref<128x32xf32, #tpu.memory_space<vmem>>
        %dma_wait3A_104 = arith.constant 999808 : i32
        %dma_wait3A_105 = arith.constant 0 : i32
        %dma_wait3A_106 = tpu.memref_slice %arg2[%dma_wait3A_104, %dma_wait3A_105] : memref<1000000x32xf32, #tpu.memory_space<hbm>> -> memref<128x32xf32, #tpu.memory_space<hbm>>
        tpu.wait_dma2 semaphore(%run_scoped3A : memref<!tpu.dma_semaphore, #tpu.memory_space<semaphore_mem>>) src(%dma_wait3A_106 : memref<128x32xf32, #tpu.memory_space<hbm>>) dst(%dma_wait3A_103 : memref<128x32xf32, #tpu.memory_space<vmem>>)
        tpu.yield
      }) : () -> ()
      "tpu.region"() ({
        %run_scoped3A = tpu.sem_alloc : memref<!tpu.dma_semaphore, #tpu.memory_space<semaphore_mem>>
        %dma_start3A_83 = arith.constant 0 : i32
        %dma_start3A_84 = arith.constant 0 : i32
        %dma_start3A_85 = tpu.memref_slice %arg13[%dma_start3A_83, %dma_start3A_84] : memref<128x32xf32, #tpu.memory_space<vmem>> -> memref<128x32xf32, #tpu.memory_space<vmem>>
        %dma_start3A_86 = arith.constant 999808 : i32
        %dma_start3A_87 = arith.constant 0 : i32
        %dma_start3A_88 = tpu.memref_slice %arg6[%dma_start3A_86, %dma_start3A_87] : memref<1000000x32xf32, #tpu.memory_space<hbm>> -> memref<128x32xf32, #tpu.memory_space<hbm>>
        %dma_start3A_89 = arith.constant 999808 : i32
        %dma_start3A_90 = arith.constant 0 : i32
        %dma_start3A_91 = tpu.memref_slice %arg6[%dma_start3A_89, %dma_start3A_90] : memref<1000000x32xf32, #tpu.memory_space<hbm>> -> memref<128x32xf32, #tpu.memory_space<hbm>>
        %dma_start3A_92 = arith.constant 0 : i32
        %dma_start3A_93 = arith.constant 0 : i32
        %dma_start3A_94 = tpu.memref_slice %arg13[%dma_start3A_92, %dma_start3A_93] : memref<128x32xf32, #tpu.memory_space<vmem>> -> memref<128x32xf32, #tpu.memory_space<vmem>>
        tpu.enqueue_dma source(%dma_start3A_94 : memref<128x32xf32, #tpu.memory_space<vmem>>) target(%dma_start3A_91 : memref<128x32xf32, #tpu.memory_space<hbm>>) target_semaphore(%run_scoped3A : memref<!tpu.dma_semaphore, #tpu.memory_space<semaphore_mem>>)
        %dma_wait3A_95 = arith.constant 0 : i32
        %dma_wait3A_96 = arith.constant 0 : i32
        %dma_wait3A_97 = tpu.memref_slice %arg13[%dma_wait3A_95, %dma_wait3A_96] : memref<128x32xf32, #tpu.memory_space<vmem>> -> memref<128x32xf32, #tpu.memory_space<vmem>>
        %dma_wait3A_98 = arith.constant 999808 : i32
        %dma_wait3A_99 = arith.constant 0 : i32
        %dma_wait3A_100 = tpu.memref_slice %arg6[%dma_wait3A_98, %dma_wait3A_99] : memref<1000000x32xf32, #tpu.memory_space<hbm>> -> memref<128x32xf32, #tpu.memory_space<hbm>>
        %dma_wait3A_101 = arith.constant 999808 : i32
        %dma_wait3A_102 = arith.constant 0 : i32
        %dma_wait3A_103 = tpu.memref_slice %arg6[%dma_wait3A_101, %dma_wait3A_102] : memref<1000000x32xf32, #tpu.memory_space<hbm>> -> memref<128x32xf32, #tpu.memory_space<hbm>>
        %dma_wait3A_104 = arith.constant 0 : i32
        %dma_wait3A_105 = arith.constant 0 : i32
        %dma_wait3A_106 = tpu.memref_slice %arg13[%dma_wait3A_104, %dma_wait3A_105] : memref<128x32xf32, #tpu.memory_space<vmem>> -> memref<128x32xf32, #tpu.memory_space<vmem>>
        tpu.wait_dma2 semaphore(%run_scoped3A : memref<!tpu.dma_semaphore, #tpu.memory_space<semaphore_mem>>) src(%dma_wait3A_106 : memref<128x32xf32, #tpu.memory_space<vmem>>) dst(%dma_wait3A_103 : memref<128x32xf32, #tpu.memory_space<hbm>>)
        tpu.yield
      }) : () -> ()
      "tpu.region"() ({
        %run_scoped3A = tpu.sem_alloc : memref<!tpu.dma_semaphore, #tpu.memory_space<semaphore_mem>>
        %dma_start3A_83 = arith.constant 0 : i32
        %dma_start3A_84 = arith.constant 0 : i32
        %dma_start3A_85 = tpu.memref_slice %arg13[%dma_start3A_83, %dma_start3A_84] : memref<128x32xf32, #tpu.memory_space<vmem>> -> memref<64x32xf32, #tpu.memory_space<vmem>>
        %dma_start3A_86 = arith.constant 999936 : i32
        %dma_start3A_87 = arith.constant 0 : i32
        %dma_start3A_88 = tpu.memref_slice %arg2[%dma_start3A_86, %dma_start3A_87] : memref<1000000x32xf32, #tpu.memory_space<hbm>> -> memref<64x32xf32, #tpu.memory_space<hbm>>
        %dma_start3A_89 = arith.constant 0 : i32
        %dma_start3A_90 = arith.constant 0 : i32
        %dma_start3A_91 = tpu.memref_slice %arg13[%dma_start3A_89, %dma_start3A_90] : memref<128x32xf32, #tpu.memory_space<vmem>> -> memref<64x32xf32, #tpu.memory_space<vmem>>
        %dma_start3A_92 = arith.constant 999936 : i32
        %dma_start3A_93 = arith.constant 0 : i32
        %dma_start3A_94 = tpu.memref_slice %arg2[%dma_start3A_92, %dma_start3A_93] : memref<1000000x32xf32, #tpu.memory_space<hbm>> -> memref<64x32xf32, #tpu.memory_space<hbm>>
        tpu.enqueue_dma source(%dma_start3A_94 : memref<64x32xf32, #tpu.memory_space<hbm>>) target(%dma_start3A_91 : memref<64x32xf32, #tpu.memory_space<vmem>>) target_semaphore(%run_scoped3A : memref<!tpu.dma_semaphore, #tpu.memory_space<semaphore_mem>>)
        %dma_wait3A_95 = arith.constant 0 : i32
        %dma_wait3A_96 = arith.constant 0 : i32
        %dma_wait3A_97 = tpu.memref_slice %arg13[%dma_wait3A_95, %dma_wait3A_96] : memref<128x32xf32, #tpu.memory_space<vmem>> -> memref<64x32xf32, #tpu.memory_space<vmem>>
        %dma_wait3A_98 = arith.constant 999936 : i32
        %dma_wait3A_99 = arith.constant 0 : i32
        %dma_wait3A_100 = tpu.memref_slice %arg2[%dma_wait3A_98, %dma_wait3A_99] : memref<1000000x32xf32, #tpu.memory_space<hbm>> -> memref<64x32xf32, #tpu.memory_space<hbm>>
        %dma_wait3A_101 = arith.constant 0 : i32
        %dma_wait3A_102 = arith.constant 0 : i32
        %dma_wait3A_103 = tpu.memref_slice %arg13[%dma_wait3A_101, %dma_wait3A_102] : memref<128x32xf32, #tpu.memory_space<vmem>> -> memref<64x32xf32, #tpu.memory_space<vmem>>
        %dma_wait3A_104 = arith.constant 999936 : i32
        %dma_wait3A_105 = arith.constant 0 : i32
        %dma_wait3A_106 = tpu.memref_slice %arg2[%dma_wait3A_104, %dma_wait3A_105] : memref<1000000x32xf32, #tpu.memory_space<hbm>> -> memref<64x32xf32, #tpu.memory_space<hbm>>
        tpu.wait_dma2 semaphore(%run_scoped3A : memref<!tpu.dma_semaphore, #tpu.memory_space<semaphore_mem>>) src(%dma_wait3A_106 : memref<64x32xf32, #tpu.memory_space<hbm>>) dst(%dma_wait3A_103 : memref<64x32xf32, #tpu.memory_space<vmem>>)
        tpu.yield
      }) : () -> ()
      "tpu.region"() ({
        %run_scoped3A = tpu.sem_alloc : memref<!tpu.dma_semaphore, #tpu.memory_space<semaphore_mem>>
        %dma_start3A_83 = arith.constant 0 : i32
        %dma_start3A_84 = arith.constant 0 : i32
        %dma_start3A_85 = tpu.memref_slice %arg13[%dma_start3A_83, %dma_start3A_84] : memref<128x32xf32, #tpu.memory_space<vmem>> -> memref<64x32xf32, #tpu.memory_space<vmem>>
        %dma_start3A_86 = arith.constant 999936 : i32
        %dma_start3A_87 = arith.constant 0 : i32
        %dma_start3A_88 = tpu.memref_slice %arg6[%dma_start3A_86, %dma_start3A_87] : memref<1000000x32xf32, #tpu.memory_space<hbm>> -> memref<64x32xf32, #tpu.memory_space<hbm>>
        %dma_start3A_89 = arith.constant 999936 : i32
        %dma_start3A_90 = arith.constant 0 : i32
        %dma_start3A_91 = tpu.memref_slice %arg6[%dma_start3A_89, %dma_start3A_90] : memref<1000000x32xf32, #tpu.memory_space<hbm>> -> memref<64x32xf32, #tpu.memory_space<hbm>>
        %dma_start3A_92 = arith.constant 0 : i32
        %dma_start3A_93 = arith.constant 0 : i32
        %dma_start3A_94 = tpu.memref_slice %arg13[%dma_start3A_92, %dma_start3A_93] : memref<128x32xf32, #tpu.memory_space<vmem>> -> memref<64x32xf32, #tpu.memory_space<vmem>>
        tpu.enqueue_dma source(%dma_start3A_94 : memref<64x32xf32, #tpu.memory_space<vmem>>) target(%dma_start3A_91 : memref<64x32xf32, #tpu.memory_space<hbm>>) target_semaphore(%run_scoped3A : memref<!tpu.dma_semaphore, #tpu.memory_space<semaphore_mem>>)
        %dma_wait3A_95 = arith.constant 0 : i32
        %dma_wait3A_96 = arith.constant 0 : i32
        %dma_wait3A_97 = tpu.memref_slice %arg13[%dma_wait3A_95, %dma_wait3A_96] : memref<128x32xf32, #tpu.memory_space<vmem>> -> memref<64x32xf32, #tpu.memory_space<vmem>>
        %dma_wait3A_98 = arith.constant 999936 : i32
        %dma_wait3A_99 = arith.constant 0 : i32
        %dma_wait3A_100 = tpu.memref_slice %arg6[%dma_wait3A_98, %dma_wait3A_99] : memref<1000000x32xf32, #tpu.memory_space<hbm>> -> memref<64x32xf32, #tpu.memory_space<hbm>>
        %dma_wait3A_101 = arith.constant 999936 : i32
        %dma_wait3A_102 = arith.constant 0 : i32
        %dma_wait3A_103 = tpu.memref_slice %arg6[%dma_wait3A_101, %dma_wait3A_102] : memref<1000000x32xf32, #tpu.memory_space<hbm>> -> memref<64x32xf32, #tpu.memory_space<hbm>>
        %dma_wait3A_104 = arith.constant 0 : i32
        %dma_wait3A_105 = arith.constant 0 : i32
        %dma_wait3A_106 = tpu.memref_slice %arg13[%dma_wait3A_104, %dma_wait3A_105] : memref<128x32xf32, #tpu.memory_space<vmem>> -> memref<64x32xf32, #tpu.memory_space<vmem>>
        tpu.wait_dma2 semaphore(%run_scoped3A : memref<!tpu.dma_semaphore, #tpu.memory_space<semaphore_mem>>) src(%dma_wait3A_106 : memref<64x32xf32, #tpu.memory_space<vmem>>) dst(%dma_wait3A_103 : memref<64x32xf32, #tpu.memory_space<hbm>>)
        tpu.yield
      }) : () -> ()
    } else {
    }
    %scan3A_43 = arith.constant 0 : i32
    %scan3A_44 = arith.constant 0 : i32
    %scan3A_45 = arith.constant 1952 : i32
    %scan3A_46 = arith.addi %scan3A_44, %scan3A_45 : i32
    %scan3A_47 = arith.constant 8 : i32
    %scan3A_48 = scf.for %scan3A_83 = %scan3A_44 to %scan3A_46 step %scan3A_47 iter_args(%scan3A_84 = %scan3A_43) -> (i32)  : i32 {
      %mul3A_85 = arith.constant 16 : i32
      %mul3A_86 = arith.muli %scan3A_83, %mul3A_85 : i32
      %get3A_87 = arith.index_cast %mul3A_86 : i32 to index
      %get3A_88 = tpu.vector_load %arg8[%get3A_87] {strides = array<i32>} : memref<31808xi32, #tpu.memory_space<vmem>>, vector<16xi32>,
      %ge3A = arith.constant 0 : i32
      %ge3A_89 = vector.broadcast %ge3A : i32 to vector<16xi32>
      %ge3A_90 = arith.cmpi sge, %get3A_88, %ge3A_89 : vector<16xi32>
      %iota3A = tpu.iota {dimensions = array<i32: 0>} : vector<16xi32>
      %mul3A_91 = arith.constant 16 : i32
      %mul3A_92 = arith.muli %scan3A_83, %mul3A_91 : i32
      %add3A_93 = arith.addi %mul3A_2, %mul3A_92 : i32
      %add3A_94 = vector.broadcast %add3A_93 : i32 to vector<16xi32>
      %add3A_95 = arith.addi %iota3A, %add3A_94 : vector<16xi32>
      %select_n3A_96 = arith.select %ge3A_90, %broadcast_in_dim3A_17, %broadcast_in_dim3A_19 : vector<16xi1>, vector<16xi32>
      %broadcast_in_dim3A_97 = arith.constant true
      %broadcast_in_dim3A_98 = vector.broadcast %broadcast_in_dim3A_97 : i1 to vector<16xi1>
      %masked_cumsum3A = tpu.scan <sum>, %select_n3A_96 masked %broadcast_in_dim3A_98 : vector<16xi32>, vector<16xi1> -> vector<16xi32>
      %add3A_99 = vector.broadcast %scan3A_84 : i32 to vector<16xi32>
      %add3A_100 = arith.addi %add3A_99, %masked_cumsum3A : vector<16xi32>
      %sub3A_101 = arith.constant 1 : i32
      %sub3A_102 = vector.broadcast %sub3A_101 : i32 to vector<16xi32>
      %sub3A_103 = arith.subi %add3A_100, %sub3A_102 : vector<16xi32>
      tpu.vector_store_idx %arg9[%sub3A_103], %get3A_88 masked %ge3A_90 : memref<16400xi32, #tpu.memory_space<vmem>>[vector<16xi32>], vector<16xi32>, vector<16xi1>
      tpu.vector_store_idx %arg10[%sub3A_103], %add3A_95 masked %ge3A_90 : memref<16400xi32, #tpu.memory_space<vmem>>[vector<16xi32>], vector<16xi32>, vector<16xi1>
      %slice3A_104 = vector.extract_strided_slice %masked_cumsum3A {offsets = [15], sizes = [1], strides = [1]} : vector<16xi32> to vector<1xi32>
      %squeeze3A_105 = vector.extract %slice3A_104[0] : i32 from vector<1xi32>
      %add3A_106 = arith.addi %scan3A_84, %squeeze3A_105 : i32
      %scan3A_107 = arith.constant 1 : i32
      %scan3A_108 = arith.addi %scan3A_83, %scan3A_107 : i32
      %mul3A_109 = arith.constant 16 : i32
      %mul3A_110 = arith.muli %scan3A_108, %mul3A_109 : i32
      %get3A_111 = arith.index_cast %mul3A_110 : i32 to index
      %get3A_112 = tpu.vector_load %arg8[%get3A_111] {strides = array<i32>} : memref<31808xi32, #tpu.memory_space<vmem>>, vector<16xi32>,
      %ge3A_113 = arith.constant 0 : i32
      %ge3A_114 = vector.broadcast %ge3A_113 : i32 to vector<16xi32>
      %ge3A_115 = arith.cmpi sge, %get3A_112, %ge3A_114 : vector<16xi32>
      %iota3A_116 = tpu.iota {dimensions = array<i32: 0>} : vector<16xi32>
      %mul3A_117 = arith.constant 16 : i32
      %mul3A_118 = arith.muli %scan3A_108, %mul3A_117 : i32
      %add3A_119 = arith.addi %mul3A_2, %mul3A_118 : i32
      %add3A_120 = vector.broadcast %add3A_119 : i32 to vector<16xi32>
      %add3A_121 = arith.addi %iota3A_116, %add3A_120 : vector<16xi32>
      %select_n3A_122 = arith.select %ge3A_115, %broadcast_in_dim3A_17, %broadcast_in_dim3A_19 : vector<16xi1>, vector<16xi32>
      %broadcast_in_dim3A_123 = arith.constant true
      %broadcast_in_dim3A_124 = vector.broadcast %broadcast_in_dim3A_123 : i1 to vector<16xi1>
      %masked_cumsum3A_125 = tpu.scan <sum>, %select_n3A_122 masked %broadcast_in_dim3A_124 : vector<16xi32>, vector<16xi1> -> vector<16xi32>
      %add3A_126 = vector.broadcast %add3A_106 : i32 to vector<16xi32>
      %add3A_127 = arith.addi %add3A_126, %masked_cumsum3A_125 : vector<16xi32>
      %sub3A_128 = arith.constant 1 : i32
      %sub3A_129 = vector.broadcast %sub3A_128 : i32 to vector<16xi32>
      %sub3A_130 = arith.subi %add3A_127, %sub3A_129 : vector<16xi32>
      tpu.vector_store_idx %arg9[%sub3A_130], %get3A_112 masked %ge3A_115 : memref<16400xi32, #tpu.memory_space<vmem>>[vector<16xi32>], vector<16xi32>, vector<16xi1>
      tpu.vector_store_idx %arg10[%sub3A_130], %add3A_121 masked %ge3A_115 : memref<16400xi32, #tpu.memory_space<vmem>>[vector<16xi32>], vector<16xi32>, vector<16xi1>
      %slice3A_131 = vector.extract_strided_slice %masked_cumsum3A_125 {offsets = [15], sizes = [1], strides = [1]} : vector<16xi32> to vector<1xi32>
      %squeeze3A_132 = vector.extract %slice3A_131[0] : i32 from vector<1xi32>
      %add3A_133 = arith.addi %add3A_106, %squeeze3A_132 : i32
      %scan3A_134 = arith.constant 2 : i32
      %scan3A_135 = arith.addi %scan3A_83, %scan3A_134 : i32
      %mul3A_136 = arith.constant 16 : i32
      %mul3A_137 = arith.muli %scan3A_135, %mul3A_136 : i32
      %get3A_138 = arith.index_cast %mul3A_137 : i32 to index
      %get3A_139 = tpu.vector_load %arg8[%get3A_138] {strides = array<i32>} : memref<31808xi32, #tpu.memory_space<vmem>>, vector<16xi32>,
      %ge3A_140 = arith.constant 0 : i32
      %ge3A_141 = vector.broadcast %ge3A_140 : i32 to vector<16xi32>
      %ge3A_142 = arith.cmpi sge, %get3A_139, %ge3A_141 : vector<16xi32>
      %iota3A_143 = tpu.iota {dimensions = array<i32: 0>} : vector<16xi32>
      %mul3A_144 = arith.constant 16 : i32
      %mul3A_145 = arith.muli %scan3A_135, %mul3A_144 : i32
      %add3A_146 = arith.addi %mul3A_2, %mul3A_145 : i32
      %add3A_147 = vector.broadcast %add3A_146 : i32 to vector<16xi32>
      %add3A_148 = arith.addi %iota3A_143, %add3A_147 : vector<16xi32>
      %select_n3A_149 = arith.select %ge3A_142, %broadcast_in_dim3A_17, %broadcast_in_dim3A_19 : vector<16xi1>, vector<16xi32>
      %broadcast_in_dim3A_150 = arith.constant true
      %broadcast_in_dim3A_151 = vector.broadcast %broadcast_in_dim3A_150 : i1 to vector<16xi1>
      %masked_cumsum3A_152 = tpu.scan <sum>, %select_n3A_149 masked %broadcast_in_dim3A_151 : vector<16xi32>, vector<16xi1> -> vector<16xi32>
      %add3A_153 = vector.broadcast %add3A_133 : i32 to vector<16xi32>
      %add3A_154 = arith.addi %add3A_153, %masked_cumsum3A_152 : vector<16xi32>
      %sub3A_155 = arith.constant 1 : i32
      %sub3A_156 = vector.broadcast %sub3A_155 : i32 to vector<16xi32>
      %sub3A_157 = arith.subi %add3A_154, %sub3A_156 : vector<16xi32>
      tpu.vector_store_idx %arg9[%sub3A_157], %get3A_139 masked %ge3A_142 : memref<16400xi32, #tpu.memory_space<vmem>>[vector<16xi32>], vector<16xi32>, vector<16xi1>
      tpu.vector_store_idx %arg10[%sub3A_157], %add3A_148 masked %ge3A_142 : memref<16400xi32, #tpu.memory_space<vmem>>[vector<16xi32>], vector<16xi32>, vector<16xi1>
      %slice3A_158 = vector.extract_strided_slice %masked_cumsum3A_152 {offsets = [15], sizes = [1], strides = [1]} : vector<16xi32> to vector<1xi32>
      %squeeze3A_159 = vector.extract %slice3A_158[0] : i32 from vector<1xi32>
      %add3A_160 = arith.addi %add3A_133, %squeeze3A_159 : i32
      %scan3A_161 = arith.constant 3 : i32
      %scan3A_162 = arith.addi %scan3A_83, %scan3A_161 : i32
      %mul3A_163 = arith.constant 16 : i32
      %mul3A_164 = arith.muli %scan3A_162, %mul3A_163 : i32
      %get3A_165 = arith.index_cast %mul3A_164 : i32 to index
      %get3A_166 = tpu.vector_load %arg8[%get3A_165] {strides = array<i32>} : memref<31808xi32, #tpu.memory_space<vmem>>, vector<16xi32>,
      %ge3A_167 = arith.constant 0 : i32
      %ge3A_168 = vector.broadcast %ge3A_167 : i32 to vector<16xi32>
      %ge3A_169 = arith.cmpi sge, %get3A_166, %ge3A_168 : vector<16xi32>
      %iota3A_170 = tpu.iota {dimensions = array<i32: 0>} : vector<16xi32>
      %mul3A_171 = arith.constant 16 : i32
      %mul3A_172 = arith.muli %scan3A_162, %mul3A_171 : i32
      %add3A_173 = arith.addi %mul3A_2, %mul3A_172 : i32
      %add3A_174 = vector.broadcast %add3A_173 : i32 to vector<16xi32>
      %add3A_175 = arith.addi %iota3A_170, %add3A_174 : vector<16xi32>
      %select_n3A_176 = arith.select %ge3A_169, %broadcast_in_dim3A_17, %broadcast_in_dim3A_19 : vector<16xi1>, vector<16xi32>
      %broadcast_in_dim3A_177 = arith.constant true
      %broadcast_in_dim3A_178 = vector.broadcast %broadcast_in_dim3A_177 : i1 to vector<16xi1>
      %masked_cumsum3A_179 = tpu.scan <sum>, %select_n3A_176 masked %broadcast_in_dim3A_178 : vector<16xi32>, vector<16xi1> -> vector<16xi32>
      %add3A_180 = vector.broadcast %add3A_160 : i32 to vector<16xi32>
      %add3A_181 = arith.addi %add3A_180, %masked_cumsum3A_179 : vector<16xi32>
      %sub3A_182 = arith.constant 1 : i32
      %sub3A_183 = vector.broadcast %sub3A_182 : i32 to vector<16xi32>
      %sub3A_184 = arith.subi %add3A_181, %sub3A_183 : vector<16xi32>
      tpu.vector_store_idx %arg9[%sub3A_184], %get3A_166 masked %ge3A_169 : memref<16400xi32, #tpu.memory_space<vmem>>[vector<16xi32>], vector<16xi32>, vector<16xi1>
      tpu.vector_store_idx %arg10[%sub3A_184], %add3A_175 masked %ge3A_169 : memref<16400xi32, #tpu.memory_space<vmem>>[vector<16xi32>], vector<16xi32>, vector<16xi1>
      %slice3A_185 = vector.extract_strided_slice %masked_cumsum3A_179 {offsets = [15], sizes = [1], strides = [1]} : vector<16xi32> to vector<1xi32>
      %squeeze3A_186 = vector.extract %slice3A_185[0] : i32 from vector<1xi32>
      %add3A_187 = arith.addi %add3A_160, %squeeze3A_186 : i32
      %scan3A_188 = arith.constant 4 : i32
      %scan3A_189 = arith.addi %scan3A_83, %scan3A_188 : i32
      %mul3A_190 = arith.constant 16 : i32
      %mul3A_191 = arith.muli %scan3A_189, %mul3A_190 : i32
      %get3A_192 = arith.index_cast %mul3A_191 : i32 to index
      %get3A_193 = tpu.vector_load %arg8[%get3A_192] {strides = array<i32>} : memref<31808xi32, #tpu.memory_space<vmem>>, vector<16xi32>,
      %ge3A_194 = arith.constant 0 : i32
      %ge3A_195 = vector.broadcast %ge3A_194 : i32 to vector<16xi32>
      %ge3A_196 = arith.cmpi sge, %get3A_193, %ge3A_195 : vector<16xi32>
      %iota3A_197 = tpu.iota {dimensions = array<i32: 0>} : vector<16xi32>
      %mul3A_198 = arith.constant 16 : i32
      %mul3A_199 = arith.muli %scan3A_189, %mul3A_198 : i32
      %add3A_200 = arith.addi %mul3A_2, %mul3A_199 : i32
      %add3A_201 = vector.broadcast %add3A_200 : i32 to vector<16xi32>
      %add3A_202 = arith.addi %iota3A_197, %add3A_201 : vector<16xi32>
      %select_n3A_203 = arith.select %ge3A_196, %broadcast_in_dim3A_17, %broadcast_in_dim3A_19 : vector<16xi1>, vector<16xi32>
      %broadcast_in_dim3A_204 = arith.constant true
      %broadcast_in_dim3A_205 = vector.broadcast %broadcast_in_dim3A_204 : i1 to vector<16xi1>
      %masked_cumsum3A_206 = tpu.scan <sum>, %select_n3A_203 masked %broadcast_in_dim3A_205 : vector<16xi32>, vector<16xi1> -> vector<16xi32>
      %add3A_207 = vector.broadcast %add3A_187 : i32 to vector<16xi32>
      %add3A_208 = arith.addi %add3A_207, %masked_cumsum3A_206 : vector<16xi32>
      %sub3A_209 = arith.constant 1 : i32
      %sub3A_210 = vector.broadcast %sub3A_209 : i32 to vector<16xi32>
      %sub3A_211 = arith.subi %add3A_208, %sub3A_210 : vector<16xi32>
      tpu.vector_store_idx %arg9[%sub3A_211], %get3A_193 masked %ge3A_196 : memref<16400xi32, #tpu.memory_space<vmem>>[vector<16xi32>], vector<16xi32>, vector<16xi1>
      tpu.vector_store_idx %arg10[%sub3A_211], %add3A_202 masked %ge3A_196 : memref<16400xi32, #tpu.memory_space<vmem>>[vector<16xi32>], vector<16xi32>, vector<16xi1>
      %slice3A_212 = vector.extract_strided_slice %masked_cumsum3A_206 {offsets = [15], sizes = [1], strides = [1]} : vector<16xi32> to vector<1xi32>
      %squeeze3A_213 = vector.extract %slice3A_212[0] : i32 from vector<1xi32>
      %add3A_214 = arith.addi %add3A_187, %squeeze3A_213 : i32
      %scan3A_215 = arith.constant 5 : i32
      %scan3A_216 = arith.addi %scan3A_83, %scan3A_215 : i32
      %mul3A_217 = arith.constant 16 : i32
      %mul3A_218 = arith.muli %scan3A_216, %mul3A_217 : i32
      %get3A_219 = arith.index_cast %mul3A_218 : i32 to index
      %get3A_220 = tpu.vector_load %arg8[%get3A_219] {strides = array<i32>} : memref<31808xi32, #tpu.memory_space<vmem>>, vector<16xi32>,
      %ge3A_221 = arith.constant 0 : i32
      %ge3A_222 = vector.broadcast %ge3A_221 : i32 to vector<16xi32>
      %ge3A_223 = arith.cmpi sge, %get3A_220, %ge3A_222 : vector<16xi32>
      %iota3A_224 = tpu.iota {dimensions = array<i32: 0>} : vector<16xi32>
      %mul3A_225 = arith.constant 16 : i32
      %mul3A_226 = arith.muli %scan3A_216, %mul3A_225 : i32
      %add3A_227 = arith.addi %mul3A_2, %mul3A_226 : i32
      %add3A_228 = vector.broadcast %add3A_227 : i32 to vector<16xi32>
      %add3A_229 = arith.addi %iota3A_224, %add3A_228 : vector<16xi32>
      %select_n3A_230 = arith.select %ge3A_223, %broadcast_in_dim3A_17, %broadcast_in_dim3A_19 : vector<16xi1>, vector<16xi32>
      %broadcast_in_dim3A_231 = arith.constant true
      %broadcast_in_dim3A_232 = vector.broadcast %broadcast_in_dim3A_231 : i1 to vector<16xi1>
      %masked_cumsum3A_233 = tpu.scan <sum>, %select_n3A_230 masked %broadcast_in_dim3A_232 : vector<16xi32>, vector<16xi1> -> vector<16xi32>
      %add3A_234 = vector.broadcast %add3A_214 : i32 to vector<16xi32>
      %add3A_235 = arith.addi %add3A_234, %masked_cumsum3A_233 : vector<16xi32>
      %sub3A_236 = arith.constant 1 : i32
      %sub3A_237 = vector.broadcast %sub3A_236 : i32 to vector<16xi32>
      %sub3A_238 = arith.subi %add3A_235, %sub3A_237 : vector<16xi32>
      tpu.vector_store_idx %arg9[%sub3A_238], %get3A_220 masked %ge3A_223 : memref<16400xi32, #tpu.memory_space<vmem>>[vector<16xi32>], vector<16xi32>, vector<16xi1>
      tpu.vector_store_idx %arg10[%sub3A_238], %add3A_229 masked %ge3A_223 : memref<16400xi32, #tpu.memory_space<vmem>>[vector<16xi32>], vector<16xi32>, vector<16xi1>
      %slice3A_239 = vector.extract_strided_slice %masked_cumsum3A_233 {offsets = [15], sizes = [1], strides = [1]} : vector<16xi32> to vector<1xi32>
      %squeeze3A_240 = vector.extract %slice3A_239[0] : i32 from vector<1xi32>
      %add3A_241 = arith.addi %add3A_214, %squeeze3A_240 : i32
      %scan3A_242 = arith.constant 6 : i32
      %scan3A_243 = arith.addi %scan3A_83, %scan3A_242 : i32
      %mul3A_244 = arith.constant 16 : i32
      %mul3A_245 = arith.muli %scan3A_243, %mul3A_244 : i32
      %get3A_246 = arith.index_cast %mul3A_245 : i32 to index
      %get3A_247 = tpu.vector_load %arg8[%get3A_246] {strides = array<i32>} : memref<31808xi32, #tpu.memory_space<vmem>>, vector<16xi32>,
      %ge3A_248 = arith.constant 0 : i32
      %ge3A_249 = vector.broadcast %ge3A_248 : i32 to vector<16xi32>
      %ge3A_250 = arith.cmpi sge, %get3A_247, %ge3A_249 : vector<16xi32>
      %iota3A_251 = tpu.iota {dimensions = array<i32: 0>} : vector<16xi32>
      %mul3A_252 = arith.constant 16 : i32
      %mul3A_253 = arith.muli %scan3A_243, %mul3A_252 : i32
      %add3A_254 = arith.addi %mul3A_2, %mul3A_253 : i32
      %add3A_255 = vector.broadcast %add3A_254 : i32 to vector<16xi32>
      %add3A_256 = arith.addi %iota3A_251, %add3A_255 : vector<16xi32>
      %select_n3A_257 = arith.select %ge3A_250, %broadcast_in_dim3A_17, %broadcast_in_dim3A_19 : vector<16xi1>, vector<16xi32>
      %broadcast_in_dim3A_258 = arith.constant true
      %broadcast_in_dim3A_259 = vector.broadcast %broadcast_in_dim3A_258 : i1 to vector<16xi1>
      %masked_cumsum3A_260 = tpu.scan <sum>, %select_n3A_257 masked %broadcast_in_dim3A_259 : vector<16xi32>, vector<16xi1> -> vector<16xi32>
      %add3A_261 = vector.broadcast %add3A_241 : i32 to vector<16xi32>
      %add3A_262 = arith.addi %add3A_261, %masked_cumsum3A_260 : vector<16xi32>
      %sub3A_263 = arith.constant 1 : i32
      %sub3A_264 = vector.broadcast %sub3A_263 : i32 to vector<16xi32>
      %sub3A_265 = arith.subi %add3A_262, %sub3A_264 : vector<16xi32>
      tpu.vector_store_idx %arg9[%sub3A_265], %get3A_247 masked %ge3A_250 : memref<16400xi32, #tpu.memory_space<vmem>>[vector<16xi32>], vector<16xi32>, vector<16xi1>
      tpu.vector_store_idx %arg10[%sub3A_265], %add3A_256 masked %ge3A_250 : memref<16400xi32, #tpu.memory_space<vmem>>[vector<16xi32>], vector<16xi32>, vector<16xi1>
      %slice3A_266 = vector.extract_strided_slice %masked_cumsum3A_260 {offsets = [15], sizes = [1], strides = [1]} : vector<16xi32> to vector<1xi32>
      %squeeze3A_267 = vector.extract %slice3A_266[0] : i32 from vector<1xi32>
      %add3A_268 = arith.addi %add3A_241, %squeeze3A_267 : i32
      %scan3A_269 = arith.constant 7 : i32
      %scan3A_270 = arith.addi %scan3A_83, %scan3A_269 : i32
      %mul3A_271 = arith.constant 16 : i32
      %mul3A_272 = arith.muli %scan3A_270, %mul3A_271 : i32
      %get3A_273 = arith.index_cast %mul3A_272 : i32 to index
      %get3A_274 = tpu.vector_load %arg8[%get3A_273] {strides = array<i32>} : memref<31808xi32, #tpu.memory_space<vmem>>, vector<16xi32>,
      %ge3A_275 = arith.constant 0 : i32
      %ge3A_276 = vector.broadcast %ge3A_275 : i32 to vector<16xi32>
      %ge3A_277 = arith.cmpi sge, %get3A_274, %ge3A_276 : vector<16xi32>
      %iota3A_278 = tpu.iota {dimensions = array<i32: 0>} : vector<16xi32>
      %mul3A_279 = arith.constant 16 : i32
      %mul3A_280 = arith.muli %scan3A_270, %mul3A_279 : i32
      %add3A_281 = arith.addi %mul3A_2, %mul3A_280 : i32
      %add3A_282 = vector.broadcast %add3A_281 : i32 to vector<16xi32>
      %add3A_283 = arith.addi %iota3A_278, %add3A_282 : vector<16xi32>
      %select_n3A_284 = arith.select %ge3A_277, %broadcast_in_dim3A_17, %broadcast_in_dim3A_19 : vector<16xi1>, vector<16xi32>
      %broadcast_in_dim3A_285 = arith.constant true
      %broadcast_in_dim3A_286 = vector.broadcast %broadcast_in_dim3A_285 : i1 to vector<16xi1>
      %masked_cumsum3A_287 = tpu.scan <sum>, %select_n3A_284 masked %broadcast_in_dim3A_286 : vector<16xi32>, vector<16xi1> -> vector<16xi32>
      %add3A_288 = vector.broadcast %add3A_268 : i32 to vector<16xi32>
      %add3A_289 = arith.addi %add3A_288, %masked_cumsum3A_287 : vector<16xi32>
      %sub3A_290 = arith.constant 1 : i32
      %sub3A_291 = vector.broadcast %sub3A_290 : i32 to vector<16xi32>
      %sub3A_292 = arith.subi %add3A_289, %sub3A_291 : vector<16xi32>
      tpu.vector_store_idx %arg9[%sub3A_292], %get3A_274 masked %ge3A_277 : memref<16400xi32, #tpu.memory_space<vmem>>[vector<16xi32>], vector<16xi32>, vector<16xi1>
      tpu.vector_store_idx %arg10[%sub3A_292], %add3A_283 masked %ge3A_277 : memref<16400xi32, #tpu.memory_space<vmem>>[vector<16xi32>], vector<16xi32>, vector<16xi1>
      %slice3A_293 = vector.extract_strided_slice %masked_cumsum3A_287 {offsets = [15], sizes = [1], strides = [1]} : vector<16xi32> to vector<1xi32>
      %squeeze3A_294 = vector.extract %slice3A_293[0] : i32 from vector<1xi32>
      %add3A_295 = arith.addi %add3A_268, %squeeze3A_294 : i32
      scf.yield %add3A_295 : i32
    }
    %scan3A_49 = arith.constant 1952 : i32
    %convert_element_type3A_50 = arith.extui %eq3A_3 : i1 to i32
    %cond3A_51 = arith.constant 0 : i32
    %cond3A_52 = arith.cmpi ne, %convert_element_type3A_50, %cond3A_51 : i32
    %cond3A_53 = scf.if %cond3A_52 -> (i32) {
      %scan3A_83 = arith.constant 1952 : i32
      %scan3A_84 = arith.constant 32 : i32
      %scan3A_85 = arith.addi %scan3A_83, %scan3A_84 : i32
      %scan3A_86 = arith.constant 8 : i32
      %scan3A_87 = scf.for %scan3A_194 = %scan3A_83 to %scan3A_85 step %scan3A_86 iter_args(%scan3A_195 = %scan3A_48) -> (i32)  : i32 {
        %mul3A_196 = arith.constant 16 : i32
        %mul3A_197 = arith.muli %scan3A_194, %mul3A_196 : i32
        %get3A_198 = arith.index_cast %mul3A_197 : i32 to index
        %get3A_199 = tpu.vector_load %arg8[%get3A_198] {strides = array<i32>} : memref<31808xi32, #tpu.memory_space<vmem>>, vector<16xi32>,
        %ge3A_200 = arith.constant 0 : i32
        %ge3A_201 = vector.broadcast %ge3A_200 : i32 to vector<16xi32>
        %ge3A_202 = arith.cmpi sge, %get3A_199, %ge3A_201 : vector<16xi32>
        %iota3A_203 = tpu.iota {dimensions = array<i32: 0>} : vector<16xi32>
        %mul3A_204 = arith.constant 16 : i32
        %mul3A_205 = arith.muli %scan3A_194, %mul3A_204 : i32
        %add3A_206 = arith.addi %mul3A_2, %mul3A_205 : i32
        %add3A_207 = vector.broadcast %add3A_206 : i32 to vector<16xi32>
        %add3A_208 = arith.addi %iota3A_203, %add3A_207 : vector<16xi32>
        %select_n3A_209 = arith.select %ge3A_202, %broadcast_in_dim3A_17, %broadcast_in_dim3A_19 : vector<16xi1>, vector<16xi32>
        %broadcast_in_dim3A_210 = arith.constant true
        %broadcast_in_dim3A_211 = vector.broadcast %broadcast_in_dim3A_210 : i1 to vector<16xi1>
        %masked_cumsum3A_212 = tpu.scan <sum>, %select_n3A_209 masked %broadcast_in_dim3A_211 : vector<16xi32>, vector<16xi1> -> vector<16xi32>
        %add3A_213 = vector.broadcast %scan3A_195 : i32 to vector<16xi32>
        %add3A_214 = arith.addi %add3A_213, %masked_cumsum3A_212 : vector<16xi32>
        %sub3A_215 = arith.constant 1 : i32
        %sub3A_216 = vector.broadcast %sub3A_215 : i32 to vector<16xi32>
        %sub3A_217 = arith.subi %add3A_214, %sub3A_216 : vector<16xi32>
        tpu.vector_store_idx %arg9[%sub3A_217], %get3A_199 masked %ge3A_202 : memref<16400xi32, #tpu.memory_space<vmem>>[vector<16xi32>], vector<16xi32>, vector<16xi1>
        tpu.vector_store_idx %arg10[%sub3A_217], %add3A_208 masked %ge3A_202 : memref<16400xi32, #tpu.memory_space<vmem>>[vector<16xi32>], vector<16xi32>, vector<16xi1>
        %slice3A_218 = vector.extract_strided_slice %masked_cumsum3A_212 {offsets = [15], sizes = [1], strides = [1]} : vector<16xi32> to vector<1xi32>
        %squeeze3A_219 = vector.extract %slice3A_218[0] : i32 from vector<1xi32>
        %add3A_220 = arith.addi %scan3A_195, %squeeze3A_219 : i32
        %scan3A_221 = arith.constant 1 : i32
        %scan3A_222 = arith.addi %scan3A_194, %scan3A_221 : i32
        %mul3A_223 = arith.constant 16 : i32
        %mul3A_224 = arith.muli %scan3A_222, %mul3A_223 : i32
        %get3A_225 = arith.index_cast %mul3A_224 : i32 to index
        %get3A_226 = tpu.vector_load %arg8[%get3A_225] {strides = array<i32>} : memref<31808xi32, #tpu.memory_space<vmem>>, vector<16xi32>,
        %ge3A_227 = arith.constant 0 : i32
        %ge3A_228 = vector.broadcast %ge3A_227 : i32 to vector<16xi32>
        %ge3A_229 = arith.cmpi sge, %get3A_226, %ge3A_228 : vector<16xi32>
        %iota3A_230 = tpu.iota {dimensions = array<i32: 0>} : vector<16xi32>
        %mul3A_231 = arith.constant 16 : i32
        %mul3A_232 = arith.muli %scan3A_222, %mul3A_231 : i32
        %add3A_233 = arith.addi %mul3A_2, %mul3A_232 : i32
        %add3A_234 = vector.broadcast %add3A_233 : i32 to vector<16xi32>
        %add3A_235 = arith.addi %iota3A_230, %add3A_234 : vector<16xi32>
        %select_n3A_236 = arith.select %ge3A_229, %broadcast_in_dim3A_17, %broadcast_in_dim3A_19 : vector<16xi1>, vector<16xi32>
        %broadcast_in_dim3A_237 = arith.constant true
        %broadcast_in_dim3A_238 = vector.broadcast %broadcast_in_dim3A_237 : i1 to vector<16xi1>
        %masked_cumsum3A_239 = tpu.scan <sum>, %select_n3A_236 masked %broadcast_in_dim3A_238 : vector<16xi32>, vector<16xi1> -> vector<16xi32>
        %add3A_240 = vector.broadcast %add3A_220 : i32 to vector<16xi32>
        %add3A_241 = arith.addi %add3A_240, %masked_cumsum3A_239 : vector<16xi32>
        %sub3A_242 = arith.constant 1 : i32
        %sub3A_243 = vector.broadcast %sub3A_242 : i32 to vector<16xi32>
        %sub3A_244 = arith.subi %add3A_241, %sub3A_243 : vector<16xi32>
        tpu.vector_store_idx %arg9[%sub3A_244], %get3A_226 masked %ge3A_229 : memref<16400xi32, #tpu.memory_space<vmem>>[vector<16xi32>], vector<16xi32>, vector<16xi1>
        tpu.vector_store_idx %arg10[%sub3A_244], %add3A_235 masked %ge3A_229 : memref<16400xi32, #tpu.memory_space<vmem>>[vector<16xi32>], vector<16xi32>, vector<16xi1>
        %slice3A_245 = vector.extract_strided_slice %masked_cumsum3A_239 {offsets = [15], sizes = [1], strides = [1]} : vector<16xi32> to vector<1xi32>
        %squeeze3A_246 = vector.extract %slice3A_245[0] : i32 from vector<1xi32>
        %add3A_247 = arith.addi %add3A_220, %squeeze3A_246 : i32
        %scan3A_248 = arith.constant 2 : i32
        %scan3A_249 = arith.addi %scan3A_194, %scan3A_248 : i32
        %mul3A_250 = arith.constant 16 : i32
        %mul3A_251 = arith.muli %scan3A_249, %mul3A_250 : i32
        %get3A_252 = arith.index_cast %mul3A_251 : i32 to index
        %get3A_253 = tpu.vector_load %arg8[%get3A_252] {strides = array<i32>} : memref<31808xi32, #tpu.memory_space<vmem>>, vector<16xi32>,
        %ge3A_254 = arith.constant 0 : i32
        %ge3A_255 = vector.broadcast %ge3A_254 : i32 to vector<16xi32>
        %ge3A_256 = arith.cmpi sge, %get3A_253, %ge3A_255 : vector<16xi32>
        %iota3A_257 = tpu.iota {dimensions = array<i32: 0>} : vector<16xi32>
        %mul3A_258 = arith.constant 16 : i32
        %mul3A_259 = arith.muli %scan3A_249, %mul3A_258 : i32
        %add3A_260 = arith.addi %mul3A_2, %mul3A_259 : i32
        %add3A_261 = vector.broadcast %add3A_260 : i32 to vector<16xi32>
        %add3A_262 = arith.addi %iota3A_257, %add3A_261 : vector<16xi32>
        %select_n3A_263 = arith.select %ge3A_256, %broadcast_in_dim3A_17, %broadcast_in_dim3A_19 : vector<16xi1>, vector<16xi32>
        %broadcast_in_dim3A_264 = arith.constant true
        %broadcast_in_dim3A_265 = vector.broadcast %broadcast_in_dim3A_264 : i1 to vector<16xi1>
        %masked_cumsum3A_266 = tpu.scan <sum>, %select_n3A_263 masked %broadcast_in_dim3A_265 : vector<16xi32>, vector<16xi1> -> vector<16xi32>
        %add3A_267 = vector.broadcast %add3A_247 : i32 to vector<16xi32>
        %add3A_268 = arith.addi %add3A_267, %masked_cumsum3A_266 : vector<16xi32>
        %sub3A_269 = arith.constant 1 : i32
        %sub3A_270 = vector.broadcast %sub3A_269 : i32 to vector<16xi32>
        %sub3A_271 = arith.subi %add3A_268, %sub3A_270 : vector<16xi32>
        tpu.vector_store_idx %arg9[%sub3A_271], %get3A_253 masked %ge3A_256 : memref<16400xi32, #tpu.memory_space<vmem>>[vector<16xi32>], vector<16xi32>, vector<16xi1>
        tpu.vector_store_idx %arg10[%sub3A_271], %add3A_262 masked %ge3A_256 : memref<16400xi32, #tpu.memory_space<vmem>>[vector<16xi32>], vector<16xi32>, vector<16xi1>
        %slice3A_272 = vector.extract_strided_slice %masked_cumsum3A_266 {offsets = [15], sizes = [1], strides = [1]} : vector<16xi32> to vector<1xi32>
        %squeeze3A_273 = vector.extract %slice3A_272[0] : i32 from vector<1xi32>
        %add3A_274 = arith.addi %add3A_247, %squeeze3A_273 : i32
        %scan3A_275 = arith.constant 3 : i32
        %scan3A_276 = arith.addi %scan3A_194, %scan3A_275 : i32
        %mul3A_277 = arith.constant 16 : i32
        %mul3A_278 = arith.muli %scan3A_276, %mul3A_277 : i32
        %get3A_279 = arith.index_cast %mul3A_278 : i32 to index
        %get3A_280 = tpu.vector_load %arg8[%get3A_279] {strides = array<i32>} : memref<31808xi32, #tpu.memory_space<vmem>>, vector<16xi32>,
        %ge3A_281 = arith.constant 0 : i32
        %ge3A_282 = vector.broadcast %ge3A_281 : i32 to vector<16xi32>
        %ge3A_283 = arith.cmpi sge, %get3A_280, %ge3A_282 : vector<16xi32>
        %iota3A_284 = tpu.iota {dimensions = array<i32: 0>} : vector<16xi32>
        %mul3A_285 = arith.constant 16 : i32
        %mul3A_286 = arith.muli %scan3A_276, %mul3A_285 : i32
        %add3A_287 = arith.addi %mul3A_2, %mul3A_286 : i32
        %add3A_288 = vector.broadcast %add3A_287 : i32 to vector<16xi32>
        %add3A_289 = arith.addi %iota3A_284, %add3A_288 : vector<16xi32>
        %select_n3A_290 = arith.select %ge3A_283, %broadcast_in_dim3A_17, %broadcast_in_dim3A_19 : vector<16xi1>, vector<16xi32>
        %broadcast_in_dim3A_291 = arith.constant true
        %broadcast_in_dim3A_292 = vector.broadcast %broadcast_in_dim3A_291 : i1 to vector<16xi1>
        %masked_cumsum3A_293 = tpu.scan <sum>, %select_n3A_290 masked %broadcast_in_dim3A_292 : vector<16xi32>, vector<16xi1> -> vector<16xi32>
        %add3A_294 = vector.broadcast %add3A_274 : i32 to vector<16xi32>
        %add3A_295 = arith.addi %add3A_294, %masked_cumsum3A_293 : vector<16xi32>
        %sub3A_296 = arith.constant 1 : i32
        %sub3A_297 = vector.broadcast %sub3A_296 : i32 to vector<16xi32>
        %sub3A_298 = arith.subi %add3A_295, %sub3A_297 : vector<16xi32>
        tpu.vector_store_idx %arg9[%sub3A_298], %get3A_280 masked %ge3A_283 : memref<16400xi32, #tpu.memory_space<vmem>>[vector<16xi32>], vector<16xi32>, vector<16xi1>
        tpu.vector_store_idx %arg10[%sub3A_298], %add3A_289 masked %ge3A_283 : memref<16400xi32, #tpu.memory_space<vmem>>[vector<16xi32>], vector<16xi32>, vector<16xi1>
        %slice3A_299 = vector.extract_strided_slice %masked_cumsum3A_293 {offsets = [15], sizes = [1], strides = [1]} : vector<16xi32> to vector<1xi32>
        %squeeze3A_300 = vector.extract %slice3A_299[0] : i32 from vector<1xi32>
        %add3A_301 = arith.addi %add3A_274, %squeeze3A_300 : i32
        %scan3A_302 = arith.constant 4 : i32
        %scan3A_303 = arith.addi %scan3A_194, %scan3A_302 : i32
        %mul3A_304 = arith.constant 16 : i32
        %mul3A_305 = arith.muli %scan3A_303, %mul3A_304 : i32
        %get3A_306 = arith.index_cast %mul3A_305 : i32 to index
        %get3A_307 = tpu.vector_load %arg8[%get3A_306] {strides = array<i32>} : memref<31808xi32, #tpu.memory_space<vmem>>, vector<16xi32>,
        %ge3A_308 = arith.constant 0 : i32
        %ge3A_309 = vector.broadcast %ge3A_308 : i32 to vector<16xi32>
        %ge3A_310 = arith.cmpi sge, %get3A_307, %ge3A_309 : vector<16xi32>
        %iota3A_311 = tpu.iota {dimensions = array<i32: 0>} : vector<16xi32>
        %mul3A_312 = arith.constant 16 : i32
        %mul3A_313 = arith.muli %scan3A_303, %mul3A_312 : i32
        %add3A_314 = arith.addi %mul3A_2, %mul3A_313 : i32
        %add3A_315 = vector.broadcast %add3A_314 : i32 to vector<16xi32>
        %add3A_316 = arith.addi %iota3A_311, %add3A_315 : vector<16xi32>
        %select_n3A_317 = arith.select %ge3A_310, %broadcast_in_dim3A_17, %broadcast_in_dim3A_19 : vector<16xi1>, vector<16xi32>
        %broadcast_in_dim3A_318 = arith.constant true
        %broadcast_in_dim3A_319 = vector.broadcast %broadcast_in_dim3A_318 : i1 to vector<16xi1>
        %masked_cumsum3A_320 = tpu.scan <sum>, %select_n3A_317 masked %broadcast_in_dim3A_319 : vector<16xi32>, vector<16xi1> -> vector<16xi32>
        %add3A_321 = vector.broadcast %add3A_301 : i32 to vector<16xi32>
        %add3A_322 = arith.addi %add3A_321, %masked_cumsum3A_320 : vector<16xi32>
        %sub3A_323 = arith.constant 1 : i32
        %sub3A_324 = vector.broadcast %sub3A_323 : i32 to vector<16xi32>
        %sub3A_325 = arith.subi %add3A_322, %sub3A_324 : vector<16xi32>
        tpu.vector_store_idx %arg9[%sub3A_325], %get3A_307 masked %ge3A_310 : memref<16400xi32, #tpu.memory_space<vmem>>[vector<16xi32>], vector<16xi32>, vector<16xi1>
        tpu.vector_store_idx %arg10[%sub3A_325], %add3A_316 masked %ge3A_310 : memref<16400xi32, #tpu.memory_space<vmem>>[vector<16xi32>], vector<16xi32>, vector<16xi1>
        %slice3A_326 = vector.extract_strided_slice %masked_cumsum3A_320 {offsets = [15], sizes = [1], strides = [1]} : vector<16xi32> to vector<1xi32>
        %squeeze3A_327 = vector.extract %slice3A_326[0] : i32 from vector<1xi32>
        %add3A_328 = arith.addi %add3A_301, %squeeze3A_327 : i32
        %scan3A_329 = arith.constant 5 : i32
        %scan3A_330 = arith.addi %scan3A_194, %scan3A_329 : i32
        %mul3A_331 = arith.constant 16 : i32
        %mul3A_332 = arith.muli %scan3A_330, %mul3A_331 : i32
        %get3A_333 = arith.index_cast %mul3A_332 : i32 to index
        %get3A_334 = tpu.vector_load %arg8[%get3A_333] {strides = array<i32>} : memref<31808xi32, #tpu.memory_space<vmem>>, vector<16xi32>,
        %ge3A_335 = arith.constant 0 : i32
        %ge3A_336 = vector.broadcast %ge3A_335 : i32 to vector<16xi32>
        %ge3A_337 = arith.cmpi sge, %get3A_334, %ge3A_336 : vector<16xi32>
        %iota3A_338 = tpu.iota {dimensions = array<i32: 0>} : vector<16xi32>
        %mul3A_339 = arith.constant 16 : i32
        %mul3A_340 = arith.muli %scan3A_330, %mul3A_339 : i32
        %add3A_341 = arith.addi %mul3A_2, %mul3A_340 : i32
        %add3A_342 = vector.broadcast %add3A_341 : i32 to vector<16xi32>
        %add3A_343 = arith.addi %iota3A_338, %add3A_342 : vector<16xi32>
        %select_n3A_344 = arith.select %ge3A_337, %broadcast_in_dim3A_17, %broadcast_in_dim3A_19 : vector<16xi1>, vector<16xi32>
        %broadcast_in_dim3A_345 = arith.constant true
        %broadcast_in_dim3A_346 = vector.broadcast %broadcast_in_dim3A_345 : i1 to vector<16xi1>
        %masked_cumsum3A_347 = tpu.scan <sum>, %select_n3A_344 masked %broadcast_in_dim3A_346 : vector<16xi32>, vector<16xi1> -> vector<16xi32>
        %add3A_348 = vector.broadcast %add3A_328 : i32 to vector<16xi32>
        %add3A_349 = arith.addi %add3A_348, %masked_cumsum3A_347 : vector<16xi32>
        %sub3A_350 = arith.constant 1 : i32
        %sub3A_351 = vector.broadcast %sub3A_350 : i32 to vector<16xi32>
        %sub3A_352 = arith.subi %add3A_349, %sub3A_351 : vector<16xi32>
        tpu.vector_store_idx %arg9[%sub3A_352], %get3A_334 masked %ge3A_337 : memref<16400xi32, #tpu.memory_space<vmem>>[vector<16xi32>], vector<16xi32>, vector<16xi1>
        tpu.vector_store_idx %arg10[%sub3A_352], %add3A_343 masked %ge3A_337 : memref<16400xi32, #tpu.memory_space<vmem>>[vector<16xi32>], vector<16xi32>, vector<16xi1>
        %slice3A_353 = vector.extract_strided_slice %masked_cumsum3A_347 {offsets = [15], sizes = [1], strides = [1]} : vector<16xi32> to vector<1xi32>
        %squeeze3A_354 = vector.extract %slice3A_353[0] : i32 from vector<1xi32>
        %add3A_355 = arith.addi %add3A_328, %squeeze3A_354 : i32
        %scan3A_356 = arith.constant 6 : i32
        %scan3A_357 = arith.addi %scan3A_194, %scan3A_356 : i32
        %mul3A_358 = arith.constant 16 : i32
        %mul3A_359 = arith.muli %scan3A_357, %mul3A_358 : i32
        %get3A_360 = arith.index_cast %mul3A_359 : i32 to index
        %get3A_361 = tpu.vector_load %arg8[%get3A_360] {strides = array<i32>} : memref<31808xi32, #tpu.memory_space<vmem>>, vector<16xi32>,
        %ge3A_362 = arith.constant 0 : i32
        %ge3A_363 = vector.broadcast %ge3A_362 : i32 to vector<16xi32>
        %ge3A_364 = arith.cmpi sge, %get3A_361, %ge3A_363 : vector<16xi32>
        %iota3A_365 = tpu.iota {dimensions = array<i32: 0>} : vector<16xi32>
        %mul3A_366 = arith.constant 16 : i32
        %mul3A_367 = arith.muli %scan3A_357, %mul3A_366 : i32
        %add3A_368 = arith.addi %mul3A_2, %mul3A_367 : i32
        %add3A_369 = vector.broadcast %add3A_368 : i32 to vector<16xi32>
        %add3A_370 = arith.addi %iota3A_365, %add3A_369 : vector<16xi32>
        %select_n3A_371 = arith.select %ge3A_364, %broadcast_in_dim3A_17, %broadcast_in_dim3A_19 : vector<16xi1>, vector<16xi32>
        %broadcast_in_dim3A_372 = arith.constant true
        %broadcast_in_dim3A_373 = vector.broadcast %broadcast_in_dim3A_372 : i1 to vector<16xi1>
        %masked_cumsum3A_374 = tpu.scan <sum>, %select_n3A_371 masked %broadcast_in_dim3A_373 : vector<16xi32>, vector<16xi1> -> vector<16xi32>
        %add3A_375 = vector.broadcast %add3A_355 : i32 to vector<16xi32>
        %add3A_376 = arith.addi %add3A_375, %masked_cumsum3A_374 : vector<16xi32>
        %sub3A_377 = arith.constant 1 : i32
        %sub3A_378 = vector.broadcast %sub3A_377 : i32 to vector<16xi32>
        %sub3A_379 = arith.subi %add3A_376, %sub3A_378 : vector<16xi32>
        tpu.vector_store_idx %arg9[%sub3A_379], %get3A_361 masked %ge3A_364 : memref<16400xi32, #tpu.memory_space<vmem>>[vector<16xi32>], vector<16xi32>, vector<16xi1>
        tpu.vector_store_idx %arg10[%sub3A_379], %add3A_370 masked %ge3A_364 : memref<16400xi32, #tpu.memory_space<vmem>>[vector<16xi32>], vector<16xi32>, vector<16xi1>
        %slice3A_380 = vector.extract_strided_slice %masked_cumsum3A_374 {offsets = [15], sizes = [1], strides = [1]} : vector<16xi32> to vector<1xi32>
        %squeeze3A_381 = vector.extract %slice3A_380[0] : i32 from vector<1xi32>
        %add3A_382 = arith.addi %add3A_355, %squeeze3A_381 : i32
        %scan3A_383 = arith.constant 7 : i32
        %scan3A_384 = arith.addi %scan3A_194, %scan3A_383 : i32
        %mul3A_385 = arith.constant 16 : i32
        %mul3A_386 = arith.muli %scan3A_384, %mul3A_385 : i32
        %get3A_387 = arith.index_cast %mul3A_386 : i32 to index
        %get3A_388 = tpu.vector_load %arg8[%get3A_387] {strides = array<i32>} : memref<31808xi32, #tpu.memory_space<vmem>>, vector<16xi32>,
        %ge3A_389 = arith.constant 0 : i32
        %ge3A_390 = vector.broadcast %ge3A_389 : i32 to vector<16xi32>
        %ge3A_391 = arith.cmpi sge, %get3A_388, %ge3A_390 : vector<16xi32>
        %iota3A_392 = tpu.iota {dimensions = array<i32: 0>} : vector<16xi32>
        %mul3A_393 = arith.constant 16 : i32
        %mul3A_394 = arith.muli %scan3A_384, %mul3A_393 : i32
        %add3A_395 = arith.addi %mul3A_2, %mul3A_394 : i32
        %add3A_396 = vector.broadcast %add3A_395 : i32 to vector<16xi32>
        %add3A_397 = arith.addi %iota3A_392, %add3A_396 : vector<16xi32>
        %select_n3A_398 = arith.select %ge3A_391, %broadcast_in_dim3A_17, %broadcast_in_dim3A_19 : vector<16xi1>, vector<16xi32>
        %broadcast_in_dim3A_399 = arith.constant true
        %broadcast_in_dim3A_400 = vector.broadcast %broadcast_in_dim3A_399 : i1 to vector<16xi1>
        %masked_cumsum3A_401 = tpu.scan <sum>, %select_n3A_398 masked %broadcast_in_dim3A_400 : vector<16xi32>, vector<16xi1> -> vector<16xi32>
        %add3A_402 = vector.broadcast %add3A_382 : i32 to vector<16xi32>
        %add3A_403 = arith.addi %add3A_402, %masked_cumsum3A_401 : vector<16xi32>
        %sub3A_404 = arith.constant 1 : i32
        %sub3A_405 = vector.broadcast %sub3A_404 : i32 to vector<16xi32>
        %sub3A_406 = arith.subi %add3A_403, %sub3A_405 : vector<16xi32>
        tpu.vector_store_idx %arg9[%sub3A_406], %get3A_388 masked %ge3A_391 : memref<16400xi32, #tpu.memory_space<vmem>>[vector<16xi32>], vector<16xi32>, vector<16xi1>
        tpu.vector_store_idx %arg10[%sub3A_406], %add3A_397 masked %ge3A_391 : memref<16400xi32, #tpu.memory_space<vmem>>[vector<16xi32>], vector<16xi32>, vector<16xi1>
        %slice3A_407 = vector.extract_strided_slice %masked_cumsum3A_401 {offsets = [15], sizes = [1], strides = [1]} : vector<16xi32> to vector<1xi32>
        %squeeze3A_408 = vector.extract %slice3A_407[0] : i32 from vector<1xi32>
        %add3A_409 = arith.addi %add3A_382, %squeeze3A_408 : i32
        scf.yield %add3A_409 : i32
      }
      %scan3A_88 = arith.constant 32 : i32
      %scan3A_89 = arith.addi %scan3A_83, %scan3A_88 : i32
      %mul3A_90 = arith.constant 16 : i32
      %mul3A_91 = arith.muli %scan3A_89, %mul3A_90 : i32
      %get3A_92 = arith.index_cast %mul3A_91 : i32 to index
      %get3A_93 = tpu.vector_load %arg8[%get3A_92] {strides = array<i32>} : memref<31808xi32, #tpu.memory_space<vmem>>, vector<16xi32>,
      %ge3A = arith.constant 0 : i32
      %ge3A_94 = vector.broadcast %ge3A : i32 to vector<16xi32>
      %ge3A_95 = arith.cmpi sge, %get3A_93, %ge3A_94 : vector<16xi32>
      %iota3A = tpu.iota {dimensions = array<i32: 0>} : vector<16xi32>
      %mul3A_96 = arith.constant 16 : i32
      %mul3A_97 = arith.muli %scan3A_89, %mul3A_96 : i32
      %add3A_98 = arith.addi %mul3A_2, %mul3A_97 : i32
      %add3A_99 = vector.broadcast %add3A_98 : i32 to vector<16xi32>
      %add3A_100 = arith.addi %iota3A, %add3A_99 : vector<16xi32>
      %select_n3A_101 = arith.select %ge3A_95, %broadcast_in_dim3A_17, %broadcast_in_dim3A_19 : vector<16xi1>, vector<16xi32>
      %broadcast_in_dim3A_102 = arith.constant true
      %broadcast_in_dim3A_103 = vector.broadcast %broadcast_in_dim3A_102 : i1 to vector<16xi1>
      %masked_cumsum3A = tpu.scan <sum>, %select_n3A_101 masked %broadcast_in_dim3A_103 : vector<16xi32>, vector<16xi1> -> vector<16xi32>
      %add3A_104 = vector.broadcast %scan3A_87 : i32 to vector<16xi32>
      %add3A_105 = arith.addi %add3A_104, %masked_cumsum3A : vector<16xi32>
      %sub3A_106 = arith.constant 1 : i32
      %sub3A_107 = vector.broadcast %sub3A_106 : i32 to vector<16xi32>
      %sub3A_108 = arith.subi %add3A_105, %sub3A_107 : vector<16xi32>
      tpu.vector_store_idx %arg9[%sub3A_108], %get3A_93 masked %ge3A_95 : memref<16400xi32, #tpu.memory_space<vmem>>[vector<16xi32>], vector<16xi32>, vector<16xi1>
      tpu.vector_store_idx %arg10[%sub3A_108], %add3A_100 masked %ge3A_95 : memref<16400xi32, #tpu.memory_space<vmem>>[vector<16xi32>], vector<16xi32>, vector<16xi1>
      %slice3A_109 = vector.extract_strided_slice %masked_cumsum3A {offsets = [15], sizes = [1], strides = [1]} : vector<16xi32> to vector<1xi32>
      %squeeze3A_110 = vector.extract %slice3A_109[0] : i32 from vector<1xi32>
      %add3A_111 = arith.addi %scan3A_87, %squeeze3A_110 : i32
      %scan3A_112 = arith.constant 33 : i32
      %scan3A_113 = arith.addi %scan3A_83, %scan3A_112 : i32
      %mul3A_114 = arith.constant 16 : i32
      %mul3A_115 = arith.muli %scan3A_113, %mul3A_114 : i32
      %get3A_116 = arith.index_cast %mul3A_115 : i32 to index
      %get3A_117 = tpu.vector_load %arg8[%get3A_116] {strides = array<i32>} : memref<31808xi32, #tpu.memory_space<vmem>>, vector<16xi32>,
      %ge3A_118 = arith.constant 0 : i32
      %ge3A_119 = vector.broadcast %ge3A_118 : i32 to vector<16xi32>
      %ge3A_120 = arith.cmpi sge, %get3A_117, %ge3A_119 : vector<16xi32>
      %iota3A_121 = tpu.iota {dimensions = array<i32: 0>} : vector<16xi32>
      %mul3A_122 = arith.constant 16 : i32
      %mul3A_123 = arith.muli %scan3A_113, %mul3A_122 : i32
      %add3A_124 = arith.addi %mul3A_2, %mul3A_123 : i32
      %add3A_125 = vector.broadcast %add3A_124 : i32 to vector<16xi32>
      %add3A_126 = arith.addi %iota3A_121, %add3A_125 : vector<16xi32>
      %select_n3A_127 = arith.select %ge3A_120, %broadcast_in_dim3A_17, %broadcast_in_dim3A_19 : vector<16xi1>, vector<16xi32>
      %broadcast_in_dim3A_128 = arith.constant true
      %broadcast_in_dim3A_129 = vector.broadcast %broadcast_in_dim3A_128 : i1 to vector<16xi1>
      %masked_cumsum3A_130 = tpu.scan <sum>, %select_n3A_127 masked %broadcast_in_dim3A_129 : vector<16xi32>, vector<16xi1> -> vector<16xi32>
      %add3A_131 = vector.broadcast %add3A_111 : i32 to vector<16xi32>
      %add3A_132 = arith.addi %add3A_131, %masked_cumsum3A_130 : vector<16xi32>
      %sub3A_133 = arith.constant 1 : i32
      %sub3A_134 = vector.broadcast %sub3A_133 : i32 to vector<16xi32>
      %sub3A_135 = arith.subi %add3A_132, %sub3A_134 : vector<16xi32>
      tpu.vector_store_idx %arg9[%sub3A_135], %get3A_117 masked %ge3A_120 : memref<16400xi32, #tpu.memory_space<vmem>>[vector<16xi32>], vector<16xi32>, vector<16xi1>
      tpu.vector_store_idx %arg10[%sub3A_135], %add3A_126 masked %ge3A_120 : memref<16400xi32, #tpu.memory_space<vmem>>[vector<16xi32>], vector<16xi32>, vector<16xi1>
      %slice3A_136 = vector.extract_strided_slice %masked_cumsum3A_130 {offsets = [15], sizes = [1], strides = [1]} : vector<16xi32> to vector<1xi32>
      %squeeze3A_137 = vector.extract %slice3A_136[0] : i32 from vector<1xi32>
      %add3A_138 = arith.addi %add3A_111, %squeeze3A_137 : i32
      %scan3A_139 = arith.constant 34 : i32
      %scan3A_140 = arith.addi %scan3A_83, %scan3A_139 : i32
      %mul3A_141 = arith.constant 16 : i32
      %mul3A_142 = arith.muli %scan3A_140, %mul3A_141 : i32
      %get3A_143 = arith.index_cast %mul3A_142 : i32 to index
      %get3A_144 = tpu.vector_load %arg8[%get3A_143] {strides = array<i32>} : memref<31808xi32, #tpu.memory_space<vmem>>, vector<16xi32>,
      %ge3A_145 = arith.constant 0 : i32
      %ge3A_146 = vector.broadcast %ge3A_145 : i32 to vector<16xi32>
      %ge3A_147 = arith.cmpi sge, %get3A_144, %ge3A_146 : vector<16xi32>
      %iota3A_148 = tpu.iota {dimensions = array<i32: 0>} : vector<16xi32>
      %mul3A_149 = arith.constant 16 : i32
      %mul3A_150 = arith.muli %scan3A_140, %mul3A_149 : i32
      %add3A_151 = arith.addi %mul3A_2, %mul3A_150 : i32
      %add3A_152 = vector.broadcast %add3A_151 : i32 to vector<16xi32>
      %add3A_153 = arith.addi %iota3A_148, %add3A_152 : vector<16xi32>
      %select_n3A_154 = arith.select %ge3A_147, %broadcast_in_dim3A_17, %broadcast_in_dim3A_19 : vector<16xi1>, vector<16xi32>
      %broadcast_in_dim3A_155 = arith.constant true
      %broadcast_in_dim3A_156 = vector.broadcast %broadcast_in_dim3A_155 : i1 to vector<16xi1>
      %masked_cumsum3A_157 = tpu.scan <sum>, %select_n3A_154 masked %broadcast_in_dim3A_156 : vector<16xi32>, vector<16xi1> -> vector<16xi32>
      %add3A_158 = vector.broadcast %add3A_138 : i32 to vector<16xi32>
      %add3A_159 = arith.addi %add3A_158, %masked_cumsum3A_157 : vector<16xi32>
      %sub3A_160 = arith.constant 1 : i32
      %sub3A_161 = vector.broadcast %sub3A_160 : i32 to vector<16xi32>
      %sub3A_162 = arith.subi %add3A_159, %sub3A_161 : vector<16xi32>
      tpu.vector_store_idx %arg9[%sub3A_162], %get3A_144 masked %ge3A_147 : memref<16400xi32, #tpu.memory_space<vmem>>[vector<16xi32>], vector<16xi32>, vector<16xi1>
      tpu.vector_store_idx %arg10[%sub3A_162], %add3A_153 masked %ge3A_147 : memref<16400xi32, #tpu.memory_space<vmem>>[vector<16xi32>], vector<16xi32>, vector<16xi1>
      %slice3A_163 = vector.extract_strided_slice %masked_cumsum3A_157 {offsets = [15], sizes = [1], strides = [1]} : vector<16xi32> to vector<1xi32>
      %squeeze3A_164 = vector.extract %slice3A_163[0] : i32 from vector<1xi32>
      %add3A_165 = arith.addi %add3A_138, %squeeze3A_164 : i32
      %scan3A_166 = arith.constant 35 : i32
      %scan3A_167 = arith.addi %scan3A_83, %scan3A_166 : i32
      %mul3A_168 = arith.constant 16 : i32
      %mul3A_169 = arith.muli %scan3A_167, %mul3A_168 : i32
      %get3A_170 = arith.index_cast %mul3A_169 : i32 to index
      %get3A_171 = tpu.vector_load %arg8[%get3A_170] {strides = array<i32>} : memref<31808xi32, #tpu.memory_space<vmem>>, vector<16xi32>,
      %ge3A_172 = arith.constant 0 : i32
      %ge3A_173 = vector.broadcast %ge3A_172 : i32 to vector<16xi32>
      %ge3A_174 = arith.cmpi sge, %get3A_171, %ge3A_173 : vector<16xi32>
      %iota3A_175 = tpu.iota {dimensions = array<i32: 0>} : vector<16xi32>
      %mul3A_176 = arith.constant 16 : i32
      %mul3A_177 = arith.muli %scan3A_167, %mul3A_176 : i32
      %add3A_178 = arith.addi %mul3A_2, %mul3A_177 : i32
      %add3A_179 = vector.broadcast %add3A_178 : i32 to vector<16xi32>
      %add3A_180 = arith.addi %iota3A_175, %add3A_179 : vector<16xi32>
      %select_n3A_181 = arith.select %ge3A_174, %broadcast_in_dim3A_17, %broadcast_in_dim3A_19 : vector<16xi1>, vector<16xi32>
      %broadcast_in_dim3A_182 = arith.constant true
      %broadcast_in_dim3A_183 = vector.broadcast %broadcast_in_dim3A_182 : i1 to vector<16xi1>
      %masked_cumsum3A_184 = tpu.scan <sum>, %select_n3A_181 masked %broadcast_in_dim3A_183 : vector<16xi32>, vector<16xi1> -> vector<16xi32>
      %add3A_185 = vector.broadcast %add3A_165 : i32 to vector<16xi32>
      %add3A_186 = arith.addi %add3A_185, %masked_cumsum3A_184 : vector<16xi32>
      %sub3A_187 = arith.constant 1 : i32
      %sub3A_188 = vector.broadcast %sub3A_187 : i32 to vector<16xi32>
      %sub3A_189 = arith.subi %add3A_186, %sub3A_188 : vector<16xi32>
      tpu.vector_store_idx %arg9[%sub3A_189], %get3A_171 masked %ge3A_174 : memref<16400xi32, #tpu.memory_space<vmem>>[vector<16xi32>], vector<16xi32>, vector<16xi1>
      tpu.vector_store_idx %arg10[%sub3A_189], %add3A_180 masked %ge3A_174 : memref<16400xi32, #tpu.memory_space<vmem>>[vector<16xi32>], vector<16xi32>, vector<16xi1>
      %slice3A_190 = vector.extract_strided_slice %masked_cumsum3A_184 {offsets = [15], sizes = [1], strides = [1]} : vector<16xi32> to vector<1xi32>
      %squeeze3A_191 = vector.extract %slice3A_190[0] : i32 from vector<1xi32>
      %add3A_192 = arith.addi %add3A_165, %squeeze3A_191 : i32
      %scan3A_193 = arith.constant 36 : i32
      scf.yield %add3A_192 : i32
    } else {
      scf.yield %scan3A_48 : i32
    }
    %add3A_54 = arith.constant 63 : i32
    %add3A_55 = arith.addi %cond3A_53, %add3A_54 : i32
    %jit3A = arith.constant 64 : i32
    %div3A = arith.divsi %add3A_55, %jit3A : i32
    %sign3A = arith.constant 0 : i32
    %sign3A_56 = arith.cmpi sgt, %add3A_55, %sign3A : i32
    %sign3A_57 = arith.extui %sign3A_56 : i1 to i32
    %sign3A_58 = arith.constant 0 : i32
    %sign3A_59 = arith.cmpi slt, %add3A_55, %sign3A_58 : i32
    %sign3A_60 = arith.extui %sign3A_59 : i1 to i32
    %sign3A_61 = arith.subi %sign3A_57, %sign3A_60 : i32
    %sign3A_62 = arith.constant 0 : i32
    %sign3A_63 = arith.cmpi sgt, %jit3A, %sign3A_62 : i32
    %sign3A_64 = arith.extui %sign3A_63 : i1 to i32
    %sign3A_65 = arith.constant 0 : i32
    %sign3A_66 = arith.cmpi slt, %jit3A, %sign3A_65 : i32
    %sign3A_67 = arith.extui %sign3A_66 : i1 to i32
    %sign3A_68 = arith.subi %sign3A_64, %sign3A_67 : i32
    %ne3A_69 = arith.cmpi ne, %sign3A_61, %sign3A_68 : i32
    %rem3A = arith.remsi %add3A_55, %jit3A : i32
    %ne3A_70 = arith.constant 0 : i32
    %ne3A_71 = arith.cmpi ne, %rem3A, %ne3A_70 : i32
    %and3A = arith.andi %ne3A_69, %ne3A_71 : i1
    %sub3A = arith.constant 1 : i32
    %sub3A_72 = arith.subi %div3A, %sub3A : i32
    %select_n3A_73 = arith.select %and3A, %sub3A_72, %div3A : i32
    %while3A = arith.constant 0 : i32
    %while3A_74 = arith.constant 0 : i32
    %while3A_75 = arith.subi %select_n3A_73, %while3A_74 : i32
    %while3A_76 = arith.addi %while3A_74, %while3A_75 : i32
    %while3A_77 = arith.constant 1 : i32
    %while3A_78 = arith.divsi %while3A_75, %while3A_77 : i32
    %while3A_79 = arith.muli %while3A_78, %while3A_77 : i32
    %while3A_80 = arith.addi %while3A_74, %while3A_79 : i32
    %while3A_81 = arith.constant 1 : i32
    scf.for %while3A_83 = %while3A_74 to %while3A_80 step %while3A_81  : i32 {
      %mul3A_84 = arith.constant 64 : i32
      %mul3A_85 = arith.muli %while3A_83, %mul3A_84 : i32
      %sub3A_86 = arith.subi %cond3A_53, %mul3A_85 : i32
      %min3A = arith.constant 64 : i32
      %min3A_87 = arith.minsi %min3A, %sub3A_86 : i32
      %while3A_88 = arith.constant 0 : i32
      %while3A_89 = arith.constant 0 : i32
      %while3A_90 = arith.subi %min3A_87, %while3A_89 : i32
      %while3A_91 = arith.addi %while3A_89, %while3A_90 : i32
      %while3A_92 = arith.constant 1 : i32
      %while3A_93 = arith.divsi %while3A_90, %while3A_92 : i32
      %while3A_94 = arith.muli %while3A_93, %while3A_92 : i32
      %while3A_95 = arith.addi %while3A_89, %while3A_94 : i32
      %while3A_96 = arith.constant 1 : i32
      scf.for %while3A_128 = %while3A_89 to %while3A_95 step %while3A_96  : i32 {
        %add3A_129 = arith.addi %mul3A_85, %while3A_128 : i32
        %get3A_130 = arith.index_cast %add3A_129 : i32 to index
        %get3A_131 = tpu.vector_load %arg9[%get3A_130] {strides = array<i32>} : memref<16400xi32, #tpu.memory_space<vmem>>, vector<16xi32>,
        %slice3A_132 = vector.extract_strided_slice %get3A_131 {offsets = [0], sizes = [1], strides = [1]} : vector<16xi32> to vector<1xi32>
        %squeeze3A_133 = vector.extract %slice3A_132[0] : i32 from vector<1xi32>
        %dma_start3A_134 = arith.constant 0 : i32
        %dma_start3A_135 = tpu.memref_slice %arg12[%while3A_128, %dma_start3A_134] : memref<64x32xf32, #tpu.memory_space<vmem>> -> memref<1x32xf32, #tpu.memory_space<vmem>>
        %dma_start3A_136 = arith.constant 0 : i32
        %dma_start3A_137 = tpu.memref_slice %arg4[%squeeze3A_133, %dma_start3A_136] : memref<16384x32xf32, #tpu.memory_space<hbm>> -> memref<1x32xf32, #tpu.memory_space<hbm>>
        %dma_start3A_138 = arith.constant 0 : i32
        %dma_start3A_139 = tpu.memref_slice %arg12[%while3A_128, %dma_start3A_138] : memref<64x32xf32, #tpu.memory_space<vmem>> -> memref<1x32xf32, #tpu.memory_space<vmem>>
        %dma_start3A_140 = arith.constant 0 : i32
        %dma_start3A_141 = tpu.memref_slice %arg4[%squeeze3A_133, %dma_start3A_140] : memref<16384x32xf32, #tpu.memory_space<hbm>> -> memref<1x32xf32, #tpu.memory_space<hbm>>
        tpu.enqueue_dma source(%dma_start3A_141 : memref<1x32xf32, #tpu.memory_space<hbm>>) target(%dma_start3A_139 : memref<1x32xf32, #tpu.memory_space<vmem>>) target_semaphore(%arg19 : memref<!tpu.dma_semaphore, #tpu.memory_space<semaphore_mem>>)
      }
      %while3A_97 = arith.constant 1 : i32
      scf.for %while3A_128 = %while3A_95 to %while3A_91 step %while3A_97  : i32 {
        %add3A_129 = arith.addi %mul3A_85, %while3A_128 : i32
        %get3A_130 = arith.index_cast %add3A_129 : i32 to index
        %get3A_131 = tpu.vector_load %arg9[%get3A_130] {strides = array<i32>} : memref<16400xi32, #tpu.memory_space<vmem>>, vector<16xi32>,
        %slice3A_132 = vector.extract_strided_slice %get3A_131 {offsets = [0], sizes = [1], strides = [1]} : vector<16xi32> to vector<1xi32>
        %squeeze3A_133 = vector.extract %slice3A_132[0] : i32 from vector<1xi32>
        %dma_start3A_134 = arith.constant 0 : i32
        %dma_start3A_135 = tpu.memref_slice %arg12[%while3A_128, %dma_start3A_134] : memref<64x32xf32, #tpu.memory_space<vmem>> -> memref<1x32xf32, #tpu.memory_space<vmem>>
        %dma_start3A_136 = arith.constant 0 : i32
        %dma_start3A_137 = tpu.memref_slice %arg4[%squeeze3A_133, %dma_start3A_136] : memref<16384x32xf32, #tpu.memory_space<hbm>> -> memref<1x32xf32, #tpu.memory_space<hbm>>
        %dma_start3A_138 = arith.constant 0 : i32
        %dma_start3A_139 = tpu.memref_slice %arg12[%while3A_128, %dma_start3A_138] : memref<64x32xf32, #tpu.memory_space<vmem>> -> memref<1x32xf32, #tpu.memory_space<vmem>>
        %dma_start3A_140 = arith.constant 0 : i32
        %dma_start3A_141 = tpu.memref_slice %arg4[%squeeze3A_133, %dma_start3A_140] : memref<16384x32xf32, #tpu.memory_space<hbm>> -> memref<1x32xf32, #tpu.memory_space<hbm>>
        tpu.enqueue_dma source(%dma_start3A_141 : memref<1x32xf32, #tpu.memory_space<hbm>>) target(%dma_start3A_139 : memref<1x32xf32, #tpu.memory_space<vmem>>) target_semaphore(%arg19 : memref<!tpu.dma_semaphore, #tpu.memory_space<semaphore_mem>>)
      }
      %while3A_98 = arith.constant 0 : i32
      %while3A_99 = arith.constant 0 : i32
      %while3A_100 = arith.subi %min3A_87, %while3A_99 : i32
      %while3A_101 = arith.addi %while3A_99, %while3A_100 : i32
      %while3A_102 = arith.constant 1 : i32
      %while3A_103 = arith.divsi %while3A_100, %while3A_102 : i32
      %while3A_104 = arith.muli %while3A_103, %while3A_102 : i32
      %while3A_105 = arith.addi %while3A_99, %while3A_104 : i32
      %while3A_106 = arith.constant 1 : i32
      scf.for %while3A_128 = %while3A_99 to %while3A_105 step %while3A_106  : i32 {
        %dma_wait3A_129 = arith.constant 0 : i32
        %dma_wait3A_130 = arith.constant 0 : i32
        %dma_wait3A_131 = tpu.memref_slice %arg12[%dma_wait3A_129, %dma_wait3A_130] : memref<64x32xf32, #tpu.memory_space<vmem>> -> memref<1x32xf32, #tpu.memory_space<vmem>>
        %dma_wait3A_132 = arith.constant 0 : i32
        %dma_wait3A_133 = arith.constant 0 : i32
        %dma_wait3A_134 = tpu.memref_slice %arg4[%dma_wait3A_132, %dma_wait3A_133] : memref<16384x32xf32, #tpu.memory_space<hbm>> -> memref<1x32xf32, #tpu.memory_space<hbm>>
        %dma_wait3A_135 = arith.constant 0 : i32
        %dma_wait3A_136 = arith.constant 0 : i32
        %dma_wait3A_137 = tpu.memref_slice %arg12[%dma_wait3A_135, %dma_wait3A_136] : memref<64x32xf32, #tpu.memory_space<vmem>> -> memref<1x32xf32, #tpu.memory_space<vmem>>
        %dma_wait3A_138 = arith.constant 0 : i32
        %dma_wait3A_139 = arith.constant 0 : i32
        %dma_wait3A_140 = tpu.memref_slice %arg4[%dma_wait3A_138, %dma_wait3A_139] : memref<16384x32xf32, #tpu.memory_space<hbm>> -> memref<1x32xf32, #tpu.memory_space<hbm>>
        tpu.wait_dma2 semaphore(%arg19 : memref<!tpu.dma_semaphore, #tpu.memory_space<semaphore_mem>>) src(%dma_wait3A_140 : memref<1x32xf32, #tpu.memory_space<hbm>>) dst(%dma_wait3A_137 : memref<1x32xf32, #tpu.memory_space<vmem>>)
      }
      %while3A_107 = arith.constant 1 : i32
      scf.for %while3A_128 = %while3A_105 to %while3A_101 step %while3A_107  : i32 {
        %dma_wait3A_129 = arith.constant 0 : i32
        %dma_wait3A_130 = arith.constant 0 : i32
        %dma_wait3A_131 = tpu.memref_slice %arg12[%dma_wait3A_129, %dma_wait3A_130] : memref<64x32xf32, #tpu.memory_space<vmem>> -> memref<1x32xf32, #tpu.memory_space<vmem>>
        %dma_wait3A_132 = arith.constant 0 : i32
        %dma_wait3A_133 = arith.constant 0 : i32
        %dma_wait3A_134 = tpu.memref_slice %arg4[%dma_wait3A_132, %dma_wait3A_133] : memref<16384x32xf32, #tpu.memory_space<hbm>> -> memref<1x32xf32, #tpu.memory_space<hbm>>
        %dma_wait3A_135 = arith.constant 0 : i32
        %dma_wait3A_136 = arith.constant 0 : i32
        %dma_wait3A_137 = tpu.memref_slice %arg12[%dma_wait3A_135, %dma_wait3A_136] : memref<64x32xf32, #tpu.memory_space<vmem>> -> memref<1x32xf32, #tpu.memory_space<vmem>>
        %dma_wait3A_138 = arith.constant 0 : i32
        %dma_wait3A_139 = arith.constant 0 : i32
        %dma_wait3A_140 = tpu.memref_slice %arg4[%dma_wait3A_138, %dma_wait3A_139] : memref<16384x32xf32, #tpu.memory_space<hbm>> -> memref<1x32xf32, #tpu.memory_space<hbm>>
        tpu.wait_dma2 semaphore(%arg19 : memref<!tpu.dma_semaphore, #tpu.memory_space<semaphore_mem>>) src(%dma_wait3A_140 : memref<1x32xf32, #tpu.memory_space<hbm>>) dst(%dma_wait3A_137 : memref<1x32xf32, #tpu.memory_space<vmem>>)
      }
      %while3A_108 = arith.constant 0 : i32
      %while3A_109 = arith.constant 0 : i32
      %while3A_110 = arith.subi %min3A_87, %while3A_109 : i32
      %while3A_111 = arith.addi %while3A_109, %while3A_110 : i32
      %while3A_112 = arith.constant 1 : i32
      %while3A_113 = arith.divsi %while3A_110, %while3A_112 : i32
      %while3A_114 = arith.muli %while3A_113, %while3A_112 : i32
      %while3A_115 = arith.addi %while3A_109, %while3A_114 : i32
      %while3A_116 = arith.constant 1 : i32
      scf.for %while3A_128 = %while3A_109 to %while3A_115 step %while3A_116  : i32 {
        %add3A_129 = arith.addi %mul3A_85, %while3A_128 : i32
        %get3A_130 = arith.index_cast %add3A_129 : i32 to index
        %get3A_131 = tpu.vector_load %arg10[%get3A_130] {strides = array<i32>} : memref<16400xi32, #tpu.memory_space<vmem>>, vector<16xi32>,
        %slice3A_132 = vector.extract_strided_slice %get3A_131 {offsets = [0], sizes = [1], strides = [1]} : vector<16xi32> to vector<1xi32>
        %squeeze3A_133 = vector.extract %slice3A_132[0] : i32 from vector<1xi32>
        %dma_start3A_134 = arith.constant 0 : i32
        %dma_start3A_135 = tpu.memref_slice %arg12[%while3A_128, %dma_start3A_134] : memref<64x32xf32, #tpu.memory_space<vmem>> -> memref<1x32xf32, #tpu.memory_space<vmem>>
        %dma_start3A_136 = arith.constant 0 : i32
        %dma_start3A_137 = tpu.memref_slice %arg6[%squeeze3A_133, %dma_start3A_136] : memref<1000000x32xf32, #tpu.memory_space<hbm>> -> memref<1x32xf32, #tpu.memory_space<hbm>>
        %dma_start3A_138 = arith.constant 0 : i32
        %dma_start3A_139 = tpu.memref_slice %arg6[%squeeze3A_133, %dma_start3A_138] : memref<1000000x32xf32, #tpu.memory_space<hbm>> -> memref<1x32xf32, #tpu.memory_space<hbm>>
        %dma_start3A_140 = arith.constant 0 : i32
        %dma_start3A_141 = tpu.memref_slice %arg12[%while3A_128, %dma_start3A_140] : memref<64x32xf32, #tpu.memory_space<vmem>> -> memref<1x32xf32, #tpu.memory_space<vmem>>
        tpu.enqueue_dma source(%dma_start3A_141 : memref<1x32xf32, #tpu.memory_space<vmem>>) target(%dma_start3A_139 : memref<1x32xf32, #tpu.memory_space<hbm>>) target_semaphore(%arg20 : memref<!tpu.dma_semaphore, #tpu.memory_space<semaphore_mem>>)
      }
      %while3A_117 = arith.constant 1 : i32
      scf.for %while3A_128 = %while3A_115 to %while3A_111 step %while3A_117  : i32 {
        %add3A_129 = arith.addi %mul3A_85, %while3A_128 : i32
        %get3A_130 = arith.index_cast %add3A_129 : i32 to index
        %get3A_131 = tpu.vector_load %arg10[%get3A_130] {strides = array<i32>} : memref<16400xi32, #tpu.memory_space<vmem>>, vector<16xi32>,
        %slice3A_132 = vector.extract_strided_slice %get3A_131 {offsets = [0], sizes = [1], strides = [1]} : vector<16xi32> to vector<1xi32>
        %squeeze3A_133 = vector.extract %slice3A_132[0] : i32 from vector<1xi32>
        %dma_start3A_134 = arith.constant 0 : i32
        %dma_start3A_135 = tpu.memref_slice %arg12[%while3A_128, %dma_start3A_134] : memref<64x32xf32, #tpu.memory_space<vmem>> -> memref<1x32xf32, #tpu.memory_space<vmem>>
        %dma_start3A_136 = arith.constant 0 : i32
        %dma_start3A_137 = tpu.memref_slice %arg6[%squeeze3A_133, %dma_start3A_136] : memref<1000000x32xf32, #tpu.memory_space<hbm>> -> memref<1x32xf32, #tpu.memory_space<hbm>>
        %dma_start3A_138 = arith.constant 0 : i32
        %dma_start3A_139 = tpu.memref_slice %arg6[%squeeze3A_133, %dma_start3A_138] : memref<1000000x32xf32, #tpu.memory_space<hbm>> -> memref<1x32xf32, #tpu.memory_space<hbm>>
        %dma_start3A_140 = arith.constant 0 : i32
        %dma_start3A_141 = tpu.memref_slice %arg12[%while3A_128, %dma_start3A_140] : memref<64x32xf32, #tpu.memory_space<vmem>> -> memref<1x32xf32, #tpu.memory_space<vmem>>
        tpu.enqueue_dma source(%dma_start3A_141 : memref<1x32xf32, #tpu.memory_space<vmem>>) target(%dma_start3A_139 : memref<1x32xf32, #tpu.memory_space<hbm>>) target_semaphore(%arg20 : memref<!tpu.dma_semaphore, #tpu.memory_space<semaphore_mem>>)
      }
      %while3A_118 = arith.constant 0 : i32
      %while3A_119 = arith.constant 0 : i32
      %while3A_120 = arith.subi %min3A_87, %while3A_119 : i32
      %while3A_121 = arith.addi %while3A_119, %while3A_120 : i32
      %while3A_122 = arith.constant 1 : i32
      %while3A_123 = arith.divsi %while3A_120, %while3A_122 : i32
      %while3A_124 = arith.muli %while3A_123, %while3A_122 : i32
      %while3A_125 = arith.addi %while3A_119, %while3A_124 : i32
      %while3A_126 = arith.constant 1 : i32
      scf.for %while3A_128 = %while3A_119 to %while3A_125 step %while3A_126  : i32 {
        %dma_wait3A_129 = arith.constant 0 : i32
        %dma_wait3A_130 = arith.constant 0 : i32
        %dma_wait3A_131 = tpu.memref_slice %arg12[%dma_wait3A_129, %dma_wait3A_130] : memref<64x32xf32, #tpu.memory_space<vmem>> -> memref<1x32xf32, #tpu.memory_space<vmem>>
        %dma_wait3A_132 = arith.constant 0 : i32
        %dma_wait3A_133 = arith.constant 0 : i32
        %dma_wait3A_134 = tpu.memref_slice %arg6[%dma_wait3A_132, %dma_wait3A_133] : memref<1000000x32xf32, #tpu.memory_space<hbm>> -> memref<1x32xf32, #tpu.memory_space<hbm>>
        %dma_wait3A_135 = arith.constant 0 : i32
        %dma_wait3A_136 = arith.constant 0 : i32
        %dma_wait3A_137 = tpu.memref_slice %arg6[%dma_wait3A_135, %dma_wait3A_136] : memref<1000000x32xf32, #tpu.memory_space<hbm>> -> memref<1x32xf32, #tpu.memory_space<hbm>>
        %dma_wait3A_138 = arith.constant 0 : i32
        %dma_wait3A_139 = arith.constant 0 : i32
        %dma_wait3A_140 = tpu.memref_slice %arg12[%dma_wait3A_138, %dma_wait3A_139] : memref<64x32xf32, #tpu.memory_space<vmem>> -> memref<1x32xf32, #tpu.memory_space<vmem>>
        tpu.wait_dma2 semaphore(%arg20 : memref<!tpu.dma_semaphore, #tpu.memory_space<semaphore_mem>>) src(%dma_wait3A_140 : memref<1x32xf32, #tpu.memory_space<vmem>>) dst(%dma_wait3A_137 : memref<1x32xf32, #tpu.memory_space<hbm>>)
      }
      %while3A_127 = arith.constant 1 : i32
      scf.for %while3A_128 = %while3A_125 to %while3A_121 step %while3A_127  : i32 {
        %dma_wait3A_129 = arith.constant 0 : i32
        %dma_wait3A_130 = arith.constant 0 : i32
        %dma_wait3A_131 = tpu.memref_slice %arg12[%dma_wait3A_129, %dma_wait3A_130] : memref<64x32xf32, #tpu.memory_space<vmem>> -> memref<1x32xf32, #tpu.memory_space<vmem>>
        %dma_wait3A_132 = arith.constant 0 : i32
        %dma_wait3A_133 = arith.constant 0 : i32
        %dma_wait3A_134 = tpu.memref_slice %arg6[%dma_wait3A_132, %dma_wait3A_133] : memref<1000000x32xf32, #tpu.memory_space<hbm>> -> memref<1x32xf32, #tpu.memory_space<hbm>>
        %dma_wait3A_135 = arith.constant 0 : i32
        %dma_wait3A_136 = arith.constant 0 : i32
        %dma_wait3A_137 = tpu.memref_slice %arg6[%dma_wait3A_135, %dma_wait3A_136] : memref<1000000x32xf32, #tpu.memory_space<hbm>> -> memref<1x32xf32, #tpu.memory_space<hbm>>
        %dma_wait3A_138 = arith.constant 0 : i32
        %dma_wait3A_139 = arith.constant 0 : i32
        %dma_wait3A_140 = tpu.memref_slice %arg12[%dma_wait3A_138, %dma_wait3A_139] : memref<64x32xf32, #tpu.memory_space<vmem>> -> memref<1x32xf32, #tpu.memory_space<vmem>>
        tpu.wait_dma2 semaphore(%arg20 : memref<!tpu.dma_semaphore, #tpu.memory_space<semaphore_mem>>) src(%dma_wait3A_140 : memref<1x32xf32, #tpu.memory_space<vmem>>) dst(%dma_wait3A_137 : memref<1x32xf32, #tpu.memory_space<hbm>>)
      }
    }
    %while3A_82 = arith.constant 1 : i32
    scf.for %while3A_83 = %while3A_80 to %while3A_76 step %while3A_82  : i32 {
      %mul3A_84 = arith.constant 64 : i32
      %mul3A_85 = arith.muli %while3A_83, %mul3A_84 : i32
      %sub3A_86 = arith.subi %cond3A_53, %mul3A_85 : i32
      %min3A = arith.constant 64 : i32
      %min3A_87 = arith.minsi %min3A, %sub3A_86 : i32
      %while3A_88 = arith.constant 0 : i32
      %while3A_89 = arith.constant 0 : i32
      %while3A_90 = arith.subi %min3A_87, %while3A_89 : i32
      %while3A_91 = arith.addi %while3A_89, %while3A_90 : i32
      %while3A_92 = arith.constant 1 : i32
      %while3A_93 = arith.divsi %while3A_90, %while3A_92 : i32
      %while3A_94 = arith.muli %while3A_93, %while3A_92 : i32
      %while3A_95 = arith.addi %while3A_89, %while3A_94 : i32
      %while3A_96 = arith.constant 1 : i32
      scf.for %while3A_128 = %while3A_89 to %while3A_95 step %while3A_96  : i32 {
        %add3A_129 = arith.addi %mul3A_85, %while3A_128 : i32
        %get3A_130 = arith.index_cast %add3A_129 : i32 to index
        %get3A_131 = tpu.vector_load %arg9[%get3A_130] {strides = array<i32>} : memref<16400xi32, #tpu.memory_space<vmem>>, vector<16xi32>,
        %slice3A_132 = vector.extract_strided_slice %get3A_131 {offsets = [0], sizes = [1], strides = [1]} : vector<16xi32> to vector<1xi32>
        %squeeze3A_133 = vector.extract %slice3A_132[0] : i32 from vector<1xi32>
        %dma_start3A_134 = arith.constant 0 : i32
        %dma_start3A_135 = tpu.memref_slice %arg12[%while3A_128, %dma_start3A_134] : memref<64x32xf32, #tpu.memory_space<vmem>> -> memref<1x32xf32, #tpu.memory_space<vmem>>
        %dma_start3A_136 = arith.constant 0 : i32
        %dma_start3A_137 = tpu.memref_slice %arg4[%squeeze3A_133, %dma_start3A_136] : memref<16384x32xf32, #tpu.memory_space<hbm>> -> memref<1x32xf32, #tpu.memory_space<hbm>>
        %dma_start3A_138 = arith.constant 0 : i32
        %dma_start3A_139 = tpu.memref_slice %arg12[%while3A_128, %dma_start3A_138] : memref<64x32xf32, #tpu.memory_space<vmem>> -> memref<1x32xf32, #tpu.memory_space<vmem>>
        %dma_start3A_140 = arith.constant 0 : i32
        %dma_start3A_141 = tpu.memref_slice %arg4[%squeeze3A_133, %dma_start3A_140] : memref<16384x32xf32, #tpu.memory_space<hbm>> -> memref<1x32xf32, #tpu.memory_space<hbm>>
        tpu.enqueue_dma source(%dma_start3A_141 : memref<1x32xf32, #tpu.memory_space<hbm>>) target(%dma_start3A_139 : memref<1x32xf32, #tpu.memory_space<vmem>>) target_semaphore(%arg19 : memref<!tpu.dma_semaphore, #tpu.memory_space<semaphore_mem>>)
      }
      %while3A_97 = arith.constant 1 : i32
      scf.for %while3A_128 = %while3A_95 to %while3A_91 step %while3A_97  : i32 {
        %add3A_129 = arith.addi %mul3A_85, %while3A_128 : i32
        %get3A_130 = arith.index_cast %add3A_129 : i32 to index
        %get3A_131 = tpu.vector_load %arg9[%get3A_130] {strides = array<i32>} : memref<16400xi32, #tpu.memory_space<vmem>>, vector<16xi32>,
        %slice3A_132 = vector.extract_strided_slice %get3A_131 {offsets = [0], sizes = [1], strides = [1]} : vector<16xi32> to vector<1xi32>
        %squeeze3A_133 = vector.extract %slice3A_132[0] : i32 from vector<1xi32>
        %dma_start3A_134 = arith.constant 0 : i32
        %dma_start3A_135 = tpu.memref_slice %arg12[%while3A_128, %dma_start3A_134] : memref<64x32xf32, #tpu.memory_space<vmem>> -> memref<1x32xf32, #tpu.memory_space<vmem>>
        %dma_start3A_136 = arith.constant 0 : i32
        %dma_start3A_137 = tpu.memref_slice %arg4[%squeeze3A_133, %dma_start3A_136] : memref<16384x32xf32, #tpu.memory_space<hbm>> -> memref<1x32xf32, #tpu.memory_space<hbm>>
        %dma_start3A_138 = arith.constant 0 : i32
        %dma_start3A_139 = tpu.memref_slice %arg12[%while3A_128, %dma_start3A_138] : memref<64x32xf32, #tpu.memory_space<vmem>> -> memref<1x32xf32, #tpu.memory_space<vmem>>
        %dma_start3A_140 = arith.constant 0 : i32
        %dma_start3A_141 = tpu.memref_slice %arg4[%squeeze3A_133, %dma_start3A_140] : memref<16384x32xf32, #tpu.memory_space<hbm>> -> memref<1x32xf32, #tpu.memory_space<hbm>>
        tpu.enqueue_dma source(%dma_start3A_141 : memref<1x32xf32, #tpu.memory_space<hbm>>) target(%dma_start3A_139 : memref<1x32xf32, #tpu.memory_space<vmem>>) target_semaphore(%arg19 : memref<!tpu.dma_semaphore, #tpu.memory_space<semaphore_mem>>)
      }
      %while3A_98 = arith.constant 0 : i32
      %while3A_99 = arith.constant 0 : i32
      %while3A_100 = arith.subi %min3A_87, %while3A_99 : i32
      %while3A_101 = arith.addi %while3A_99, %while3A_100 : i32
      %while3A_102 = arith.constant 1 : i32
      %while3A_103 = arith.divsi %while3A_100, %while3A_102 : i32
      %while3A_104 = arith.muli %while3A_103, %while3A_102 : i32
      %while3A_105 = arith.addi %while3A_99, %while3A_104 : i32
      %while3A_106 = arith.constant 1 : i32
      scf.for %while3A_128 = %while3A_99 to %while3A_105 step %while3A_106  : i32 {
        %dma_wait3A_129 = arith.constant 0 : i32
        %dma_wait3A_130 = arith.constant 0 : i32
        %dma_wait3A_131 = tpu.memref_slice %arg12[%dma_wait3A_129, %dma_wait3A_130] : memref<64x32xf32, #tpu.memory_space<vmem>> -> memref<1x32xf32, #tpu.memory_space<vmem>>
        %dma_wait3A_132 = arith.constant 0 : i32
        %dma_wait3A_133 = arith.constant 0 : i32
        %dma_wait3A_134 = tpu.memref_slice %arg4[%dma_wait3A_132, %dma_wait3A_133] : memref<16384x32xf32, #tpu.memory_space<hbm>> -> memref<1x32xf32, #tpu.memory_space<hbm>>
        %dma_wait3A_135 = arith.constant 0 : i32
        %dma_wait3A_136 = arith.constant 0 : i32
        %dma_wait3A_137 = tpu.memref_slice %arg12[%dma_wait3A_135, %dma_wait3A_136] : memref<64x32xf32, #tpu.memory_space<vmem>> -> memref<1x32xf32, #tpu.memory_space<vmem>>
        %dma_wait3A_138 = arith.constant 0 : i32
        %dma_wait3A_139 = arith.constant 0 : i32
        %dma_wait3A_140 = tpu.memref_slice %arg4[%dma_wait3A_138, %dma_wait3A_139] : memref<16384x32xf32, #tpu.memory_space<hbm>> -> memref<1x32xf32, #tpu.memory_space<hbm>>
        tpu.wait_dma2 semaphore(%arg19 : memref<!tpu.dma_semaphore, #tpu.memory_space<semaphore_mem>>) src(%dma_wait3A_140 : memref<1x32xf32, #tpu.memory_space<hbm>>) dst(%dma_wait3A_137 : memref<1x32xf32, #tpu.memory_space<vmem>>)
      }
      %while3A_107 = arith.constant 1 : i32
      scf.for %while3A_128 = %while3A_105 to %while3A_101 step %while3A_107  : i32 {
        %dma_wait3A_129 = arith.constant 0 : i32
        %dma_wait3A_130 = arith.constant 0 : i32
        %dma_wait3A_131 = tpu.memref_slice %arg12[%dma_wait3A_129, %dma_wait3A_130] : memref<64x32xf32, #tpu.memory_space<vmem>> -> memref<1x32xf32, #tpu.memory_space<vmem>>
        %dma_wait3A_132 = arith.constant 0 : i32
        %dma_wait3A_133 = arith.constant 0 : i32
        %dma_wait3A_134 = tpu.memref_slice %arg4[%dma_wait3A_132, %dma_wait3A_133] : memref<16384x32xf32, #tpu.memory_space<hbm>> -> memref<1x32xf32, #tpu.memory_space<hbm>>
        %dma_wait3A_135 = arith.constant 0 : i32
        %dma_wait3A_136 = arith.constant 0 : i32
        %dma_wait3A_137 = tpu.memref_slice %arg12[%dma_wait3A_135, %dma_wait3A_136] : memref<64x32xf32, #tpu.memory_space<vmem>> -> memref<1x32xf32, #tpu.memory_space<vmem>>
        %dma_wait3A_138 = arith.constant 0 : i32
        %dma_wait3A_139 = arith.constant 0 : i32
        %dma_wait3A_140 = tpu.memref_slice %arg4[%dma_wait3A_138, %dma_wait3A_139] : memref<16384x32xf32, #tpu.memory_space<hbm>> -> memref<1x32xf32, #tpu.memory_space<hbm>>
        tpu.wait_dma2 semaphore(%arg19 : memref<!tpu.dma_semaphore, #tpu.memory_space<semaphore_mem>>) src(%dma_wait3A_140 : memref<1x32xf32, #tpu.memory_space<hbm>>) dst(%dma_wait3A_137 : memref<1x32xf32, #tpu.memory_space<vmem>>)
      }
      %while3A_108 = arith.constant 0 : i32
      %while3A_109 = arith.constant 0 : i32
      %while3A_110 = arith.subi %min3A_87, %while3A_109 : i32
      %while3A_111 = arith.addi %while3A_109, %while3A_110 : i32
      %while3A_112 = arith.constant 1 : i32
      %while3A_113 = arith.divsi %while3A_110, %while3A_112 : i32
      %while3A_114 = arith.muli %while3A_113, %while3A_112 : i32
      %while3A_115 = arith.addi %while3A_109, %while3A_114 : i32
      %while3A_116 = arith.constant 1 : i32
      scf.for %while3A_128 = %while3A_109 to %while3A_115 step %while3A_116  : i32 {
        %add3A_129 = arith.addi %mul3A_85, %while3A_128 : i32
        %get3A_130 = arith.index_cast %add3A_129 : i32 to index
        %get3A_131 = tpu.vector_load %arg10[%get3A_130] {strides = array<i32>} : memref<16400xi32, #tpu.memory_space<vmem>>, vector<16xi32>,
        %slice3A_132 = vector.extract_strided_slice %get3A_131 {offsets = [0], sizes = [1], strides = [1]} : vector<16xi32> to vector<1xi32>
        %squeeze3A_133 = vector.extract %slice3A_132[0] : i32 from vector<1xi32>
        %dma_start3A_134 = arith.constant 0 : i32
        %dma_start3A_135 = tpu.memref_slice %arg12[%while3A_128, %dma_start3A_134] : memref<64x32xf32, #tpu.memory_space<vmem>> -> memref<1x32xf32, #tpu.memory_space<vmem>>
        %dma_start3A_136 = arith.constant 0 : i32
        %dma_start3A_137 = tpu.memref_slice %arg6[%squeeze3A_133, %dma_start3A_136] : memref<1000000x32xf32, #tpu.memory_space<hbm>> -> memref<1x32xf32, #tpu.memory_space<hbm>>
        %dma_start3A_138 = arith.constant 0 : i32
        %dma_start3A_139 = tpu.memref_slice %arg6[%squeeze3A_133, %dma_start3A_138] : memref<1000000x32xf32, #tpu.memory_space<hbm>> -> memref<1x32xf32, #tpu.memory_space<hbm>>
        %dma_start3A_140 = arith.constant 0 : i32
        %dma_start3A_141 = tpu.memref_slice %arg12[%while3A_128, %dma_start3A_140] : memref<64x32xf32, #tpu.memory_space<vmem>> -> memref<1x32xf32, #tpu.memory_space<vmem>>
        tpu.enqueue_dma source(%dma_start3A_141 : memref<1x32xf32, #tpu.memory_space<vmem>>) target(%dma_start3A_139 : memref<1x32xf32, #tpu.memory_space<hbm>>) target_semaphore(%arg20 : memref<!tpu.dma_semaphore, #tpu.memory_space<semaphore_mem>>)
      }
      %while3A_117 = arith.constant 1 : i32
      scf.for %while3A_128 = %while3A_115 to %while3A_111 step %while3A_117  : i32 {
        %add3A_129 = arith.addi %mul3A_85, %while3A_128 : i32
        %get3A_130 = arith.index_cast %add3A_129 : i32 to index
        %get3A_131 = tpu.vector_load %arg10[%get3A_130] {strides = array<i32>} : memref<16400xi32, #tpu.memory_space<vmem>>, vector<16xi32>,
        %slice3A_132 = vector.extract_strided_slice %get3A_131 {offsets = [0], sizes = [1], strides = [1]} : vector<16xi32> to vector<1xi32>
        %squeeze3A_133 = vector.extract %slice3A_132[0] : i32 from vector<1xi32>
        %dma_start3A_134 = arith.constant 0 : i32
        %dma_start3A_135 = tpu.memref_slice %arg12[%while3A_128, %dma_start3A_134] : memref<64x32xf32, #tpu.memory_space<vmem>> -> memref<1x32xf32, #tpu.memory_space<vmem>>
        %dma_start3A_136 = arith.constant 0 : i32
        %dma_start3A_137 = tpu.memref_slice %arg6[%squeeze3A_133, %dma_start3A_136] : memref<1000000x32xf32, #tpu.memory_space<hbm>> -> memref<1x32xf32, #tpu.memory_space<hbm>>
        %dma_start3A_138 = arith.constant 0 : i32
        %dma_start3A_139 = tpu.memref_slice %arg6[%squeeze3A_133, %dma_start3A_138] : memref<1000000x32xf32, #tpu.memory_space<hbm>> -> memref<1x32xf32, #tpu.memory_space<hbm>>
        %dma_start3A_140 = arith.constant 0 : i32
        %dma_start3A_141 = tpu.memref_slice %arg12[%while3A_128, %dma_start3A_140] : memref<64x32xf32, #tpu.memory_space<vmem>> -> memref<1x32xf32, #tpu.memory_space<vmem>>
        tpu.enqueue_dma source(%dma_start3A_141 : memref<1x32xf32, #tpu.memory_space<vmem>>) target(%dma_start3A_139 : memref<1x32xf32, #tpu.memory_space<hbm>>) target_semaphore(%arg20 : memref<!tpu.dma_semaphore, #tpu.memory_space<semaphore_mem>>)
      }
      %while3A_118 = arith.constant 0 : i32
      %while3A_119 = arith.constant 0 : i32
      %while3A_120 = arith.subi %min3A_87, %while3A_119 : i32
      %while3A_121 = arith.addi %while3A_119, %while3A_120 : i32
      %while3A_122 = arith.constant 1 : i32
      %while3A_123 = arith.divsi %while3A_120, %while3A_122 : i32
      %while3A_124 = arith.muli %while3A_123, %while3A_122 : i32
      %while3A_125 = arith.addi %while3A_119, %while3A_124 : i32
      %while3A_126 = arith.constant 1 : i32
      scf.for %while3A_128 = %while3A_119 to %while3A_125 step %while3A_126  : i32 {
        %dma_wait3A_129 = arith.constant 0 : i32
        %dma_wait3A_130 = arith.constant 0 : i32
        %dma_wait3A_131 = tpu.memref_slice %arg12[%dma_wait3A_129, %dma_wait3A_130] : memref<64x32xf32, #tpu.memory_space<vmem>> -> memref<1x32xf32, #tpu.memory_space<vmem>>
        %dma_wait3A_132 = arith.constant 0 : i32
        %dma_wait3A_133 = arith.constant 0 : i32
        %dma_wait3A_134 = tpu.memref_slice %arg6[%dma_wait3A_132, %dma_wait3A_133] : memref<1000000x32xf32, #tpu.memory_space<hbm>> -> memref<1x32xf32, #tpu.memory_space<hbm>>
        %dma_wait3A_135 = arith.constant 0 : i32
        %dma_wait3A_136 = arith.constant 0 : i32
        %dma_wait3A_137 = tpu.memref_slice %arg6[%dma_wait3A_135, %dma_wait3A_136] : memref<1000000x32xf32, #tpu.memory_space<hbm>> -> memref<1x32xf32, #tpu.memory_space<hbm>>
        %dma_wait3A_138 = arith.constant 0 : i32
        %dma_wait3A_139 = arith.constant 0 : i32
        %dma_wait3A_140 = tpu.memref_slice %arg12[%dma_wait3A_138, %dma_wait3A_139] : memref<64x32xf32, #tpu.memory_space<vmem>> -> memref<1x32xf32, #tpu.memory_space<vmem>>
        tpu.wait_dma2 semaphore(%arg20 : memref<!tpu.dma_semaphore, #tpu.memory_space<semaphore_mem>>) src(%dma_wait3A_140 : memref<1x32xf32, #tpu.memory_space<vmem>>) dst(%dma_wait3A_137 : memref<1x32xf32, #tpu.memory_space<hbm>>)
      }
      %while3A_127 = arith.constant 1 : i32
      scf.for %while3A_128 = %while3A_125 to %while3A_121 step %while3A_127  : i32 {
        %dma_wait3A_129 = arith.constant 0 : i32
        %dma_wait3A_130 = arith.constant 0 : i32
        %dma_wait3A_131 = tpu.memref_slice %arg12[%dma_wait3A_129, %dma_wait3A_130] : memref<64x32xf32, #tpu.memory_space<vmem>> -> memref<1x32xf32, #tpu.memory_space<vmem>>
        %dma_wait3A_132 = arith.constant 0 : i32
        %dma_wait3A_133 = arith.constant 0 : i32
        %dma_wait3A_134 = tpu.memref_slice %arg6[%dma_wait3A_132, %dma_wait3A_133] : memref<1000000x32xf32, #tpu.memory_space<hbm>> -> memref<1x32xf32, #tpu.memory_space<hbm>>
        %dma_wait3A_135 = arith.constant 0 : i32
        %dma_wait3A_136 = arith.constant 0 : i32
        %dma_wait3A_137 = tpu.memref_slice %arg6[%dma_wait3A_135, %dma_wait3A_136] : memref<1000000x32xf32, #tpu.memory_space<hbm>> -> memref<1x32xf32, #tpu.memory_space<hbm>>
        %dma_wait3A_138 = arith.constant 0 : i32
        %dma_wait3A_139 = arith.constant 0 : i32
        %dma_wait3A_140 = tpu.memref_slice %arg12[%dma_wait3A_138, %dma_wait3A_139] : memref<64x32xf32, #tpu.memory_space<vmem>> -> memref<1x32xf32, #tpu.memory_space<vmem>>
        tpu.wait_dma2 semaphore(%arg20 : memref<!tpu.dma_semaphore, #tpu.memory_space<semaphore_mem>>) src(%dma_wait3A_140 : memref<1x32xf32, #tpu.memory_space<vmem>>) dst(%dma_wait3A_137 : memref<1x32xf32, #tpu.memory_space<hbm>>)
      }
    }
    return
  }
}

</mosaic_0001>

<sc_bundles>
// kernel: kernel.3.cloned.1.call-start
scs
__scs_entry_jumppad:
0x0: {  	(pc) =	sbr.rel $0x88, $3  }
0x1: {  	(tag) =	ssettag $0x0;
	lr =	simm.s32 $0x1  }
0x2: {  	[smem:$0x3F9D] =	sst lr;
	_ =	strace $0xD0000000  }
0x3: {  	_ = 	snop  }
0x4: {  	_ = 	snop  }
0x5: {  	_ = 	snop  }
0x6: {  	_ = 	snop  }
0x7: {  	_ = 	snop  }
__scs_overlays_trampoline_lowered:
0x8: {  	[smem:$0x3FAC] =	sst s0  }
0x9: {  	[smem:$0x3FAD] =	sst s1  }
0xa: {  	[smem:$0x3FAE] =	sst s2  }
0xb: {  	[smem:$0x3FAF] =	sst s3  }
0xc: {  	[smem:$0x3FB0] =	sst s4  }
0xd: {  	[smem:$0x3FB1] =	sst s5  }
0xe: {  	[smem:$0x3FB2] =	sst s6  }
0xf: {  	[smem:$0x3FB3] =	sst s7  }
0x10: {  	[smem:$0x3FB4] =	sst s8  }
0x11: {  	[smem:$0x3FB5] =	sst s9;
	s0 =	simm.s32 @!p0 $0x0  }
0x12: {  	s1 =	sld [smem:$0x3F9B];
	s0 =	simm.s32 @p0 $0x1  }
0x13: {  	[smem:$0x3FB6] =	sst s0;
	s0 =	simm.s32 @!p1 $0x0  }
0x14: {  	s2 =	sld [smem:$0x3F9A];
	s0 =	simm.s32 @p1 $0x1  }
0x15: {  	[smem:$0x3FB7] =	sst s0;
	s0 =	simm.s32 @!p2 $0x0  }
0x16: {  	s3 =	sld [smem:$0x3FDB];
	s0 =	simm.s32 @p2 $0x1  }
0x17: {  	s4 =	simm.s32 $0x1BF5;
	[smem:$0x3FB9] =	sst s0  }
0x18: {  	s0 =	sld [smem:$0x3F9C];
	_ =	swait.ge [sflag:s4], $0x0  }
0x19: {  	s7 =	sld [smem:$0x3F9D]  }
0x1a: {  	s8 =	sadd.s32 $0xFFFFE003, lr  }
0x1b: {  	s9 =	sadd.s32 $0xFFFFFEF7, lr;
	s5 =	simm.s32 $0xFFFFFFFF;
	p2 =	slt.u32 s8, $0xFFFFF086  }
0x1c: {  	p1 =	slt.u32 s9, $0xF7A;
	s5 =	simm.s32 @!p2 $0x0  }
0x1d: {  	s5 =	simm.s32 @p1 $0x1;
	p0 =	seq.s32 s7, s2  }
0x1e: {  	s7 =	smul.u32 @!p0 $0xF7A, s2;
	p2 =	seq.s32 @!p0 s5, $0x0  }
0x1f: {  	s9 =	smul.u32 $0xF7A, s1;
	s8 =	simm.s32 @!p0 $0x1BF5;
	p2 =	por !p2, p0  }
0x20: {  	[sflag:s8] =	ssyncset.s32 @!p0 $0xFFFFF086;
	s6 =	sadd.s32 @!p0 s3, s7;
	s7 =	simm.s32 @!p0 $0x108  }
0x21: {  	s3 =	sadd.s32 s3, s9;
	s6 =	sadd.s32 @!p0 $0x88, s6;
	s7 =	simm.s32 @p2 $0x1082  }
0x22: {  	[simem:s7], [sflag:s8] =	dma.local @!p0 [hbm:s6], $0xF7A  }
0x23: {  	s9 =	sor.u32 $0xD0000000, s2;
	s6 =	simm.s32 $0x108;
	_ =	swait.ge @!p0 [sflag:s8], $0x0  }
0x24: {  	s3 =	sadd.s32 $0x88, s3;
	s6 =	simm.s32 @!p1 $0x1082;
	[sflag:s4] =	ssyncset.s32 $0xFFFFF086  }
0x25: {  	[simem:s6], [sflag:s4] =	dma.local [hbm:s3], $0xF7A  }
0x26: {  	[smem:$0x3F9D] =	sst s1;
	(tag) =	ssettag s2;
	_ =	strace s9  }
0x27: {  	s1 =	sld [smem:$0x3FAD]  }
0x28: {  	s2 =	sld [smem:$0x3FAE]  }
0x29: {  	s4 =	sld [smem:$0x3FB0]  }
0x2a: {  	p0 =	seq.s32 s5, $0x0;
	s5 =	sld [smem:$0x3FB1]  }
0x2b: {  	s6 =	sld [smem:$0x3FB2]  }
0x2c: {  	s7 =	sld [smem:$0x3FB3]  }
0x2d: {  	s3 =	simm.s32 $0x108;
	s8 =	sld [smem:$0x3FB4]  }
0x2e: {  	s3 =	simm.s32 @!p0 $0x1082;
	s9 =	sld [smem:$0x3FB5]  }
0x2f: {  	lr =	sadd.s32 s0, s3;
	s0 =	sld [smem:$0x3FAC]  }
0x30: {  	s3 =	sld [smem:$0x3FAF]  }
0x31: {  	[smem:$0x3FB8] =	sst s10  }
0x32: {  	s10 =	sld [smem:$0x3FB6];
	_ =	sdelay $0x3  }
0x33: {  	p0 =	seq.s32 s10, $0x1;
	s10 =	sld [smem:$0x3FB8];
	_ =	sdelay $0x3  }
0x34: {  	[smem:$0x3FB8] =	sst s10  }
0x35: {  	s10 =	sld [smem:$0x3FB7];
	_ =	sdelay $0x3  }
0x36: {  	p1 =	seq.s32 s10, $0x1;
	s10 =	sld [smem:$0x3FB8];
	_ =	sdelay $0x3  }
0x37: {  	[smem:$0x3FB8] =	sst s10  }
0x38: {  	s10 =	sld [smem:$0x3FB9]  }
0x39: {  	_ = 	snop;
	(pc) =	sbr.ind lr, $3  }
0x3a: {  	_ = 	snop  }
0x3b: {  	_ = 	snop  }
0x3c: {  	p2 =	seq.s32 s10, $0x1;
	s10 =	sld [smem:$0x3FB8]  }
0x3d: {  	_ =	shalt  }
0x3e: {  	_ =	shalt  }
0x3f: {  	_ =	shalt  }
0x40: {  	_ =	shalt  }
0x41: {  	_ =	shalt  }
0x42: {  	_ =	shalt  }
0x43: {  	_ =	shalt  }
0x44: {  	_ =	shalt  }
0x45: {  	_ =	shalt  }
0x46: {  	_ =	shalt  }
0x47: {  	_ =	shalt  }
0x48: {  	_ =	shalt  }
0x49: {  	_ =	shalt  }
0x4a: {  	_ =	shalt  }
0x4b: {  	_ =	shalt  }
0x4c: {  	_ =	shalt  }
0x4d: {  	_ =	shalt  }
0x4e: {  	_ =	shalt  }
0x4f: {  	_ =	shalt  }
0x50: {  	_ =	shalt  }
0x51: {  	_ =	shalt  }
0x52: {  	_ =	shalt  }
0x53: {  	_ =	shalt  }
0x54: {  	_ =	shalt  }
0x55: {  	_ =	shalt  }
0x56: {  	_ =	shalt  }
0x57: {  	_ =	shalt  }
0x58: {  	_ =	shalt  }
0x59: {  	_ =	shalt  }
0x5a: {  	_ =	shalt  }
0x5b: {  	_ =	shalt  }
0x5c: {  	_ =	shalt  }
0x5d: {  	_ =	shalt  }
0x5e: {  	_ =	shalt  }
0x5f: {  	_ =	shalt  }
0x60: {  	_ =	shalt  }
0x61: {  	_ =	shalt  }
0x62: {  	_ =	shalt  }
0x63: {  	_ =	shalt  }
0x64: {  	_ =	shalt  }
0x65: {  	_ =	shalt  }
0x66: {  	_ =	shalt  }
0x67: {  	_ =	shalt  }
0x68: {  	_ =	shalt  }
0x69: {  	_ =	shalt  }
0x6a: {  	_ =	shalt  }
0x6b: {  	_ =	shalt  }
0x6c: {  	_ =	shalt  }
0x6d: {  	_ =	shalt  }
0x6e: {  	_ =	shalt  }
0x6f: {  	_ =	shalt  }
0x70: {  	_ =	shalt  }
0x71: {  	_ =	shalt  }
0x72: {  	_ =	shalt  }
0x73: {  	_ =	shalt  }
0x74: {  	_ =	shalt  }
0x75: {  	_ =	shalt  }
0x76: {  	_ =	shalt  }
0x77: {  	_ =	shalt  }
0x78: {  	_ =	shalt  }
0x79: {  	_ =	shalt  }
0x7a: {  	_ =	shalt  }
0x7b: {  	_ =	shalt  }
0x7c: {  	_ =	shalt  }
0x7d: {  	_ =	shalt  }
0x7e: {  	_ =	shalt  }
0x7f: {  	_ =	shalt  }
0x80: {  	_ =	shalt  }
0x81: {  	_ =	shalt  }
0x82: {  	_ =	shalt  }
0x83: {  	_ =	shalt  }
0x84: {  	_ =	shalt  }
0x85: {  	_ =	shalt  }
0x86: {  	_ =	shalt  }
0x87: {  	_ =	shalt  }
.Lfunc_end0:
.L_simem_size_0:
called_computation_lowered:
.L_overlay_start_0:
0x88: {  	s2 =	sld [smem:$0x3FD9]  }
0x89: {  	s3 =	sld [smem:$0x3FFE];
	_ =	sdelay $0x1  }
0x8a: {  	s1 =	srdreg.scid  }
0x8b: {  	s0 =	sand.u32 $0x1, s1  }
0x8c: {  	s17 =	sshll.u32 s0, $0xA;
	s2 =	sadd.s32 s3, s2  }
0x8d: {  	s2 =	sadd.s32 s2, s17  }
0x8e: {  	[smem:$0x3FC4] =	sst s2  }
0x8f: {  	_ = 	snop  }
0x90: {  	s2 =	sld [smem:$0x3FC8]  }
0x91: {  	s18 =	sld [smem:$0x3FD0];
	(tm) =	ssettm $0x1  }
0x92: {  	s4 =	sld [smem:$0x3FFB];
	_ =	sdelay $0x3  }
0x93: {  	_ =	strace s4  }
0x94: {  	s4 =	sld [smem:$0x3FFC];
	_ =	sdelay $0x3  }
0x95: {  	_ =	strace s4  }
0x96: {  	s4 =	sld [smem:$0x3FFD];
	_ =	sdelay $0x3  }
0x97: {  	_ =	strace s4  }
0x98: {  	_ =	strace $0x8FFFFFFF  }
0x99: {  	s19 =	sld [smem:$0x3FDB];
	_ =	sdelay $0x1  }
0x9a: {  	s5 =	simm.s32 $_scs_section_size  }
0x9b: {  	s6 =	simm.s32 $_size__tile_overlayer_lowered;
	s7 =	simm.s32 $_tile_overlayer_lowered  }
0x9c: {  	s22 =	simm.s32 $0x1BFF;
	s21 =	sshll.u32 s7, $0x1;
	s4 =	sadd.s32 s5, s19  }
0x9d: {  	s8 =	simm.s32 $0x0;
	s20 =	sshll.u32 s6, $0x1;
	s6 =	sadd.s32 s21, s4  }
0x9e: {  	[timem:s8], [sflag:s22] =	dma.local [hbm:s6], s20  }
0x9f: {  	_ =	swait.ge [sflag:s22], s20  }
0xa0: {  	s5 =	ssub.s32 $0x0, s20;
	[sflag:s22] =	ssyncset.done $0x0  }
0xa1: {  	[sflag:s22] =	ssyncadd.s32 s5;
	_ =	sdelay $0x1  }
0xa2: {  	s23 =	simm.s32 $0x1B8B  }
0xa3: {  	_ =	swait.ge [sflag:s23], $0x1  }
0xa4: {  	[sflag:s23] =	ssyncset.done $0x0  }
0xa5: {  	s25 =	simm.s32 $0x1B8E;
	s24 =	sld [smem:$0x3FFE];
	[sflag:s23] =	ssyncadd.s32 $0xFFFFFFFF  }
0xa6: {  	s26 =	simm.s32 $execute0_lowered;
	[smem:$0x3FD2] =	sst s25  }
0xa7: {  	s6 =	sshll.u32 s26, $0x1;
	_ =	strace $0x80000046;
	[dreg:$0x1] =	wrdreg $0xFFFFFFFF  }
0xa8: {  	s28 =	simm.s32 $_size_execute0_lowered;
	s4 =	sadd.s32 s4, s6;
	[dreg:$0x0] =	wrdreg $0x0  }
0xa9: {  	s6 =	sshll.u32 s28, $0x1;
	[dreg:$0x2] =	wrdreg s4  }
0xaa: {  	[dreg:$0x3] =	wrdreg s6  }
0xab: {  	[dreg:$0x4] =	wrdreg $0xC0  }
0xac: {  	_ =	task [dreg:s8], $0x5FFFF  }
0xad: {  	[dreg:$0x1] =	wrdreg $0xFFFFFFFF  }
0xae: {  	[dreg:$0x0] =	wrdreg $0x60  }
0xaf: {  	[dreg:$0x2] =	wrdreg s24  }
0xb0: {  	[dreg:$0x3] =	wrdreg s2  }
0xb1: {  	[dreg:$0x4] =	wrdreg s18  }
0xb2: {  	[dreg:$0x5] =	wrdreg $0x9  }
0xb3: {  	_ =	task.clear_ibuf [dreg:s8], $0x6FFFF;
	_ =	strace $0x90000046  }
0xb4: {  	s29 =	simm.s32 $0x9;
	_ =	strace $0x80000048  }
0xb5: {  	_ =	swait.ge [sflag:s29], $0x1  }
0xb6: {  	[sflag:s29] =	ssyncadd.s32 $0xFFFFFFFF  }
0xb7: {  	_ =	strace $0x90000048  }
0xb8: {  	_ =	sfence  }
0xb9: {  	s30 =	sld [smem:$0x0];
	_ =	sdelay $0x2  }
0xba: {  	s31 =	sshll.u32 s1, $0xD;
	s1 =	sshrl.u32 s1, $0x2  }
0xbb: {  	s3 =	sand.u32 $0x4000, s31;
	s1 =	sadd.s32 s1, s30  }
0xbc: {  	s0 =	sor.u32 s3, s0;
	s1 =	sshll.u32 s1, $0x11  }
0xbd: {  	s0 =	sor.u32 s1, s0  }
0xbe: {  	s0 =	sadd.s32 $0x8F2B, s0  }
0xbf: {  	[sflag:s0] =	ssyncadd.remote.s32 $0x1  }
0xc0: {  	_ =	sfence.sel $0xFFFF  }
0xc1: {  	[dreg:$0x0] =	wrdreg $0xFFFFFFFF;
	(pc) =	sbr.abs _section_cstart, $3  }
0xc2: {  	[dreg:$0x1] =	wrdreg $0xFFFFFFFF  }
0xc3: {  	_ =	task.clear_ibuf [dreg:s8], $0x2FFFF;
	_ =	strace $0x9FFFFFFF  }
0xc4: {  	(tm) =	ssettm $0x7FFFFFFF  }
0xc5: {  	_ =	shalt  }
tec
execute0_lowered:
.L_overlay_start_1:
0x0: {  	(tag) =	ssettag $0x1  }
0x1: {  	s0 =	rddreg [dreg:$0x0]  }
0x2: {  	s3 =	rddreg [dreg:$0x2];
	s4 =	simm.s32 $0x0;
	s1 =	srdreg.scid  }
0x3: {  	s13 =	stileid.u32;
	s29 =	simm.s32 $0x7;
	s30 =	simm.s32 $0x1  }
0x4: {  	s31 =	simm.s32 $0x19E00;
	s28 =	simm.s32 $0xBC80;
	[smem:$0x7FF] =	sst s4  }
0x5: {  	s1 =	sand.u32 $0x1, s1;
	s2 =	sshll.u32 s13, $0x1;
	s6 =	sadd.s32 $0x400, s0  }
0x6: {  	s5 =	sadd.s32 $0x600, s0;
	s7 =	sadd.s32 $0xF42A00, s0;
	s21 =	sadd.s32 $0xF40600, s0  }
0x7: {  	s22 =	sadd.s32 $0x1E82A00, s0;
	_ =	strace $0x80000047;
	[dreg:$0x4] =	wrdreg s6  }
0x8: {  	s23 =	sadd.s32 $0xF40E00, s0;
	s24 =	smul.u32 $0xF4000, s13;
	[dreg:$0x6] =	wrdreg s21  }
0x9: {  	s25 =	sadd.s32 $0x1E83200, s0;
	s10 =	sadd.s32 $0xF41600, s0;
	[dreg:$0x7] =	wrdreg s22  }
0xa: {  	s15 =	smul.u32 $0x7A0000, s13;
	s16 =	sadd.s32 $0x1E83A00, s0;
	[dreg:$0x8] =	wrdreg s23  }
0xb: {  	s18 =	smul.u32 $0xF400, s13;
	s19 =	sadd.s32 $0xF41E00, s0;
	[dreg:$0xa] =	wrdreg s25  }
0xc: {  	s2 =	sor.u32 s1, s2;
	s26 =	smul.u32 $0x7A000, s1;
	[dreg:$0xc] =	wrdreg s10  }
0xd: {  	s20 =	ssub.s32 $0x2, s1;
	[dreg:$0xd] =	wrdreg s16;
	s17 =	smul.u32 $0x3D0000, s1  }
0xe: {  	s1 =	smul.u32 $0x7A00, s1;
	[dreg:$0xe] =	wrdreg s19;
	s21 =	sadd.s32 $0x1E84200, s0  }
0xf: {  	s22 =	sadd.s32 $0xF42600, s0;
	s0 =	sadd.s32 $0x1E84A00, s0;
	s10 =	simm.s32 $0x0  }
0x10: {  	s14 =	smul.u32 $0x7A00, s2;
	s8 =	sshrl.u32 s20, $0x1;
	[dreg:$0xf] =	wrdreg s21  }
0x11: {  	s9 =	smul.u32 $0x7A000, s2;
	p0 =	seq.s32 s2, $0x1F;
	[dreg:$0x10] =	wrdreg s22  }
0x12: {  	s12 =	sadd.s32 s24, s7;
	[dreg:$0x11] =	wrdreg s0;
	s0 =	simm.s32 $0x2  }
0x13: {  	s6 =	ssub.s32 s20, s8;
	s12 =	sadd.s32 s26, s12;
	s20 =	sadd.s32 s17, s15  }
0x14: {  	s1 =	sadd.s32 s1, s18;
	s8 =	simm.s32 $0x6;
	s9 =	sadd.s32 s5, s9  }
0x15: {  	s11 =	sadd.s32 $0x7A00, s14;
	s5 =	sadd.s32 s24, s5;
	s23 =	smax.u32 s6, $0x1  }
0x16: {  	s22 =	sadd.s32 $0x800, s12;
	s24 =	sshrl.u32 s20, $0x3;
	[dreg:$0x5] =	wrdreg s14  }
0x17: {  	s25 =	sor.u32 $0x70, s1;
	[dreg:$0x9] =	wrdreg s9;
	s11 =	simm.s32 @p0 $0xF4240  }
.Ltmp0:
0x18: {  	s16 =	sadd.s32 s26, s5;
	[dreg:$0x12] =	wrdreg s23;
	(pc) =	sbr.rel .LBB2_1-.Ltmp0, $4  }
0x19: {  	s23 =	sadd.s32 s24, s7;
	p0 =	sne.s32 s2, $0x1F;
	[dreg:$0x13] =	wrdreg s25  }
0x1a: {  	s26 =	sadd.s32 $0x7A70, s1;
	s2 =	simm.s32 $0x3;
	s1 =	simm.s32 $0x4  }
0x1b: {  	v1 =	vimm.s32 $0xFFFFFFFF;
	s25 =	simm.s32 $0xFD00;
	s5 =	simm.s32 $0x5;
	[dreg:$0xb] =	wrdreg s11  }
0x1c: {  	v2 =	vlaneseq.u32;
	v3 =	vimm.s32 $0x0;
	v0 =	vmov s14;
	s9 =	simm.s32 $0x4000;
	[dreg:$0x14] =	wrdreg s26;
	s26 =	simm.s32 $0x15E00  }
.LBB2_32:
0x1d: {  	s10 =	sadd.s32 $0x1, s10;
	s6 =	rddreg [dreg:$0x12]  }
0x1e: {  	p1 =	sne.s32 s10, s6  }
.Ltmp1:
0x1f: {  	_ = 	snop;
	(pc) =	sbr.rel @!p1 .LBB2_33-.Ltmp1, $1  }
0x20: {  	_ =	sdelay $0x3  }
.LBB2_1:
0x21: {  	s6 =	rddreg [dreg:$0x9]  }
0x22: {  	[tilespmem:s26], [sflag:$0x1] =	stream.linear.gather [hbm4b:s6+s4], $0x4000, $0x38;
	[tilespmem:$0x1DE00] =	vst v63  }
0x23: {  	s20 =	rddreg [dreg:$0x4];
	s11 =	simm.s32 $0x13D80  }
0x24: {  	[tilespmem:s11], [sflag:$0x7] =	stream.linear.gather [hbm4b:s20+s4], $0x1, $0x38;
	[tilespmem:$0x1DE00] =	vst v63  }
0x25: {  	_ =	swait.ge [sflag:s29], $0x1  }
0x26: {  	[sflag:s29] =	ssyncset.done $0x0  }
0x27: {  	[sflag:s29] =	ssyncadd.s32 $0xFFFFFFFF  }
0x28: {  	s21 =	rddreg [dreg:$0x1]  }
0x29: {  	[tilespmem:s4], [sflag:$0x7] =	stream.linear.gather [hbm4b:s21+s4], $0x4000, $0x38;
	[tilespmem:$0x1DE00] =	vst v63  }
0x2a: {  	_ =	swait.ge [sflag:s29], $0x4000  }
0x2b: {  	[sflag:s29] =	ssyncset.done $0x0  }
0x2c: {  	[sflag:s29] =	ssyncadd.s32 $0xFFFFC000  }
0x2d: {  	v4 =	vld [tilespmem:$0x13D80];
	_ =	sdelay $0x4  }
0x2e: {  	(v2sf) =	vpush v4, $0x0;
	_ =	sdelay $0xd  }
.Ltmp2:
0x2f: {  	_ = 	snop;
	(pc) =	sbr.rel .LBB2_2-.Ltmp2, $4  }
0x30: {  	s6 =	rddreg [dreg:$0xb];
	s24 =	spop (v2sf)  }
0x31: {  	s11 =	rddreg [dreg:$0x5];
	p1 =	seq.s32 s24, $0x0  }
0x32: {  	s12 =	simm.s32 $0xFFFFBF30;
	s14 =	simm.s32 $0x4100;
	s6 =	smov.u32 @p1 s11  }
0x33: {  	s15 =	simm.s32 $0x0;
	s17 =	simm.s32 $0xFFFFBF30;
	s11 =	simm.s32 $0xFFFFFFC3;
	v4 =	vmov s6  }
.LBB2_3:
0x34: {  	[tilespmem:s14+$0xFFFFFF00] =	vst v1  }
0x35: {  	[tilespmem:s14+$0xFFFFFF10] =	vst v1  }
0x36: {  	[tilespmem:s14+$0xFFFFFF20] =	vst v1  }
0x37: {  	[tilespmem:s14+$0xFFFFFF30] =	vst v1  }
0x38: {  	[tilespmem:s14+$0xFFFFFF40] =	vst v1  }
0x39: {  	[tilespmem:s14+$0xFFFFFF50] =	vst v1  }
0x3a: {  	[tilespmem:s14+$0xFFFFFF60] =	vst v1  }
0x3b: {  	[tilespmem:s14+$0xFFFFFF70] =	vst v1  }
0x3c: {  	[tilespmem:s14+$0xFFFFFF80] =	vst v1  }
0x3d: {  	[tilespmem:s14+$0xFFFFFF90] =	vst v1  }
0x3e: {  	[tilespmem:s14+$0xFFFFFFA0] =	vst v1  }
0x3f: {  	[tilespmem:s14+$0xFFFFFFB0] =	vst v1  }
0x40: {  	[tilespmem:s14+$0xFFFFFFC0] =	vst v1  }
0x41: {  	[tilespmem:s14+$0xFFFFFFD0] =	vst v1  }
0x42: {  	[tilespmem:s14+$0xFFFFFFE0] =	vst v1  }
0x43: {  	[tilespmem:s14+$0xFFFFFFF0] =	vst v1  }
0x44: {  	[tilespmem:s14+$0x0] =	vst v1  }
0x45: {  	[tilespmem:s14+$0x10] =	vst v1  }
0x46: {  	[tilespmem:s14+$0x20] =	vst v1  }
0x47: {  	[tilespmem:s14+$0x30] =	vst v1  }
0x48: {  	[tilespmem:s14+$0x40] =	vst v1  }
0x49: {  	[tilespmem:s14+$0x50] =	vst v1  }
0x4a: {  	[tilespmem:s14+$0x60] =	vst v1  }
0x4b: {  	[tilespmem:s14+$0x70] =	vst v1  }
0x4c: {  	[tilespmem:s14+$0x80] =	vst v1  }
0x4d: {  	[tilespmem:s14+$0x90] =	vst v1  }
0x4e: {  	[tilespmem:s14+$0xA0] =	vst v1  }
0x4f: {  	[tilespmem:s14+$0xB0] =	vst v1  }
0x50: {  	[tilespmem:s14+$0xC0] =	vst v1  }
0x51: {  	[tilespmem:s14+$0xD0] =	vst v1;
	p1 =	sne.s32 @!p0 s17, $0xFFFFFEF0  }
0x52: {  	[tilespmem:s14+$0xE0] =	vst v1;
	p1 =	por p1, p0  }
0x53: {  	[tilespmem:s14+$0xF0] =	vst v1;
	v5 =	vimm.s32 @!p1 $0xFFFFFFFF  }
0x54: {  	[tilespmem:$0xBA00] =	vst @!p1 v5  }
0x55: {  	[tilespmem:$0xBA10] =	vst @!p1 v5  }
0x56: {  	[tilespmem:$0xBA20] =	vst @!p1 v5  }
0x57: {  	[tilespmem:$0xBA30] =	vst @!p1 v5  }
0x58: {  	[tilespmem:$0xBA40] =	vst @!p1 v5  }
0x59: {  	[tilespmem:$0xBA50] =	vst @!p1 v5  }
0x5a: {  	[tilespmem:$0xBA60] =	vst @!p1 v5  }
0x5b: {  	[tilespmem:$0xBA70] =	vst @!p1 v5  }
0x5c: {  	[tilespmem:$0xBA80] =	vst @!p1 v5  }
0x5d: {  	[tilespmem:$0xBA90] =	vst @!p1 v5  }
0x5e: {  	[tilespmem:$0xBAA0] =	vst @!p1 v5  }
0x5f: {  	[tilespmem:$0xBAB0] =	vst @!p1 v5  }
0x60: {  	[tilespmem:$0xBAC0] =	vst @!p1 v5  }
0x61: {  	[tilespmem:$0xBAD0] =	vst @!p1 v5  }
0x62: {  	[tilespmem:$0xBAE0] =	vst @!p1 v5  }
0x63: {  	[tilespmem:$0xBAF0] =	vst @!p1 v5  }
0x64: {  	[tilespmem:$0xBB00] =	vst @!p1 v5  }
0x65: {  	[tilespmem:$0xBB10] =	vst @!p1 v5  }
0x66: {  	[tilespmem:$0xBB20] =	vst @!p1 v5  }
0x67: {  	[tilespmem:$0xBB30] =	vst @!p1 v5  }
0x68: {  	[tilespmem:$0xBB40] =	vst @!p1 v5  }
0x69: {  	[tilespmem:$0xBB50] =	vst @!p1 v5  }
0x6a: {  	[tilespmem:$0xBB60] =	vst @!p1 v5  }
0x6b: {  	[tilespmem:$0xBB70] =	vst @!p1 v5  }
0x6c: {  	[tilespmem:$0xBB80] =	vst @!p1 v5  }
0x6d: {  	[tilespmem:$0xBB90] =	vst @!p1 v5  }
0x6e: {  	[tilespmem:$0xBBA0] =	vst @!p1 v5  }
0x6f: {  	[tilespmem:$0xBBB0] =	vst @!p1 v5  }
0x70: {  	[tilespmem:$0xBBC0] =	vst @!p1 v5  }
0x71: {  	[tilespmem:$0xBBD0] =	vst @!p1 v5  }
0x72: {  	[tilespmem:$0xBBE0] =	vst @!p1 v5  }
0x73: {  	[tilespmem:$0xBBF0] =	vst @!p1 v5  }
0x74: {  	[tilespmem:$0xBC00] =	vst @!p1 v5  }
0x75: {  	[tilespmem:$0xBC10] =	vst @!p1 v5  }
0x76: {  	[tilespmem:$0xBC20] =	vst @!p1 v5  }
0x77: {  	[tilespmem:$0xBC30] =	vst @!p1 v5  }
.LBB2_6:
0x78: {  	s17 =	sadd.s32 $0x110, s17  }
0x79: {  	p1 =	sne.s32 s17, $0x40D0  }
.Ltmp3:
0x7a: {  	_ = 	snop;
	(pc) =	sbr.rel @!p1 .LBB2_7-.Ltmp3, $3  }
0x7b: {  	_ =	sdelay $0x1  }
0x7c: {  	s11 =	sadd.s32 $0x1, s11  }
0x7d: {  	s15 =	sadd.s32 $0x1000, s15;
	s14 =	sadd.s32 $0x200, s14;
	s12 =	sadd.s32 $0x110, s12  }
.LBB2_2:
0x7e: {  	_ =	swait.ge [sflag:s30], $0x4000  }
0x7f: {  	p1 =	seq.s32 s17, $0xFFFFBF30;
	[sflag:s30] =	ssyncset.done $0x0  }
0x80: {  	s6 =	simm.s32 @!p1 $0x4;
	[sflag:s30] =	ssyncadd.s32 $0xFFFFC000  }
0x81: {  	_ =	swait.ge @!p1 [sflag:s6], $0x4000  }
0x82: {  	s18 =	sadd.s32 s15, s16;
	[sflag:s6] =	ssyncset.done @!p1 $0x0  }
0x83: {  	s19 =	sadd.s32 $0x800, s18;
	[sflag:s6] =	ssyncadd.s32 @!p1 $0xFFFFC000  }
0x84: {  	[tilespmem:s31], [sflag:$0x2] =	stream.linear.gather [hbm4b:s19+s4], $0x4000, $0x38;
	[tilespmem:$0x1DE00] =	vst v63  }
0x85: {  	s20 =	sadd.s32 s15, s23  }
0x86: {  	[hbm4b:s20+s4] =	stream.linear.scatter [tilespmem:s26], [sflag:$0x3], $0x4000, $0x38;
	[tilespmem:$0x1DE00] =	vst v63  }
0x87: {  	_ =	swait.ge [sflag:s0], $0x4000  }
0x88: {  	p1 =	seq.s32 s17, $0x3FC0;
	[sflag:s0] =	ssyncset.done $0x0  }
0x89: {  	s6 =	simm.s32 @!p1 $0x3;
	[sflag:s0] =	ssyncadd.s32 $0xFFFFC000  }
0x8a: {  	_ =	swait.ge @!p1 [sflag:s6], $0x4000  }
0x8b: {  	[sflag:s6] =	ssyncset.done @!p1 $0x0  }
0x8c: {  	s21 =	sadd.s32 $0x3D, s11;
	[sflag:s6] =	ssyncadd.s32 @!p1 $0xFFFFC000;
	s6 =	sadd.s32 @!p1 s15, s16  }
0x8d: {  	s18 =	simm.s32 @!p1 $0x0;
	s19 =	simm.s32 @!p1 $0x15E00;
	s6 =	sadd.s32 @!p1 $0x1000, s6  }
0x8e: {  	[tilespmem:s19], [sflag:$0x1] =	stream.linear.gather @!p1 [hbm4b:s6+s18], $0x4000, $0x38;
	[tilespmem:$0x1DE00] =	vst v63  }
0x8f: {  	p1 =	sgt.u32 s21, $0x3C  }
.Ltmp4:
0x90: {  	_ = 	snop;
	(pc) =	sbr.rel @!p1 .LBB2_3-.Ltmp4, $3  }
0x91: {  	_ =	sdelay $0x1  }
0x92: {  	s24 =	sadd.s32 s15, s22  }
0x93: {  	[hbm4b:s24+s4] =	stream.linear.scatter [tilespmem:s31], [sflag:$0x4], $0x4000, $0x38;
	[tilespmem:$0x1DE00] =	vst v63  }
0x94: {  	v5 =	vld [tilespmem:s12+$0x0];
	_ =	sdelay $0x4  }
0x95: {  	vm0 =	vge.s32 v5, v0;
	vm1 =	vlt.s32 v5, v4;
	v6 =	vsub.s32 v5, v0  }
0x96: {  	v5 =	vand.u32 $0x7F, v5;
	vm0 =	vmand vm0, vm1;
	v6 =	vand.u32 $0xFFFFFF80, v6  }
0x97: {  	v5 =	vor.u32 v5, v6;
	_ =	sdelay $0x3  }
0x98: {  	v6 =	vor.u32 s17, v2  }
0x99: {  	[tilespmem:v5+s9+$0x0] =	vst.idx.msk vm0, v6  }
0x9a: {  	v5 =	vld [tilespmem:s12+$0x10];
	_ =	sdelay $0x4  }
0x9b: {  	vm10 =	vge.s32 v5, v0;
	vm11 =	vlt.s32 v5, v4;
	v6 =	vsub.s32 v5, v0  }
0x9c: {  	v5 =	vand.u32 $0x7F, v5;
	vm0 =	vmand vm10, vm11;
	v6 =	vand.u32 $0xFFFFFF80, v6  }
0x9d: {  	v5 =	vor.u32 v5, v6;
	_ =	sdelay $0x2  }
0x9e: {  	s6 =	sadd.s32 $0x10, s17  }
0x9f: {  	v6 =	vor.u32 s6, v2  }
0xa0: {  	[tilespmem:v5+s9+$0x0] =	vst.idx.msk vm0, v6  }
0xa1: {  	v5 =	vld [tilespmem:s12+$0x20];
	_ =	sdelay $0x4  }
0xa2: {  	vm12 =	vge.s32 v5, v0;
	vm13 =	vlt.s32 v5, v4;
	v6 =	vsub.s32 v5, v0  }
0xa3: {  	v5 =	vand.u32 $0x7F, v5;
	vm0 =	vmand vm12, vm13;
	v6 =	vand.u32 $0xFFFFFF80, v6  }
0xa4: {  	v5 =	vor.u32 v5, v6;
	_ =	sdelay $0x2  }
0xa5: {  	s21 =	sadd.s32 $0x20, s17  }
0xa6: {  	v6 =	vor.u32 s21, v2  }
0xa7: {  	[tilespmem:v5+s9+$0x0] =	vst.idx.msk vm0, v6  }
0xa8: {  	v5 =	vld [tilespmem:s12+$0x30];
	_ =	sdelay $0x4  }
0xa9: {  	vm14 =	vge.s32 v5, v0;
	vm15 =	vlt.s32 v5, v4;
	v6 =	vsub.s32 v5, v0  }
0xaa: {  	v5 =	vand.u32 $0x7F, v5;
	vm0 =	vmand vm14, vm15;
	v6 =	vand.u32 $0xFFFFFF80, v6  }
0xab: {  	p1 =	sgt.u32 s11, $0x3B;
	v5 =	vor.u32 v5, v6  }
.Ltmp5:
0xac: {  	_ = 	snop;
	(pc) =	sbr.rel @p1 .LBB2_6-.Ltmp5, $4  }
0xad: {  	_ = 	snop  }
0xae: {  	s24 =	sadd.s32 $0x30, s17  }
0xaf: {  	v6 =	vor.u32 s24, v2  }
0xb0: {  	[tilespmem:v5+s9+$0x0] =	vst.idx.msk vm0, v6  }
0xb1: {  	v5 =	vld [tilespmem:s12+$0x40];
	_ =	sdelay $0x4  }
0xb2: {  	vm0 =	vge.s32 v5, v0;
	vm1 =	vlt.s32 v5, v4;
	v6 =	vsub.s32 v5, v0  }
0xb3: {  	v5 =	vand.u32 $0x7F, v5;
	vm0 =	vmand vm0, vm1;
	v6 =	vand.u32 $0xFFFFFF80, v6  }
0xb4: {  	v5 =	vor.u32 v5, v6;
	_ =	sdelay $0x2  }
0xb5: {  	s6 =	sadd.s32 $0x40, s17  }
0xb6: {  	v6 =	vor.u32 s6, v2  }
0xb7: {  	[tilespmem:v5+s9+$0x0] =	vst.idx.msk vm0, v6  }
0xb8: {  	v5 =	vld [tilespmem:s12+$0x50];
	_ =	sdelay $0x4  }
0xb9: {  	vm4 =	vge.s32 v5, v0;
	vm5 =	vlt.s32 v5, v4;
	v6 =	vsub.s32 v5, v0  }
0xba: {  	v5 =	vand.u32 $0x7F, v5;
	vm0 =	vmand vm4, vm5;
	v6 =	vand.u32 $0xFFFFFF80, v6  }
0xbb: {  	v5 =	vor.u32 v5, v6;
	_ =	sdelay $0x2  }
0xbc: {  	s13 =	sadd.s32 $0x50, s17  }
0xbd: {  	v6 =	vor.u32 s13, v2  }
0xbe: {  	[tilespmem:v5+s9+$0x0] =	vst.idx.msk vm0, v6  }
0xbf: {  	v5 =	vld [tilespmem:s12+$0x60];
	_ =	sdelay $0x4  }
0xc0: {  	vm6 =	vge.s32 v5, v0;
	vm7 =	vlt.s32 v5, v4;
	v6 =	vsub.s32 v5, v0  }
0xc1: {  	v5 =	vand.u32 $0x7F, v5;
	vm0 =	vmand vm6, vm7;
	v6 =	vand.u32 $0xFFFFFF80, v6  }
0xc2: {  	v5 =	vor.u32 v5, v6;
	_ =	sdelay $0x2  }
0xc3: {  	s18 =	sadd.s32 $0x60, s17  }
0xc4: {  	v6 =	vor.u32 s18, v2  }
0xc5: {  	[tilespmem:v5+s9+$0x0] =	vst.idx.msk vm0, v6  }
0xc6: {  	v5 =	vld [tilespmem:s12+$0x70];
	_ =	sdelay $0x4  }
0xc7: {  	vm8 =	vge.s32 v5, v0;
	vm9 =	vlt.s32 v5, v4;
	v6 =	vsub.s32 v5, v0  }
0xc8: {  	v5 =	vand.u32 $0x7F, v5;
	vm0 =	vmand vm8, vm9;
	v6 =	vand.u32 $0xFFFFFF80, v6  }
0xc9: {  	v5 =	vor.u32 v5, v6;
	_ =	sdelay $0x2  }
0xca: {  	s19 =	sadd.s32 $0x70, s17  }
0xcb: {  	v6 =	vor.u32 s19, v2  }
0xcc: {  	[tilespmem:v5+s9+$0x0] =	vst.idx.msk vm0, v6  }
0xcd: {  	v5 =	vld [tilespmem:s12+$0x80];
	_ =	sdelay $0x4  }
0xce: {  	vm10 =	vge.s32 v5, v0;
	vm11 =	vlt.s32 v5, v4;
	v6 =	vsub.s32 v5, v0  }
0xcf: {  	v5 =	vand.u32 $0x7F, v5;
	vm0 =	vmand vm10, vm11;
	v6 =	vand.u32 $0xFFFFFF80, v6  }
0xd0: {  	v5 =	vor.u32 v5, v6;
	_ =	sdelay $0x2  }
0xd1: {  	s20 =	sadd.s32 $0x80, s17  }
0xd2: {  	v6 =	vor.u32 s20, v2  }
0xd3: {  	[tilespmem:v5+s9+$0x0] =	vst.idx.msk vm0, v6  }
0xd4: {  	v5 =	vld [tilespmem:s12+$0x90];
	_ =	sdelay $0x4  }
0xd5: {  	vm12 =	vge.s32 v5, v0;
	vm13 =	vlt.s32 v5, v4;
	v6 =	vsub.s32 v5, v0  }
0xd6: {  	v5 =	vand.u32 $0x7F, v5;
	vm0 =	vmand vm12, vm13;
	v6 =	vand.u32 $0xFFFFFF80, v6  }
0xd7: {  	v5 =	vor.u32 v5, v6;
	_ =	sdelay $0x2  }
0xd8: {  	s21 =	sadd.s32 $0x90, s17  }
0xd9: {  	v6 =	vor.u32 s21, v2  }
0xda: {  	[tilespmem:v5+s9+$0x0] =	vst.idx.msk vm0, v6  }
0xdb: {  	v5 =	vld [tilespmem:s12+$0xA0];
	_ =	sdelay $0x4  }
0xdc: {  	vm14 =	vge.s32 v5, v0;
	vm15 =	vlt.s32 v5, v4;
	v6 =	vsub.s32 v5, v0  }
0xdd: {  	v5 =	vand.u32 $0x7F, v5;
	vm0 =	vmand vm14, vm15;
	v6 =	vand.u32 $0xFFFFFF80, v6  }
0xde: {  	v5 =	vor.u32 v5, v6;
	_ =	sdelay $0x2  }
0xdf: {  	s24 =	sadd.s32 $0xA0, s17  }
0xe0: {  	v6 =	vor.u32 s24, v2  }
0xe1: {  	[tilespmem:v5+s9+$0x0] =	vst.idx.msk vm0, v6  }
0xe2: {  	v5 =	vld [tilespmem:s12+$0xB0];
	_ =	sdelay $0x4  }
0xe3: {  	vm4 =	vge.s32 v5, v0;
	vm5 =	vlt.s32 v5, v4;
	v6 =	vsub.s32 v5, v0  }
0xe4: {  	v5 =	vand.u32 $0x7F, v5;
	vm0 =	vmand vm4, vm5;
	v6 =	vand.u32 $0xFFFFFF80, v6  }
0xe5: {  	v5 =	vor.u32 v5, v6;
	_ =	sdelay $0x2  }
0xe6: {  	s13 =	sadd.s32 $0xB0, s17  }
0xe7: {  	v6 =	vor.u32 s13, v2  }
0xe8: {  	[tilespmem:v5+s9+$0x0] =	vst.idx.msk vm0, v6  }
0xe9: {  	v5 =	vld [tilespmem:s12+$0xC0];
	_ =	sdelay $0x4  }
0xea: {  	vm6 =	vge.s32 v5, v0;
	vm7 =	vlt.s32 v5, v4;
	v6 =	vsub.s32 v5, v0  }
0xeb: {  	v5 =	vand.u32 $0x7F, v5;
	vm0 =	vmand vm6, vm7;
	v6 =	vand.u32 $0xFFFFFF80, v6  }
0xec: {  	v5 =	vor.u32 v5, v6;
	_ =	sdelay $0x2  }
0xed: {  	s18 =	sadd.s32 $0xC0, s17  }
0xee: {  	v6 =	vor.u32 s18, v2  }
0xef: {  	[tilespmem:v5+s9+$0x0] =	vst.idx.msk vm0, v6  }
0xf0: {  	v5 =	vld [tilespmem:s12+$0xD0];
	_ =	sdelay $0x4  }
0xf1: {  	vm8 =	vge.s32 v5, v0;
	vm9 =	vlt.s32 v5, v4;
	v6 =	vsub.s32 v5, v0  }
0xf2: {  	v5 =	vand.u32 $0x7F, v5;
	vm0 =	vmand vm8, vm9;
	v6 =	vand.u32 $0xFFFFFF80, v6  }
0xf3: {  	v5 =	vor.u32 v5, v6;
	_ =	sdelay $0x2  }
0xf4: {  	s19 =	sadd.s32 $0xD0, s17  }
0xf5: {  	v6 =	vor.u32 s19, v2  }
0xf6: {  	[tilespmem:v5+s9+$0x0] =	vst.idx.msk vm0, v6  }
0xf7: {  	v5 =	vld [tilespmem:s12+$0xE0];
	_ =	sdelay $0x4  }
0xf8: {  	vm10 =	vge.s32 v5, v0;
	vm11 =	vlt.s32 v5, v4;
	v6 =	vsub.s32 v5, v0  }
0xf9: {  	v5 =	vand.u32 $0x7F, v5;
	vm0 =	vmand vm10, vm11;
	v6 =	vand.u32 $0xFFFFFF80, v6  }
0xfa: {  	v5 =	vor.u32 v5, v6;
	_ =	sdelay $0x2  }
0xfb: {  	s20 =	sadd.s32 $0xE0, s17  }
0xfc: {  	v6 =	vor.u32 s20, v2  }
0xfd: {  	[tilespmem:v5+s9+$0x0] =	vst.idx.msk vm0, v6  }
0xfe: {  	v5 =	vld [tilespmem:s12+$0xF0];
	_ =	sdelay $0x4  }
0xff: {  	vm12 =	vge.s32 v5, v0;
	vm13 =	vlt.s32 v5, v4;
	v6 =	vsub.s32 v5, v0  }
0x100: {  	v5 =	vand.u32 $0x7F, v5;
	vm0 =	vmand vm12, vm13;
	v6 =	vand.u32 $0xFFFFFF80, v6  }
0x101: {  	v5 =	vor.u32 v5, v6;
	_ =	sdelay $0x2  }
0x102: {  	s21 =	sadd.s32 $0xF0, s17  }
0x103: {  	v6 =	vor.u32 s21, v2  }
0x104: {  	[tilespmem:v5+s9+$0x0] =	vst.idx.msk vm0, v6  }
0x105: {  	v5 =	vld [tilespmem:s12+$0x100];
	_ =	sdelay $0x4  }
0x106: {  	vm14 =	vge.s32 v5, v0;
	vm15 =	vlt.s32 v5, v4;
	v6 =	vsub.s32 v5, v0  }
0x107: {  	v5 =	vand.u32 $0x7F, v5;
	vm0 =	vmand vm14, vm15;
	v6 =	vand.u32 $0xFFFFFF80, v6  }
0x108: {  	v5 =	vor.u32 v5, v6  }
.Ltmp6:
0x109: {  	_ = 	snop;
	(pc) =	sbr.rel .LBB2_6-.Ltmp6, $4  }
0x10a: {  	_ = 	snop  }
0x10b: {  	s24 =	sadd.s32 $0x100, s17  }
0x10c: {  	v6 =	vor.u32 s24, v2  }
0x10d: {  	[tilespmem:v5+s9+$0x0] =	vst.idx.msk vm0, v6  }
.LBB2_7:
0x10e: {  	_ =	swait.ge [sflag:s2], $0x4000  }
0x10f: {  	[sflag:s2] =	ssyncset.done $0x0  }
0x110: {  	[sflag:s2] =	ssyncadd.s32 $0xFFFFC000  }
0x111: {  	_ =	swait.ge [sflag:s1], $0x4000  }
0x112: {  	s6 =	simm.s32 @!p0 $0x0;
	[sflag:s1] =	ssyncset.done $0x0  }
0x113: {  	s11 =	simm.s32 @!p0 $0x15E00;
	s12 =	rddreg [dreg:$0x6];
	[sflag:s1] =	ssyncadd.s32 $0xFFFFC000  }
0x114: {  	[tilespmem:s11], [sflag:$0x7] =	stream.linear.gather @!p0 [hbm4b:s12+s6], $0x4000, $0x38;
	[tilespmem:$0x1DE00] =	vst v63  }
0x115: {  	s12 =	simm.s32 @!p0 $0x7  }
0x116: {  	_ =	swait.ge @!p0 [sflag:s12], $0x4000  }
0x117: {  	[sflag:s12] =	ssyncset.done @!p0 $0x0  }
0x118: {  	s13 =	rddreg [dreg:$0x7];
	[sflag:s12] =	ssyncadd.s32 @!p0 $0xFFFFC000  }
0x119: {  	[hbm4b:s13+s6] =	stream.linear.scatter @!p0 [tilespmem:s11], [sflag:$0x7], $0x4000, $0x38;
	[tilespmem:$0x1DE00] =	vst v63  }
0x11a: {  	_ =	swait.ge @!p0 [sflag:s12], $0x4000  }
0x11b: {  	[sflag:s12] =	ssyncset.done @!p0 $0x0  }
0x11c: {  	s13 =	rddreg [dreg:$0x8];
	[sflag:s12] =	ssyncadd.s32 @!p0 $0xFFFFC000  }
0x11d: {  	[tilespmem:s11], [sflag:$0x7] =	stream.linear.gather @!p0 [hbm4b:s13+s6], $0x4000, $0x38;
	[tilespmem:$0x1DE00] =	vst v63  }
0x11e: {  	_ =	swait.ge @!p0 [sflag:s12], $0x4000  }
0x11f: {  	[sflag:s12] =	ssyncset.done @!p0 $0x0  }
0x120: {  	s13 =	rddreg [dreg:$0xa];
	[sflag:s12] =	ssyncadd.s32 @!p0 $0xFFFFC000  }
0x121: {  	[hbm4b:s13+s6] =	stream.linear.scatter @!p0 [tilespmem:s11], [sflag:$0x7], $0x4000, $0x38;
	[tilespmem:$0x1DE00] =	vst v63  }
0x122: {  	_ =	swait.ge @!p0 [sflag:s12], $0x4000  }
0x123: {  	[sflag:s12] =	ssyncset.done @!p0 $0x0  }
0x124: {  	s13 =	rddreg [dreg:$0xc];
	[sflag:s12] =	ssyncadd.s32 @!p0 $0xFFFFC000  }
0x125: {  	[tilespmem:s11], [sflag:$0x7] =	stream.linear.gather @!p0 [hbm4b:s13+s6], $0x4000, $0x38;
	[tilespmem:$0x1DE00] =	vst v63  }
0x126: {  	_ =	swait.ge @!p0 [sflag:s12], $0x4000  }
0x127: {  	[sflag:s12] =	ssyncset.done @!p0 $0x0  }
0x128: {  	s13 =	rddreg [dreg:$0xd];
	[sflag:s12] =	ssyncadd.s32 @!p0 $0xFFFFC000  }
0x129: {  	[hbm4b:s13+s6] =	stream.linear.scatter @!p0 [tilespmem:s11], [sflag:$0x7], $0x4000, $0x38;
	[tilespmem:$0x1DE00] =	vst v63  }
0x12a: {  	_ =	swait.ge @!p0 [sflag:s12], $0x4000  }
0x12b: {  	[sflag:s12] =	ssyncset.done @!p0 $0x0  }
0x12c: {  	s13 =	rddreg [dreg:$0xe];
	[sflag:s12] =	ssyncadd.s32 @!p0 $0xFFFFC000  }
0x12d: {  	[tilespmem:s11], [sflag:$0x7] =	stream.linear.gather @!p0 [hbm4b:s13+s6], $0x4000, $0x38;
	[tilespmem:$0x1DE00] =	vst v63  }
0x12e: {  	_ =	swait.ge @!p0 [sflag:s12], $0x4000  }
0x12f: {  	[sflag:s12] =	ssyncset.done @!p0 $0x0  }
0x130: {  	s13 =	rddreg [dreg:$0xf];
	[sflag:s12] =	ssyncadd.s32 @!p0 $0xFFFFC000  }
0x131: {  	[hbm4b:s13+s6] =	stream.linear.scatter @!p0 [tilespmem:s11], [sflag:$0x7], $0x4000, $0x38;
	[tilespmem:$0x1DE00] =	vst v63  }
0x132: {  	_ =	swait.ge @!p0 [sflag:s12], $0x4000  }
0x133: {  	[sflag:s12] =	ssyncset.done @!p0 $0x0  }
0x134: {  	s13 =	rddreg [dreg:$0x10];
	[sflag:s12] =	ssyncadd.s32 @!p0 $0xFFFFC000  }
0x135: {  	[tilespmem:s11], [sflag:$0x7] =	stream.linear.gather @!p0 [hbm4b:s13+s6], $0x2000, $0x38;
	[tilespmem:$0x1DE00] =	vst v63  }
0x136: {  	_ =	swait.ge @!p0 [sflag:s12], $0x2000  }
0x137: {  	[sflag:s12] =	ssyncset.done @!p0 $0x0  }
0x138: {  	s13 =	rddreg [dreg:$0x11];
	[sflag:s12] =	ssyncadd.s32 @!p0 $0xFFFFE000  }
0x139: {  	[hbm4b:s13+s6] =	stream.linear.scatter @!p0 [tilespmem:s11], [sflag:$0x7], $0x2000, $0x38;
	[tilespmem:$0x1DE00] =	vst v63  }
0x13a: {  	_ =	swait.ge @!p0 [sflag:s12], $0x2000  }
0x13b: {  	s14 =	simm.s32 $0x4040;
	s11 =	simm.s32 $0x0;
	[sflag:s12] =	ssyncset.done @!p0 $0x0  }
0x13c: {  	s15 =	rddreg [dreg:$0x13];
	[sflag:s12] =	ssyncadd.s32 @!p0 $0xFFFFE000;
	s12 =	simm.s32 $0xFFFFFFF8  }
.LBB2_8:
0x13d: {  	v4 =	vld [tilespmem:s14+$0xFFFFFFC0];
	_ =	sdelay $0x4  }
0x13e: {  	vm0 =	vgt.s32 v4, $0xFFFFFFFF  }
0x13f: {  	v5 =	vsel vm0, $0x1, v3  }
0x140: {  	(xrf0) =	vadd.scan.msk.s32 $0xffff, v5;
	_ =	sdelay $0x2  }
0x141: {  	v5 =	vmov s11  }
0x142: {  	v5 =	vadd.s32 $0xFFFFFFFF, v5  }
0x143: {  	v5 =	vbroadcast v5, $0x0  }
0x144: {  	v6, _, _ =	vpop (xrf0)  }
0x145: {  	v5 =	vadd.s32 v6, v5;
	(v2sf) =	vpush v6, $0xF;
	_ =	sdelay $0x3  }
0x146: {  	s6 =	sadd.s32 $0xFFFFFF90, s15  }
0x147: {  	v50 =	vor.u32 s6, v2;
	[tilespmem:v5+s28+$0x0] =	vst.idx.msk vm0, v4  }
0x148: {  	[tilespmem:v5+s25+$0x0] =	vst.idx.msk vm0, v50  }
0x149: {  	v4 =	vld [tilespmem:s14+$0xFFFFFFD0];
	_ =	sdelay $0x4  }
0x14a: {  	vm9 =	vgt.s32 v4, $0xFFFFFFFF  }
0x14b: {  	v5 =	vsel vm9, $0x1, v3  }
0x14c: {  	(xrf0) =	vadd.scan.msk.s32 $0xffff, v5  }
0x14d: {  	s13 =	spop (v2sf)  }
0x14e: {  	s6 =	sadd.s32 s11, s13  }
0x14f: {  	v5 =	vmov s6  }
0x150: {  	v5 =	vadd.s32 $0xFFFFFFFF, v5  }
0x151: {  	v5 =	vbroadcast v5, $0x0  }
0x152: {  	v51, _, _ =	vpop (xrf0)  }
0x153: {  	v5 =	vadd.s32 v51, v5;
	(v2sf) =	vpush v51, $0xF;
	_ =	sdelay $0x3  }
0x154: {  	s17 =	sadd.s32 $0xFFFFFFA0, s15  }
0x155: {  	v52 =	vor.u32 s17, v2;
	[tilespmem:v5+s28+$0x0] =	vst.idx.msk vm9, v4  }
0x156: {  	[tilespmem:v5+s25+$0x0] =	vst.idx.msk vm9, v52  }
0x157: {  	v4 =	vld [tilespmem:s14+$0xFFFFFFE0];
	_ =	sdelay $0x4  }
0x158: {  	vm10 =	vgt.s32 v4, $0xFFFFFFFF  }
0x159: {  	v5 =	vsel vm10, $0x1, v3  }
0x15a: {  	(xrf0) =	vadd.scan.msk.s32 $0xffff, v5  }
0x15b: {  	s18 =	spop (v2sf)  }
0x15c: {  	s6 =	sadd.s32 s6, s18  }
0x15d: {  	v5 =	vmov s6  }
0x15e: {  	v5 =	vadd.s32 $0xFFFFFFFF, v5  }
0x15f: {  	v5 =	vbroadcast v5, $0x0  }
0x160: {  	v53, _, _ =	vpop (xrf0)  }
0x161: {  	v5 =	vadd.s32 v53, v5;
	(v2sf) =	vpush v53, $0xF;
	_ =	sdelay $0x3  }
0x162: {  	s19 =	sadd.s32 $0xFFFFFFB0, s15  }
0x163: {  	v54 =	vor.u32 s19, v2;
	[tilespmem:v5+s28+$0x0] =	vst.idx.msk vm10, v4  }
0x164: {  	[tilespmem:v5+s25+$0x0] =	vst.idx.msk vm10, v54  }
0x165: {  	v4 =	vld [tilespmem:s14+$0xFFFFFFF0];
	_ =	sdelay $0x4  }
0x166: {  	vm11 =	vgt.s32 v4, $0xFFFFFFFF  }
0x167: {  	v5 =	vsel vm11, $0x1, v3  }
0x168: {  	(xrf0) =	vadd.scan.msk.s32 $0xffff, v5  }
0x169: {  	s20 =	spop (v2sf)  }
0x16a: {  	s6 =	sadd.s32 s6, s20  }
0x16b: {  	v5 =	vmov s6  }
0x16c: {  	v5 =	vadd.s32 $0xFFFFFFFF, v5  }
0x16d: {  	v5 =	vbroadcast v5, $0x0  }
0x16e: {  	v55, _, _ =	vpop (xrf0)  }
0x16f: {  	v5 =	vadd.s32 v55, v5;
	(v2sf) =	vpush v55, $0xF;
	_ =	sdelay $0x3  }
0x170: {  	s21 =	sadd.s32 $0xFFFFFFC0, s15  }
0x171: {  	v56 =	vor.u32 s21, v2;
	[tilespmem:v5+s28+$0x0] =	vst.idx.msk vm11, v4  }
0x172: {  	[tilespmem:v5+s25+$0x0] =	vst.idx.msk vm11, v56  }
0x173: {  	v4 =	vld [tilespmem:s14+$0x0];
	_ =	sdelay $0x4  }
0x174: {  	vm12 =	vgt.s32 v4, $0xFFFFFFFF  }
0x175: {  	v5 =	vsel vm12, $0x1, v3  }
0x176: {  	(xrf0) =	vadd.scan.msk.s32 $0xffff, v5  }
0x177: {  	s24 =	spop (v2sf)  }
0x178: {  	s6 =	sadd.s32 s6, s24  }
0x179: {  	v5 =	vmov s6  }
0x17a: {  	v5 =	vadd.s32 $0xFFFFFFFF, v5  }
0x17b: {  	v5 =	vbroadcast v5, $0x0  }
0x17c: {  	v57, _, _ =	vpop (xrf0)  }
0x17d: {  	v5 =	vadd.s32 v57, v5;
	(v2sf) =	vpush v57, $0xF;
	_ =	sdelay $0x3  }
0x17e: {  	s13 =	sadd.s32 $0xFFFFFFD0, s15  }
0x17f: {  	v58 =	vor.u32 s13, v2;
	[tilespmem:v5+s28+$0x0] =	vst.idx.msk vm12, v4  }
0x180: {  	[tilespmem:v5+s25+$0x0] =	vst.idx.msk vm12, v58  }
0x181: {  	v4 =	vld [tilespmem:s14+$0x10];
	_ =	sdelay $0x4  }
0x182: {  	vm13 =	vgt.s32 v4, $0xFFFFFFFF  }
0x183: {  	v5 =	vsel vm13, $0x1, v3  }
0x184: {  	(xrf0) =	vadd.scan.msk.s32 $0xffff, v5  }
0x185: {  	s17 =	spop (v2sf)  }
0x186: {  	s6 =	sadd.s32 s6, s17  }
0x187: {  	v5 =	vmov s6  }
0x188: {  	v5 =	vadd.s32 $0xFFFFFFFF, v5  }
0x189: {  	v5 =	vbroadcast v5, $0x0  }
0x18a: {  	v59, _, _ =	vpop (xrf0)  }
0x18b: {  	v5 =	vadd.s32 v59, v5;
	(v2sf) =	vpush v59, $0xF;
	_ =	sdelay $0x3  }
0x18c: {  	s18 =	sadd.s32 $0xFFFFFFE0, s15  }
0x18d: {  	v60 =	vor.u32 s18, v2;
	[tilespmem:v5+s28+$0x0] =	vst.idx.msk vm13, v4  }
0x18e: {  	[tilespmem:v5+s25+$0x0] =	vst.idx.msk vm13, v60  }
0x18f: {  	v4 =	vld [tilespmem:s14+$0x20];
	_ =	sdelay $0x4  }
0x190: {  	vm14 =	vgt.s32 v4, $0xFFFFFFFF  }
0x191: {  	v5 =	vsel vm14, $0x1, v3  }
0x192: {  	(xrf0) =	vadd.scan.msk.s32 $0xffff, v5  }
0x193: {  	s19 =	spop (v2sf)  }
0x194: {  	s6 =	sadd.s32 s6, s19  }
0x195: {  	v5 =	vmov s6  }
0x196: {  	v5 =	vadd.s32 $0xFFFFFFFF, v5  }
0x197: {  	v5 =	vbroadcast v5, $0x0  }
0x198: {  	v61, _, _ =	vpop (xrf0)  }
0x199: {  	v5 =	vadd.s32 v61, v5;
	_ =	sdelay $0x3  }
0x19a: {  	s20 =	sadd.s32 $0xFFFFFFF0, s15  }
0x19b: {  	v7 =	vor.u32 s20, v2;
	[tilespmem:v5+s28+$0x0] =	vst.idx.msk vm14, v4  }
0x19c: {  	[tilespmem:v5+s25+$0x0] =	vst.idx.msk vm14, v7  }
0x19d: {  	v4 =	vld [tilespmem:s14+$0x30];
	_ =	sdelay $0x2  }
0x19e: {  	(v2sf) =	vpush v61, $0xF;
	_ =	sdelay $0x1  }
0x19f: {  	vm15 =	vgt.s32 v4, $0xFFFFFFFF  }
0x1a0: {  	v5 =	vsel vm15, $0x1, v3  }
0x1a1: {  	(xrf0) =	vadd.scan.msk.s32 $0xffff, v5;
	_ =	sdelay $0x5  }
0x1a2: {  	v5, _, _ =	vpop (xrf0)  }
0x1a3: {  	(v2sf) =	vpush v5, $0xF;
	_ =	sdelay $0x3  }
0x1a4: {  	s21 =	spop (v2sf)  }
0x1a5: {  	s6 =	sadd.s32 s6, s21  }
0x1a6: {  	v62 =	vmov s6  }
0x1a7: {  	v6 =	vadd.s32 $0xFFFFFFFF, v62  }
0x1a8: {  	v6 =	vbroadcast v6, $0x0;
	_ =	sdelay $0x1  }
0x1a9: {  	s12 =	sadd.s32 $0x8, s12;
	v5 =	vadd.s32 v5, v6  }
0x1aa: {  	p1 =	slt.u32 s12, $0x798  }
.Ltmp7:
0x1ab: {  	_ = 	snop;
	(pc) =	sbr.rel @p1 .LBB2_8-.Ltmp7, $3  }
0x1ac: {  	_ =	sdelay $0x1  }
0x1ad: {  	v63 =	vor.u32 s15, v2;
	[tilespmem:v5+s28+$0x0] =	vst.idx.msk vm15, v4;
	s24 =	spop (v2sf)  }
0x1ae: {  	s15 =	sadd.s32 $0x80, s15;
	s14 =	sadd.s32 $0x80, s14;
	[tilespmem:v5+s25+$0x0] =	vst.idx.msk vm15, v63;
	s11 =	sadd.s32 s6, s24  }
.Ltmp8:
0x1af: {  	(pc) =	sbr.rel @p0 .LBB2_13-.Ltmp8, $1  }
0x1b0: {  	_ =	sdelay $0x3  }
0x1b1: {  	s12 =	simm.s32 $0x798;
	s14 =	simm.s32 $0xBA70;
	s15 =	rddreg [dreg:$0x14]  }
.LBB2_11:
0x1b2: {  	v4 =	vld [tilespmem:s14+$0xFFFFFF90];
	_ =	sdelay $0x4  }
0x1b3: {  	vm0 =	vgt.s32 v4, $0xFFFFFFFF  }
0x1b4: {  	v5 =	vsel vm0, $0x1, v3  }
0x1b5: {  	(xrf0) =	vadd.scan.msk.s32 $0xffff, v5;
	_ =	sdelay $0x2  }
0x1b6: {  	v5 =	vmov s11  }
0x1b7: {  	v5 =	vadd.s32 $0xFFFFFFFF, v5  }
0x1b8: {  	v5 =	vbroadcast v5, $0x0  }
0x1b9: {  	v6, _, _ =	vpop (xrf0)  }
0x1ba: {  	v5 =	vadd.s32 v6, v5;
	(v2sf) =	vpush v6, $0xF;
	_ =	sdelay $0x3  }
0x1bb: {  	s6 =	sadd.s32 $0xFFFFFF90, s15  }
0x1bc: {  	v50 =	vor.u32 s6, v2;
	[tilespmem:v5+s28+$0x0] =	vst.idx.msk vm0, v4  }
0x1bd: {  	[tilespmem:v5+s25+$0x0] =	vst.idx.msk vm0, v50  }
0x1be: {  	v4 =	vld [tilespmem:s14+$0xFFFFFFA0];
	_ =	sdelay $0x4  }
0x1bf: {  	vm9 =	vgt.s32 v4, $0xFFFFFFFF  }
0x1c0: {  	v5 =	vsel vm9, $0x1, v3  }
0x1c1: {  	(xrf0) =	vadd.scan.msk.s32 $0xffff, v5  }
0x1c2: {  	s13 =	spop (v2sf)  }
0x1c3: {  	s6 =	sadd.s32 s11, s13  }
0x1c4: {  	v5 =	vmov s6  }
0x1c5: {  	v5 =	vadd.s32 $0xFFFFFFFF, v5  }
0x1c6: {  	v5 =	vbroadcast v5, $0x0  }
0x1c7: {  	v51, _, _ =	vpop (xrf0)  }
0x1c8: {  	v5 =	vadd.s32 v51, v5;
	(v2sf) =	vpush v51, $0xF;
	_ =	sdelay $0x3  }
0x1c9: {  	s17 =	sadd.s32 $0xFFFFFFA0, s15  }
0x1ca: {  	v52 =	vor.u32 s17, v2;
	[tilespmem:v5+s28+$0x0] =	vst.idx.msk vm9, v4  }
0x1cb: {  	[tilespmem:v5+s25+$0x0] =	vst.idx.msk vm9, v52  }
0x1cc: {  	v4 =	vld [tilespmem:s14+$0xFFFFFFB0];
	_ =	sdelay $0x4  }
0x1cd: {  	vm10 =	vgt.s32 v4, $0xFFFFFFFF  }
0x1ce: {  	v5 =	vsel vm10, $0x1, v3  }
0x1cf: {  	(xrf0) =	vadd.scan.msk.s32 $0xffff, v5  }
0x1d0: {  	s18 =	spop (v2sf)  }
0x1d1: {  	s6 =	sadd.s32 s6, s18  }
0x1d2: {  	v5 =	vmov s6  }
0x1d3: {  	v5 =	vadd.s32 $0xFFFFFFFF, v5  }
0x1d4: {  	v5 =	vbroadcast v5, $0x0  }
0x1d5: {  	v53, _, _ =	vpop (xrf0)  }
0x1d6: {  	v5 =	vadd.s32 v53, v5;
	(v2sf) =	vpush v53, $0xF;
	_ =	sdelay $0x3  }
0x1d7: {  	s19 =	sadd.s32 $0xFFFFFFB0, s15  }
0x1d8: {  	v54 =	vor.u32 s19, v2;
	[tilespmem:v5+s28+$0x0] =	vst.idx.msk vm10, v4  }
0x1d9: {  	[tilespmem:v5+s25+$0x0] =	vst.idx.msk vm10, v54  }
0x1da: {  	v4 =	vld [tilespmem:s14+$0xFFFFFFC0];
	_ =	sdelay $0x4  }
0x1db: {  	vm11 =	vgt.s32 v4, $0xFFFFFFFF  }
0x1dc: {  	v5 =	vsel vm11, $0x1, v3  }
0x1dd: {  	(xrf0) =	vadd.scan.msk.s32 $0xffff, v5  }
0x1de: {  	s20 =	spop (v2sf)  }
0x1df: {  	s6 =	sadd.s32 s6, s20  }
0x1e0: {  	v5 =	vmov s6  }
0x1e1: {  	v5 =	vadd.s32 $0xFFFFFFFF, v5  }
0x1e2: {  	v5 =	vbroadcast v5, $0x0  }
0x1e3: {  	v55, _, _ =	vpop (xrf0)  }
0x1e4: {  	v5 =	vadd.s32 v55, v5;
	(v2sf) =	vpush v55, $0xF;
	_ =	sdelay $0x3  }
0x1e5: {  	s21 =	sadd.s32 $0xFFFFFFC0, s15  }
0x1e6: {  	v56 =	vor.u32 s21, v2;
	[tilespmem:v5+s28+$0x0] =	vst.idx.msk vm11, v4  }
0x1e7: {  	[tilespmem:v5+s25+$0x0] =	vst.idx.msk vm11, v56  }
0x1e8: {  	v4 =	vld [tilespmem:s14+$0xFFFFFFD0];
	_ =	sdelay $0x4  }
0x1e9: {  	vm12 =	vgt.s32 v4, $0xFFFFFFFF  }
0x1ea: {  	v5 =	vsel vm12, $0x1, v3  }
0x1eb: {  	(xrf0) =	vadd.scan.msk.s32 $0xffff, v5  }
0x1ec: {  	s24 =	spop (v2sf)  }
0x1ed: {  	s6 =	sadd.s32 s6, s24  }
0x1ee: {  	v5 =	vmov s6  }
0x1ef: {  	v5 =	vadd.s32 $0xFFFFFFFF, v5  }
0x1f0: {  	v5 =	vbroadcast v5, $0x0  }
0x1f1: {  	v57, _, _ =	vpop (xrf0)  }
0x1f2: {  	v5 =	vadd.s32 v57, v5;
	(v2sf) =	vpush v57, $0xF;
	_ =	sdelay $0x3  }
0x1f3: {  	s13 =	sadd.s32 $0xFFFFFFD0, s15  }
0x1f4: {  	v58 =	vor.u32 s13, v2;
	[tilespmem:v5+s28+$0x0] =	vst.idx.msk vm12, v4  }
0x1f5: {  	[tilespmem:v5+s25+$0x0] =	vst.idx.msk vm12, v58  }
0x1f6: {  	v4 =	vld [tilespmem:s14+$0xFFFFFFE0];
	_ =	sdelay $0x4  }
0x1f7: {  	vm13 =	vgt.s32 v4, $0xFFFFFFFF  }
0x1f8: {  	v5 =	vsel vm13, $0x1, v3  }
0x1f9: {  	(xrf0) =	vadd.scan.msk.s32 $0xffff, v5  }
0x1fa: {  	s17 =	spop (v2sf)  }
0x1fb: {  	s6 =	sadd.s32 s6, s17  }
0x1fc: {  	v5 =	vmov s6  }
0x1fd: {  	v5 =	vadd.s32 $0xFFFFFFFF, v5  }
0x1fe: {  	v5 =	vbroadcast v5, $0x0  }
0x1ff: {  	v59, _, _ =	vpop (xrf0)  }
0x200: {  	v5 =	vadd.s32 v59, v5;
	(v2sf) =	vpush v59, $0xF;
	_ =	sdelay $0x3  }
0x201: {  	s18 =	sadd.s32 $0xFFFFFFE0, s15  }
0x202: {  	v60 =	vor.u32 s18, v2;
	[tilespmem:v5+s28+$0x0] =	vst.idx.msk vm13, v4  }
0x203: {  	[tilespmem:v5+s25+$0x0] =	vst.idx.msk vm13, v60  }
0x204: {  	v4 =	vld [tilespmem:s14+$0xFFFFFFF0];
	_ =	sdelay $0x4  }
0x205: {  	vm14 =	vgt.s32 v4, $0xFFFFFFFF  }
0x206: {  	v5 =	vsel vm14, $0x1, v3  }
0x207: {  	(xrf0) =	vadd.scan.msk.s32 $0xffff, v5  }
0x208: {  	s19 =	spop (v2sf)  }
0x209: {  	s6 =	sadd.s32 s6, s19  }
0x20a: {  	v5 =	vmov s6  }
0x20b: {  	v5 =	vadd.s32 $0xFFFFFFFF, v5  }
0x20c: {  	v5 =	vbroadcast v5, $0x0  }
0x20d: {  	v61, _, _ =	vpop (xrf0)  }
0x20e: {  	v5 =	vadd.s32 v61, v5;
	_ =	sdelay $0x3  }
0x20f: {  	s20 =	sadd.s32 $0xFFFFFFF0, s15  }
0x210: {  	v7 =	vor.u32 s20, v2;
	[tilespmem:v5+s28+$0x0] =	vst.idx.msk vm14, v4  }
0x211: {  	[tilespmem:v5+s25+$0x0] =	vst.idx.msk vm14, v7  }
0x212: {  	v4 =	vld [tilespmem:s14+$0x0];
	_ =	sdelay $0x2  }
0x213: {  	(v2sf) =	vpush v61, $0xF;
	_ =	sdelay $0x1  }
0x214: {  	vm15 =	vgt.s32 v4, $0xFFFFFFFF  }
0x215: {  	v5 =	vsel vm15, $0x1, v3  }
0x216: {  	(xrf0) =	vadd.scan.msk.s32 $0xffff, v5;
	_ =	sdelay $0x5  }
0x217: {  	v5, _, _ =	vpop (xrf0)  }
0x218: {  	(v2sf) =	vpush v5, $0xF;
	_ =	sdelay $0x3  }
0x219: {  	s21 =	spop (v2sf)  }
0x21a: {  	s6 =	sadd.s32 s6, s21  }
0x21b: {  	v62 =	vmov s6  }
0x21c: {  	v6 =	vadd.s32 $0xFFFFFFFF, v62  }
0x21d: {  	v6 =	vbroadcast v6, $0x0;
	_ =	sdelay $0x1  }
0x21e: {  	s12 =	sadd.s32 $0x8, s12;
	v5 =	vadd.s32 v5, v6  }
0x21f: {  	p1 =	slt.u32 s12, $0x7B8  }
.Ltmp9:
0x220: {  	_ = 	snop;
	(pc) =	sbr.rel @p1 .LBB2_11-.Ltmp9, $3  }
0x221: {  	_ =	sdelay $0x1  }
0x222: {  	v63 =	vor.u32 s15, v2;
	[tilespmem:v5+s28+$0x0] =	vst.idx.msk vm15, v4;
	s24 =	spop (v2sf)  }
0x223: {  	s15 =	sadd.s32 $0x80, s15;
	s14 =	sadd.s32 $0x80, s14;
	[tilespmem:v5+s25+$0x0] =	vst.idx.msk vm15, v63;
	s11 =	sadd.s32 s6, s24  }
0x224: {  	v4 =	vld [tilespmem:$0xBC00];
	_ =	sdelay $0x4  }
0x225: {  	vm0 =	vgt.s32 v4, $0xFFFFFFFF  }
0x226: {  	v5 =	vsel vm0, $0x1, v3  }
0x227: {  	(xrf0) =	vadd.scan.msk.s32 $0xffff, v5;
	_ =	sdelay $0x2  }
0x228: {  	v5 =	vmov s11  }
0x229: {  	v5 =	vadd.s32 $0xFFFFFFFF, v5  }
0x22a: {  	v5 =	vbroadcast v5, $0x0  }
0x22b: {  	v6, _, _ =	vpop (xrf0)  }
0x22c: {  	v5 =	vadd.s32 v6, v5;
	(v2sf) =	vpush v6, $0xF;
	_ =	sdelay $0x4  }
0x22d: {  	[tilespmem:v5+s28+$0x0] =	vst.idx.msk vm0, v4;
	v4 =	vor.u32 $0xF4200, v2  }
0x22e: {  	[tilespmem:v5+s25+$0x0] =	vst.idx.msk vm0, v4  }
0x22f: {  	v4 =	vld [tilespmem:$0xBC10];
	_ =	sdelay $0x4  }
0x230: {  	vm13 =	vgt.s32 v4, $0xFFFFFFFF  }
0x231: {  	v5 =	vsel vm13, $0x1, v3  }
0x232: {  	(xrf0) =	vadd.scan.msk.s32 $0xffff, v5  }
0x233: {  	s6 =	spop (v2sf)  }
0x234: {  	s6 =	sadd.s32 s11, s6  }
0x235: {  	v5 =	vmov s6  }
0x236: {  	v5 =	vadd.s32 $0xFFFFFFFF, v5  }
0x237: {  	v5 =	vbroadcast v5, $0x0  }
0x238: {  	v61, _, _ =	vpop (xrf0)  }
0x239: {  	v5 =	vadd.s32 v61, v5;
	(v2sf) =	vpush v61, $0xF;
	_ =	sdelay $0x4  }
0x23a: {  	[tilespmem:v5+s28+$0x0] =	vst.idx.msk vm13, v4;
	v4 =	vor.u32 $0xF4210, v2  }
0x23b: {  	[tilespmem:v5+s25+$0x0] =	vst.idx.msk vm13, v4  }
0x23c: {  	v4 =	vld [tilespmem:$0xBC20];
	_ =	sdelay $0x4  }
0x23d: {  	vm14 =	vgt.s32 v4, $0xFFFFFFFF  }
0x23e: {  	v5 =	vsel vm14, $0x1, v3  }
0x23f: {  	(xrf0) =	vadd.scan.msk.s32 $0xffff, v5  }
0x240: {  	s20 =	spop (v2sf)  }
0x241: {  	s6 =	sadd.s32 s6, s20  }
0x242: {  	v5 =	vmov s6  }
0x243: {  	v5 =	vadd.s32 $0xFFFFFFFF, v5  }
0x244: {  	v5 =	vbroadcast v5, $0x0  }
0x245: {  	v62, _, _ =	vpop (xrf0)  }
0x246: {  	v5 =	vadd.s32 v62, v5;
	_ =	sdelay $0x4  }
0x247: {  	[tilespmem:v5+s28+$0x0] =	vst.idx.msk vm14, v4;
	v4 =	vor.u32 $0xF4220, v2  }
0x248: {  	[tilespmem:v5+s25+$0x0] =	vst.idx.msk vm14, v4  }
0x249: {  	v4 =	vld [tilespmem:$0xBC30];
	_ =	sdelay $0x2  }
0x24a: {  	(v2sf) =	vpush v62, $0xF;
	_ =	sdelay $0x1  }
0x24b: {  	vm15 =	vgt.s32 v4, $0xFFFFFFFF  }
0x24c: {  	v5 =	vsel vm15, $0x1, v3  }
0x24d: {  	(xrf0) =	vadd.scan.msk.s32 $0xffff, v5;
	_ =	sdelay $0x5  }
0x24e: {  	v5, _, _ =	vpop (xrf0)  }
0x24f: {  	(v2sf) =	vpush v5, $0xF;
	_ =	sdelay $0x3  }
0x250: {  	s21 =	spop (v2sf)  }
0x251: {  	s6 =	sadd.s32 s6, s21  }
0x252: {  	v63 =	vmov s6  }
0x253: {  	v6 =	vadd.s32 $0xFFFFFFFF, v63  }
0x254: {  	v6 =	vbroadcast v6, $0x0;
	_ =	sdelay $0x1  }
0x255: {  	v5 =	vadd.s32 v5, v6;
	_ =	sdelay $0x4  }
0x256: {  	[tilespmem:v5+s28+$0x0] =	vst.idx.msk vm15, v4;
	v4 =	vor.u32 $0xF4230, v2;
	s24 =	spop (v2sf)  }
0x257: {  	[tilespmem:v5+s25+$0x0] =	vst.idx.msk vm15, v4;
	s11 =	sadd.s32 s6, s24  }
.LBB2_13:
0x258: {  	s6 =	sadd.s32 $0x3F, s11  }
0x259: {  	s12 =	sand.u32 $0x3F, s6  }
0x25a: {  	s14 =	sshra.s32 s6, $0x1F;
	p1 =	slt.s32 s6, $0x1;
	p2 =	sne.s32 s12, $0x0  }
0x25b: {  	s24 =	sshrl.u32 s14, $0x1A;
	p1 =	por !p1, !p2  }
0x25c: {  	s12 =	simm.s32 $0x1;
	s6 =	sadd.s32 s24, s6;
	p1 =	por !p1, !p1  }
0x25d: {  	s6 =	sshra.s32 s6, $0x6;
	s12 =	simm.s32 @!p1 $0x0  }
0x25e: {  	s12 =	ssub.s32 s6, s12  }
0x25f: {  	p1 =	slt.s32 s12, $0x1  }
.Ltmp10:
0x260: {  	_ = 	snop;
	(pc) =	sbr.rel @p1 .LBB2_32-.Ltmp10, $1  }
0x261: {  	_ =	sdelay $0x3  }
.Ltmp11:
0x262: {  	(pc) =	sbr.rel .LBB2_15-.Ltmp11, $3  }
0x263: {  	_ =	sdelay $0x1  }
0x264: {  	s14 =	simm.s32 $0x0  }
0x265: {  	s15 =	simm.s32 $0xBC80;
	s17 =	simm.s32 $0xFD00;
	s18 =	smov.u32 s11  }
.LBB2_30:
0x266: {  	[sflag:s8] =	ssyncadd.s32 $0xFFFFFF80  }
.LBB2_31:
0x267: {  	s14 =	sadd.s32 $0x1, s14  }
0x268: {  	p1 =	sne.s32 s14, s12  }
.Ltmp12:
0x269: {  	_ = 	snop;
	(pc) =	sbr.rel @!p1 .LBB2_32-.Ltmp12, $2  }
0x26a: {  	_ =	sdelay $0x2  }
0x26b: {  	s18 =	sadd.s32 $0xFFFFFFC0, s18;
	s15 =	sadd.s32 $0x40, s15;
	s17 =	sadd.s32 $0x40, s17  }
.LBB2_15:
0x26c: {  	s6 =	sshll.u32 s14, $0x6  }
0x26d: {  	p1 =	sgt.s32 s18, $0x1;
	s19 =	smov.u32 s18;
	s6 =	ssub.s32 s11, s6  }
0x26e: {  	s19 =	simm.s32 @!p1 $0x1;
	p1 =	slt.s32 s6, $0x1  }
.Ltmp13:
0x26f: {  	_ = 	snop;
	(pc) =	sbr.rel @p1 .LBB2_31-.Ltmp13, $2  }
0x270: {  	_ =	sdelay $0x2  }
0x271: {  	s20 =	simm.s32 $0x13E00;
	s19 =	smin.u32 s19, $0x40  }
0x272: {  	p2 =	sne.s32 s19, $0x1  }
.Ltmp14:
0x273: {  	_ = 	snop;
	(pc) =	sbr.rel @!p2 .LBB2_17-.Ltmp14, $2  }
0x274: {  	_ =	sdelay $0x2  }
0x275: {  	v4 =	vld [tilespmem:s15+$0x0];
	s6 =	sadd.s32 $0xFFFFFFFF, s19;
	p1 =	por $0x0, $0x0  }
0x276: {  	_ =	sdelay $0x3  }
0x277: {  	(v2sf) =	vpush v4, $0x0;
	_ =	sdelay $0xe  }
0x278: {  	p2 =	sne.s32 s6, $0x1;
	s21 =	spop (v2sf)  }
.Ltmp15:
0x279: {  	s21 =	sshll.u32 s21, $0x4;
	(pc) =	sbr.rel @!p2 .LBB2_19-.Ltmp15, $4  }
0x27a: {  	s21 =	sand.u32 $0x1FFFFFF0, s21  }
0x27b: {  	s24 =	sadd.s32 $0x1, s15;
	s21 =	sadd.s32 s3, s21  }
0x27c: {  	[tilespmem:s20], [sflag:$0x5] =	stream.linear.gather [hbm4b:s21+s4], $0x80, $0x38;
	[tilespmem:$0x1DE00] =	vst v63  }
0x27d: {  	s6 =	sadd.s32 $0xFFFFFFFF, s6;
	p1 =	por $0x1, $0x1;
	s21 =	simm.s32 $0x13E00;
	v4 =	vld [tilespmem:s24+$0x0]  }
.LBB2_20:
0x27e: {  	p2 =	sne.s32 s6, $0x1;
	_ =	sdelay $0x3  }
0x27f: {  	(v2sf) =	vpush v4, $0x0;
	_ =	sdelay $0xe  }
0x280: {  	s13 =	spop (v2sf)  }
.Ltmp16:
0x281: {  	s13 =	sshll.u32 s13, $0x4;
	(pc) =	sbr.rel @p2 .LBB2_20-.Ltmp16, $4  }
0x282: {  	s13 =	sand.u32 $0x1FFFFFF0, s13  }
0x283: {  	s24 =	sadd.s32 $0x1, s24;
	s21 =	sadd.s32 $0x80, s21;
	s13 =	sadd.s32 s3, s13  }
0x284: {  	[tilespmem:s21], [sflag:$0x5] =	stream.linear.gather [hbm4b:s13+s4], $0x80, $0x38;
	[tilespmem:$0x1DE00] =	vst v63  }
0x285: {  	s6 =	sadd.s32 $0xFFFFFFFF, s6;
	v4 =	vld [tilespmem:s24+$0x0]  }
.LBB2_21:
0x286: {  	_ =	sdelay $0x3  }
0x287: {  	(v2sf) =	vpush v4, $0x0;
	_ =	sdelay $0xe  }
0x288: {  	s6 =	spop (v2sf)  }
0x289: {  	s6 =	sshll.u32 s6, $0x4  }
0x28a: {  	s13 =	sadd.s32 @p1 $0x80, s21;
	s6 =	sand.u32 $0x1FFFFFF0, s6  }
0x28b: {  	s20 =	smov.u32 @p1 s13;
	s6 =	sadd.s32 s3, s6  }
0x28c: {  	[tilespmem:s20], [sflag:$0x5] =	stream.linear.gather [hbm4b:s6+s4], $0x80, $0x38;
	[tilespmem:$0x1DE00] =	vst v63  }
0x28d: {  	s6 =	smov.u32 s19  }
.LBB2_22:
0x28e: {  	p1 =	sne.s32 s6, $0x1  }
.Ltmp17:
0x28f: {  	_ = 	snop;
	(pc) =	sbr.rel @p1 .LBB2_22-.Ltmp17, $4  }
0x290: {  	_ = 	snop  }
0x291: {  	_ =	swait.ge [sflag:s5], $0x80  }
0x292: {  	[sflag:s5] =	ssyncset.done $0x0  }
0x293: {  	s6 =	sadd.s32 $0xFFFFFFFF, s6;
	[sflag:s5] =	ssyncadd.s32 $0xFFFFFF80  }
0x294: {  	p1 =	sne.s32 s19, $0x1  }
.Ltmp18:
0x295: {  	_ = 	snop;
	(pc) =	sbr.rel @!p1 .LBB2_24-.Ltmp18, $2  }
0x296: {  	_ =	sdelay $0x2  }
0x297: {  	s20 =	simm.s32 $0x13E00;
	v4 =	vld [tilespmem:s17+$0x0];
	s19 =	sadd.s32 $0xFFFFFFFF, s19;
	p2 =	por $0x0, $0x0  }
0x298: {  	_ =	sdelay $0x3  }
0x299: {  	(v2sf) =	vpush v4, $0x0;
	_ =	sdelay $0xe  }
0x29a: {  	p3 =	sne.s32 s19, $0x1;
	s6 =	spop (v2sf)  }
.Ltmp19:
0x29b: {  	s6 =	sshll.u32 s6, $0x4;
	(pc) =	sbr.rel @!p3 .LBB2_26-.Ltmp19, $4  }
0x29c: {  	s6 =	sand.u32 $0x1FFFFFF0, s6  }
0x29d: {  	s24 =	sadd.s32 $0x1, s17;
	s6 =	sadd.s32 s7, s6  }
0x29e: {  	[hbm4b:s6+s4] =	stream.linear.scatter [tilespmem:s20], [sflag:$0x6], $0x80, $0x38;
	[tilespmem:$0x1DE00] =	vst v63  }
0x29f: {  	p2 =	por $0x1, $0x1;
	s21 =	simm.s32 $0x13E00;
	s6 =	sadd.s32 $0xFFFFFFFF, s19;
	v4 =	vld [tilespmem:s24+$0x0]  }
.LBB2_27:
0x2a0: {  	p3 =	sne.s32 s6, $0x1;
	_ =	sdelay $0x3  }
0x2a1: {  	(v2sf) =	vpush v4, $0x0;
	_ =	sdelay $0xe  }
0x2a2: {  	s13 =	spop (v2sf)  }
.Ltmp20:
0x2a3: {  	s13 =	sshll.u32 s13, $0x4;
	(pc) =	sbr.rel @p3 .LBB2_27-.Ltmp20, $4  }
0x2a4: {  	s13 =	sand.u32 $0x1FFFFFF0, s13  }
0x2a5: {  	s24 =	sadd.s32 $0x1, s24;
	s21 =	sadd.s32 $0x80, s21;
	s13 =	sadd.s32 s7, s13  }
0x2a6: {  	[hbm4b:s13+s4] =	stream.linear.scatter [tilespmem:s21], [sflag:$0x6], $0x80, $0x38;
	[tilespmem:$0x1DE00] =	vst v63  }
0x2a7: {  	s6 =	sadd.s32 $0xFFFFFFFF, s6;
	v4 =	vld [tilespmem:s24+$0x0]  }
.LBB2_28:
0x2a8: {  	_ =	sdelay $0x3  }
0x2a9: {  	(v2sf) =	vpush v4, $0x0;
	_ =	sdelay $0xe  }
0x2aa: {  	s6 =	spop (v2sf)  }
0x2ab: {  	s6 =	sshll.u32 s6, $0x4  }
.Ltmp21:
0x2ac: {  	s13 =	sadd.s32 @p2 $0x80, s21;
	s6 =	sand.u32 $0x1FFFFFF0, s6;
	(pc) =	sbr.rel @!p1 .LBB2_30-.Ltmp21, $4  }
0x2ad: {  	s20 =	smov.u32 @p2 s13;
	s6 =	sadd.s32 s7, s6  }
0x2ae: {  	[hbm4b:s6+s4] =	stream.linear.scatter [tilespmem:s20], [sflag:$0x6], $0x80, $0x38;
	[tilespmem:$0x1DE00] =	vst v63  }
0x2af: {  	_ =	swait.ge [sflag:s8], $0x80  }
0x2b0: {  	[sflag:s8] =	ssyncset.done $0x0  }
.LBB2_29:
0x2b1: {  	p1 =	sne.s32 s19, $0x1;
	s19 =	sadd.s32 $0xFFFFFFFF, s19;
	[sflag:s8] =	ssyncadd.s32 $0xFFFFFF80  }
.Ltmp22:
0x2b2: {  	(pc) =	sbr.rel @p1 .LBB2_29-.Ltmp22, $3  }
0x2b3: {  	_ =	sdelay $0x1  }
0x2b4: {  	_ =	swait.ge [sflag:s8], $0x80  }
0x2b5: {  	[sflag:s8] =	ssyncset.done $0x0  }
.Ltmp23:
0x2b6: {  	_ = 	snop;
	(pc) =	sbr.rel .LBB2_30-.Ltmp23, $1  }
0x2b7: {  	_ =	sdelay $0x3  }
.LBB2_17:
.Ltmp24:
0x2b8: {  	(pc) =	sbr.rel .LBB2_21-.Ltmp24, $2  }
0x2b9: {  	_ =	sdelay $0x2  }
0x2ba: {  	s21 =	simm.s32 $0x13E00  }
.LBB2_24:
.Ltmp25:
0x2bb: {  	(pc) =	sbr.rel .LBB2_28-.Ltmp25, $2  }
0x2bc: {  	_ =	sdelay $0x2  }
0x2bd: {  	s21 =	simm.s32 $0x13E00  }
.LBB2_19:
.Ltmp26:
0x2be: {  	(pc) =	sbr.rel .LBB2_21-.Ltmp26, $2  }
0x2bf: {  	_ =	sdelay $0x2  }
0x2c0: {  	s21 =	simm.s32 $0x13E00  }
.LBB2_26:
.Ltmp27:
0x2c1: {  	(pc) =	sbr.rel .LBB2_28-.Ltmp27, $2  }
0x2c2: {  	_ =	sdelay $0x2  }
0x2c3: {  	s21 =	simm.s32 $0x13E00  }
.LBB2_33:
0x2c4: {  	_ =	sfence.sel $0x180000  }
0x2c5: {  	[bflag:$0x0] =	sbarrier.arrive $0xFFFF  }
0x2c6: {  	_ =	strace $0x90000047  }
0x2c7: {  	s0 =	stileid.u32;
	[bflag:$0x2] =	sbarrier.arrive $0xFFFF  }
0x2c8: {  	p0 =	sne.s32 s0, $0x0;
	s0 =	rddreg [dreg:$0x3]  }
0x2c9: {  	s0 =	sadd.s32 @!p0 $0x100000, s0  }
0x2ca: {  	[sflag:s0] =	ssyncadd.tile.s32 @!p0 $0x1;
	_ =	shalt  }
.Lfunc_end2:
_tile_overlayer_lowered:
.L_overlay_start_2:
0x2cb: {  	(tag) =	ssettag $0x2  }
0x2cc: {  	s0 =	rddreg [dreg:$0x0];
	s2 =	stileid.u32  }
0x2cd: {  	s1 =	rddreg [dreg:$0x1];
	p0 =	sne.s32 s2, $0x0  }
0x2ce: {  	s3 =	rddreg [dreg:$0x2];
	[bflag:$0x3] =	sbarrier.arrive $0xFFFF;
	s2 =	simm.s32 @!p0 $0x1C07  }
0x2cf: {  	[timem:s3], [sflag:s2] =	dma.local @!p0 [hbm:s0], s1  }
0x2d0: {  	s0 =	simm.s32 @!p0 $0x7  }
0x2d1: {  	_ =	swait.ge @!p0 [sflag:s0], s1  }
0x2d2: {  	s1 =	ssub.s32 @!p0 $0x0, s1;
	[sflag:s0] =	ssyncset.done @!p0 $0x0  }
0x2d3: {  	[sflag:s0] =	ssyncadd.s32 @!p0 s1  }
0x2d4: {  	[bflag:$0x3] =	sbarrier.arrive $0xFFFF  }
0x2d5: {  	_ =	shalt  }

</sc_bundles>
